<compile_context>
chip_gen: v7x
topology: tpu7x:2x2x1
jax: 0.10.2.dev20260603
libtpu: 0.0.44.dev20260713+nightly
codegen_flags: <defaults>
</compile_context>

<pallas_src>
import jax
import jax.numpy as jnp
from jax import lax
from jax.experimental import pallas as pl
from jax.experimental.pallas import tpu as pltpu
from jax.experimental.pallas import tpu_sc as plsc

BATCH = 1024
DIM = 128
NUM_OUTPUTS = 16384
MULT = NUM_OUTPUTS // BATCH
ROW = DIM * MULT
NW = 32
ROWS_PER_W = BATCH // NW
L = 16
EG = 4
NG = ROWS_PER_W // EG
EGW = EG * ROW
RT = ROW + L


def _body(zm_hbm, zv_hbm, x_hbm, eps_hbm, out_hbm,
          zm_a, sf_a, epsg, xa, xb, zrow, idxb, cntb, ebuf, oa, ob, hist,
          rtab, sem_e, sem_xa, sem_xb, sem_oa, sem_ob):
    wid = lax.axis_index("s") * 2 + lax.axis_index("c")
    base = wid * ROWS_PER_W

    zeros = jnp.zeros((L,), jnp.float32)
    izeros = jnp.zeros((L,), jnp.int32)
    iones = jnp.full((L,), 1, jnp.int32)
    xrefs = (xa, xb)
    sem_x = (sem_xa, sem_xb)
    orefs = (oa, ob)
    sem_o = (sem_oa, sem_ob)

    pltpu.async_copy(zm_hbm.at[pl.ds(base * DIM, ROWS_PER_W * DIM)], zm_a,
                     sem_oa)
    pltpu.async_copy(zv_hbm.at[pl.ds(base * DIM, ROWS_PER_W * DIM)], sf_a,
                     sem_oa)

    @plsc.parallel_loop(0, NUM_OUTPUTS, step=L, unroll=8)
    def _clear(off):
        hist[pl.ds(off, L)] = izeros

    lanes = lax.iota(jnp.int32, L).astype(jnp.float32)

    @plsc.parallel_loop(0, RT, step=L, unroll=8)
    def _rt(off):
        c = jnp.full((L,), off, jnp.int32).astype(jnp.float32) + lanes
        rtab[pl.ds(off, L)] = 1.0 / c

    pltpu.make_async_copy(zm_hbm.at[pl.ds(0, ROWS_PER_W * DIM)], zm_a,
                          sem_oa).wait()
    pltpu.make_async_copy(zv_hbm.at[pl.ds(0, ROWS_PER_W * DIM)], sf_a,
                          sem_oa).wait()

    @plsc.parallel_loop(0, ROWS_PER_W * DIM, step=L, unroll=8)
    def _sf(off):
        sl = pl.ds(off, L)
        sf_a[sl] = jnp.exp(0.5 * sf_a[sl])

    def _start_eps(g):
        pltpu.async_copy(eps_hbm.at[pl.ds((base + g * EG) * ROW, EGW)],
                         epsg.at[pl.ds(lax.rem(g, 2) * EGW, EGW)], sem_e)

    def _drain_eps():
        pltpu.make_async_copy(eps_hbm.at[pl.ds(0, EGW)],
                              epsg.at[pl.ds(0, EGW)], sem_e).wait()

    def _start_x(r, q):
        pltpu.async_copy(x_hbm.at[r], xrefs[q], sem_x[q])

    def _drain_x(q):
        pltpu.make_async_copy(x_hbm.at[0], xrefs[q], sem_x[q]).wait()

    def _drain_out(q):
        pltpu.make_async_copy(orefs[q], out_hbm.at[0], sem_o[q]).wait()

    _start_eps(0)
    _start_x(base, 0)

    def _row(r, j, q, out_pending):
        xr = xrefs[q]
        orow = orefs[q]
        zm_base = j * DIM
        eps_base = lax.rem(j, 2 * EG) * ROW

        @plsc.parallel_loop(
            0, ROW, step=L, unroll=16,
            carry=(jnp.full((L,), jnp.inf, jnp.float32),
                   jnp.full((L,), -jnp.inf, jnp.float32)))
        def _pa(off, carry):
            mn, mx = carry
            dsl = pl.ds(zm_base + lax.rem(off, DIM), L)
            z = zm_a[dsl] + sf_a[dsl] * epsg[pl.ds(eps_base + off, L)]
            zrow[pl.ds(off, L)] = z
            return jnp.minimum(mn, z), jnp.maximum(mx, z)
        minv, maxv = _pa
        mn = jnp.min(minv)
        rng = jnp.maximum(jnp.max(maxv) - mn, 1e-12)
        scale = float(NUM_OUTPUTS) / jnp.full((L,), rng, jnp.float32)

        @plsc.parallel_loop(0, ROW, step=L, unroll=16)
        def _pb(off):
            sl = pl.ds(off, L)
            t = (zrow[sl] - mn) * scale
            ix = jnp.minimum(t.astype(jnp.int32), NUM_OUTPUTS - 1)
            idxb[sl] = ix
            plsc.addupdate_scatter(hist, [ix], iones)

        @plsc.parallel_loop(0, ROW, step=L, unroll=16, carry=izeros)
        def _pc(off, mxc):
            sl = pl.ds(off, L)
            cg = plsc.load_gather(hist, [idxb[sl]])
            cntb[sl] = cg
            return jnp.maximum(mxc, cg)
        mf = jnp.full((L,), jnp.max(_pc), jnp.int32).astype(jnp.float32)
        emv = jnp.exp(-mf)

        @plsc.parallel_loop(0, ROW, step=L, unroll=16, carry=zeros)
        def _pd(off, sv):
            sl = pl.ds(off, L)
            cg = cntb[sl]
            e = jnp.exp(cg.astype(jnp.float32) - mf)
            rc = plsc.load_gather(rtab, [cg])
            ebuf[sl] = e
            plsc.store_scatter(hist, [idxb[sl]], izeros)
            return sv + (e - emv) * rc
        denom = float(NUM_OUTPUTS) * emv + jnp.sum(_pd)
        s0 = float(MULT) * emv / denom
        tmul = float(MULT) / denom

        @pl.when(out_pending)
        def _():
            _drain_out(q)

        @plsc.parallel_loop(0, NUM_OUTPUTS, step=L, unroll=16)
        def _pe(off):
            sl = pl.ds(off, L)
            orow[sl] = xr[sl] * s0

        @plsc.parallel_loop(0, ROW, step=L, unroll=16)
        def _pf(off):
            sl = pl.ds(off, L)
            ix = idxb[sl]
            xg = plsc.load_gather(xr, [ix])
            plsc.store_scatter(orow, [ix], xg * ebuf[sl] * tmul)

        pltpu.async_copy(orow, out_hbm.at[r], sem_o[q])

    def _pair(g, _):
        r0 = base + 2 * g
        j0 = 2 * g

        @pl.when(lax.rem(j0, EG) == 0)
        def _():
            _drain_eps()

            @pl.when(j0 // EG < NG - 1)
            def _():
                _start_eps(j0 // EG + 1)

        _drain_x(0)
        _start_x(r0 + 1, 1)
        _row(r0, j0, 0, g > 0)
        _drain_x(1)

        @pl.when(g < ROWS_PER_W // 2 - 1)
        def _():
            _start_x(r0 + 2, 0)
        _row(r0 + 1, j0 + 1, 1, g > 0)
        return 0

    lax.fori_loop(0, ROWS_PER_W // 2, _pair, 0)
    _drain_out(0)
    _drain_out(1)


@jax.jit
def kernel(z_mean, z_var, x, epsilon):
    mesh = plsc.VectorSubcoreMesh(core_axis_name="c", subcore_axis_name="s",
                                  num_cores=2, num_subcores=16)
    run = pl.kernel(
        _body,
        out_type=jax.ShapeDtypeStruct((BATCH, NUM_OUTPUTS), jnp.float32),
        mesh=mesh,
        scratch_types=[
            pltpu.VMEM((ROWS_PER_W * DIM,), jnp.float32),
            pltpu.VMEM((ROWS_PER_W * DIM,), jnp.float32),
            pltpu.VMEM((2 * EGW,), jnp.float32),
            pltpu.VMEM((NUM_OUTPUTS,), jnp.float32),
            pltpu.VMEM((NUM_OUTPUTS,), jnp.float32),
            pltpu.VMEM((ROW,), jnp.float32),
            pltpu.VMEM((ROW,), jnp.int32),
            pltpu.VMEM((ROW,), jnp.int32),
            pltpu.VMEM((ROW,), jnp.float32),
            pltpu.VMEM((NUM_OUTPUTS,), jnp.float32),
            pltpu.VMEM((NUM_OUTPUTS,), jnp.float32),
            pltpu.VMEM((NUM_OUTPUTS,), jnp.int32),
            pltpu.VMEM((RT,), jnp.float32),
            pltpu.SemaphoreType.DMA,
            pltpu.SemaphoreType.DMA,
            pltpu.SemaphoreType.DMA,
            pltpu.SemaphoreType.DMA,
            pltpu.SemaphoreType.DMA,
        ],
        compiler_params=pltpu.CompilerParams(needs_layout_passes=False),
        name="prob_dropout_sc",
    )
    return run(z_mean.reshape(-1), z_var.reshape(-1), x, epsilon.reshape(-1))

# --- scband reference (transcript-rebuilt; emitter-appended) ---
"""Pipeline reference for scband-probability-dropout-10471130268488 (READ-ONLY COPY).

The authoritative reference and input builder live on the scoring server;
editing this copy changes nothing except your own understanding.
"""

import jax, jax.numpy as jnp
import numpy as np

BATCH = 1024
DIM = 128
NUM_OUTPUTS = 16384
MULTIPLIER = NUM_OUTPUTS // BATCH


def setup_inputs(seed: int = 0) -> dict:
    key = jax.random.key(seed)
    k1, k2, k3, k4 = jax.random.split(key, 4)
    z_mean = jax.random.normal(k1, (BATCH, DIM), dtype=jnp.float32)
    z_var = jax.random.normal(k2, (BATCH, DIM), dtype=jnp.float32) * 0.1
    x = jax.random.normal(k3, (BATCH, NUM_OUTPUTS), dtype=jnp.float32)
    # epsilon is the reparameterization noise generated internally by the
    # original layer (K.random_normal); materialized here for determinism.
    epsilon = jax.random.normal(k4, (BATCH * MULTIPLIER, DIM), dtype=jnp.float32)
    return {"z_mean": z_mean, "z_var": z_var, "x": x, "epsilon": epsilon}


def reference(z_mean, z_var, x, epsilon):
    # Faithful port of ProbabilityDropout.call with training=True.
    batch, dim = z_mean.shape
    num_outputs = x.shape[-1]
    multiplier = num_outputs // batch
    zm = jnp.repeat(z_mean, multiplier, axis=0)
    zv = jnp.repeat(z_var, multiplier, axis=0)
    z = zm + jnp.exp(0.5 * zv) * epsilon
    z = jnp.reshape(z, (batch, dim * multiplier))

    def dropprob(p):
        p_min = jnp.min(p)
        p_max = jnp.max(p)
        rng = jnp.maximum(p_max - p_min, 1e-12)
        # tf.histogram_fixed_width semantics: clamp bin index to [0, nbins-1]
        idx = jnp.clip(
            jnp.floor((p - p_min) / rng * num_outputs).astype(jnp.int32),
            0,
            num_outputs - 1,
        )
        hist = jnp.zeros((num_outputs,), dtype=jnp.float32).at[idx].add(1.0)
        return jax.nn.softmax(hist)

    # histogram output is integer-valued in TF and has no registered gradient,
    # so z is treated as non-differentiable through the histogram path.
    probs = jax.vmap(dropprob)(jax.lax.stop_gradient(z))
    scale_factor = 1.0 / multiplier
    return x * probs / scale_factor

if __name__ == "__main__":
    import jax
    _d = setup_inputs()
    print(jax.jit(kernel)(*tuple(_d.values())))

</pallas_src>

<mosaic_0001>
#map = affine_map<(d0, d1) -> (0)>
#map1 = affine_map<(d0, d1) -> (0, 0)>
module attributes {stable_mosaic.version = 14 : i64} {
  func.func @prob_dropout_sc(%arg0: i32, %arg1: i32, %arg2: memref<131072xf32, #tpu.memory_space<hbm>>, %arg3: memref<131072xf32, #tpu.memory_space<hbm>>, %arg4: memref<1024x16384xf32, #tpu.memory_space<hbm>>, %arg5: memref<2097152xf32, #tpu.memory_space<hbm>>, %arg6: memref<1024x16384xf32, #tpu.memory_space<hbm>>, %arg7: memref<4096xf32, #tpu.memory_space<vmem>>, %arg8: memref<4096xf32, #tpu.memory_space<vmem>>, %arg9: memref<16384xf32, #tpu.memory_space<vmem>>, %arg10: memref<16384xf32, #tpu.memory_space<vmem>>, %arg11: memref<16384xf32, #tpu.memory_space<vmem>>, %arg12: memref<2048xf32, #tpu.memory_space<vmem>>, %arg13: memref<2048xi32, #tpu.memory_space<vmem>>, %arg14: memref<2048xi32, #tpu.memory_space<vmem>>, %arg15: memref<2048xf32, #tpu.memory_space<vmem>>, %arg16: memref<16384xf32, #tpu.memory_space<vmem>>, %arg17: memref<16384xf32, #tpu.memory_space<vmem>>, %arg18: memref<16384xi32, #tpu.memory_space<vmem>>, %arg19: memref<2064xf32, #tpu.memory_space<vmem>>, %arg20: memref<!tpu.dma_semaphore, #tpu.memory_space<semaphore_mem>>, %arg21: memref<!tpu.dma_semaphore, #tpu.memory_space<semaphore_mem>>, %arg22: memref<!tpu.dma_semaphore, #tpu.memory_space<semaphore_mem>>, %arg23: memref<!tpu.dma_semaphore, #tpu.memory_space<semaphore_mem>>, %arg24: memref<!tpu.dma_semaphore, #tpu.memory_space<semaphore_mem>>) attributes {dimension_semantics = [#tpu.dimension_semantics<core_parallel>, #tpu.dimension_semantics<subcore_parallel>], iteration_bounds = array<i64: 2, 16>, scalar_prefetch = 0 : i64, scratch_operands = 18 : i64, tpu.core_type = #tpu.core_type<sc_vector_subcore>, window_params = [{transform_indices = #map}, {transform_indices = #map}, {transform_indices = #map1}, {transform_indices = #map}, {transform_indices = #map1}]} {
    %mul3A = arith.constant 2 : i32
    %mul3A_0 = arith.muli %arg1, %mul3A : i32
    %add3A = arith.addi %mul3A_0, %arg0 : i32
    %mul3A_1 = arith.constant 32 : i32
    %mul3A_2 = arith.muli %add3A, %mul3A_1 : i32
    %broadcast_in_dim3A = arith.constant 0.000000e+00 : f32
    %broadcast_in_dim3A_3 = vector.broadcast %broadcast_in_dim3A : f32 to vector<16xf32>
    %broadcast_in_dim3A_4 = arith.constant 0 : i32
    %broadcast_in_dim3A_5 = vector.broadcast %broadcast_in_dim3A_4 : i32 to vector<16xi32>
    %broadcast_in_dim3A_6 = arith.constant 1 : i32
    %broadcast_in_dim3A_7 = vector.broadcast %broadcast_in_dim3A_6 : i32 to vector<16xi32>
    %mul3A_8 = arith.constant 128 : i32
    %mul3A_9 = arith.muli %mul3A_2, %mul3A_8 : i32
    %dma_start3A = tpu.memref_slice %arg2[%mul3A_9] : memref<131072xf32, #tpu.memory_space<hbm>> -> memref<4096xf32, #tpu.memory_space<hbm>>
    %dma_start3A_10 = tpu.memref_slice %arg2[%mul3A_9] : memref<131072xf32, #tpu.memory_space<hbm>> -> memref<4096xf32, #tpu.memory_space<hbm>>
    tpu.enqueue_dma source(%dma_start3A_10 : memref<4096xf32, #tpu.memory_space<hbm>>) target(%arg7 : memref<4096xf32, #tpu.memory_space<vmem>>) target_semaphore(%arg23 : memref<!tpu.dma_semaphore, #tpu.memory_space<semaphore_mem>>)
    %mul3A_11 = arith.constant 128 : i32
    %mul3A_12 = arith.muli %mul3A_2, %mul3A_11 : i32
    %dma_start3A_13 = tpu.memref_slice %arg3[%mul3A_12] : memref<131072xf32, #tpu.memory_space<hbm>> -> memref<4096xf32, #tpu.memory_space<hbm>>
    %dma_start3A_14 = tpu.memref_slice %arg3[%mul3A_12] : memref<131072xf32, #tpu.memory_space<hbm>> -> memref<4096xf32, #tpu.memory_space<hbm>>
    tpu.enqueue_dma source(%dma_start3A_14 : memref<4096xf32, #tpu.memory_space<hbm>>) target(%arg8 : memref<4096xf32, #tpu.memory_space<vmem>>) target_semaphore(%arg23 : memref<!tpu.dma_semaphore, #tpu.memory_space<semaphore_mem>>)
    %parallel_loop3A = arith.constant 0 : i32
    %parallel_loop3A_15 = arith.constant 16384 : i32
    %parallel_loop3A_16 = arith.constant 16 : i32
    scf.for %parallel_loop3A_68 = %parallel_loop3A to %parallel_loop3A_15 step %parallel_loop3A_16  : i32 {
      %parallel_loop3A_69 = arith.index_cast %parallel_loop3A_68 : i32 to index
      %parallel_loop3A_70 = tpu.vector_load %arg18[%parallel_loop3A_69] {strides = array<i32>} : memref<16384xi32, #tpu.memory_space<vmem>>, vector<16xi32>,
      tpu.vector_store %arg18[%parallel_loop3A_69], %broadcast_in_dim3A_5 {strides = array<i32>} : memref<16384xi32, #tpu.memory_space<vmem>>, vector<16xi32>,
    } {sc.loop_unroll_factor = 8 : i64, sc.parallel_access}
    %iota3A = tpu.iota {dimensions = array<i32: 0>} : vector<16xi32>
    %convert_element_type3A = arith.sitofp %iota3A : vector<16xi32> to vector<16xf32>
    %parallel_loop3A_17 = arith.constant 0 : i32
    %parallel_loop3A_18 = arith.constant 2064 : i32
    %parallel_loop3A_19 = arith.constant 16 : i32
    scf.for %parallel_loop3A_68 = %parallel_loop3A_17 to %parallel_loop3A_18 step %parallel_loop3A_19  : i32 {
      %parallel_loop3A_69 = vector.broadcast %parallel_loop3A_68 : i32 to vector<16xi32>
      %parallel_loop3A_70 = arith.sitofp %parallel_loop3A_69 : vector<16xi32> to vector<16xf32>
      %parallel_loop3A_71 = arith.addf %parallel_loop3A_70, %convert_element_type3A : vector<16xf32>
      %parallel_loop3A_72 = arith.constant 1.000000e+00 : f32
      %parallel_loop3A_73 = vector.broadcast %parallel_loop3A_72 : f32 to vector<16xf32>
      %parallel_loop3A_74 = arith.divf %parallel_loop3A_73, %parallel_loop3A_71 : vector<16xf32>
      %parallel_loop3A_75 = arith.index_cast %parallel_loop3A_68 : i32 to index
      %parallel_loop3A_76 = tpu.vector_load %arg19[%parallel_loop3A_75] {strides = array<i32>} : memref<2064xf32, #tpu.memory_space<vmem>>, vector<16xf32>,
      tpu.vector_store %arg19[%parallel_loop3A_75], %parallel_loop3A_74 {strides = array<i32>} : memref<2064xf32, #tpu.memory_space<vmem>>, vector<16xf32>,
    } {sc.loop_unroll_factor = 8 : i64, sc.parallel_access}
    %dma_wait3A = arith.constant 0 : i32
    %dma_wait3A_20 = tpu.memref_slice %arg2[%dma_wait3A] : memref<131072xf32, #tpu.memory_space<hbm>> -> memref<4096xf32, #tpu.memory_space<hbm>>
    %dma_wait3A_21 = arith.constant 0 : i32
    %dma_wait3A_22 = tpu.memref_slice %arg2[%dma_wait3A_21] : memref<131072xf32, #tpu.memory_space<hbm>> -> memref<4096xf32, #tpu.memory_space<hbm>>
    tpu.wait_dma2 semaphore(%arg23 : memref<!tpu.dma_semaphore, #tpu.memory_space<semaphore_mem>>) src(%dma_wait3A_22 : memref<4096xf32, #tpu.memory_space<hbm>>) dst(%arg7 : memref<4096xf32, #tpu.memory_space<vmem>>)
    %dma_wait3A_23 = arith.constant 0 : i32
    %dma_wait3A_24 = tpu.memref_slice %arg3[%dma_wait3A_23] : memref<131072xf32, #tpu.memory_space<hbm>> -> memref<4096xf32, #tpu.memory_space<hbm>>
    %dma_wait3A_25 = arith.constant 0 : i32
    %dma_wait3A_26 = tpu.memref_slice %arg3[%dma_wait3A_25] : memref<131072xf32, #tpu.memory_space<hbm>> -> memref<4096xf32, #tpu.memory_space<hbm>>
    tpu.wait_dma2 semaphore(%arg23 : memref<!tpu.dma_semaphore, #tpu.memory_space<semaphore_mem>>) src(%dma_wait3A_26 : memref<4096xf32, #tpu.memory_space<hbm>>) dst(%arg8 : memref<4096xf32, #tpu.memory_space<vmem>>)
    %parallel_loop3A_27 = arith.constant 0 : i32
    %parallel_loop3A_28 = arith.constant 4096 : i32
    %parallel_loop3A_29 = arith.constant 16 : i32
    scf.for %parallel_loop3A_68 = %parallel_loop3A_27 to %parallel_loop3A_28 step %parallel_loop3A_29  : i32 {
      %parallel_loop3A_69 = arith.index_cast %parallel_loop3A_68 : i32 to index
      %parallel_loop3A_70 = tpu.vector_load %arg8[%parallel_loop3A_69] {strides = array<i32>} : memref<4096xf32, #tpu.memory_space<vmem>>, vector<16xf32>,
      %parallel_loop3A_71 = arith.constant 5.000000e-01 : f32
      %parallel_loop3A_72 = vector.broadcast %parallel_loop3A_71 : f32 to vector<16xf32>
      %parallel_loop3A_73 = arith.mulf %parallel_loop3A_72, %parallel_loop3A_70 : vector<16xf32>
      %parallel_loop3A_74 = math.exp %parallel_loop3A_73 : vector<16xf32>
      %parallel_loop3A_75 = arith.index_cast %parallel_loop3A_68 : i32 to index
      %parallel_loop3A_76 = tpu.vector_load %arg8[%parallel_loop3A_75] {strides = array<i32>} : memref<4096xf32, #tpu.memory_space<vmem>>, vector<16xf32>,
      tpu.vector_store %arg8[%parallel_loop3A_75], %parallel_loop3A_74 {strides = array<i32>} : memref<4096xf32, #tpu.memory_space<vmem>>, vector<16xf32>,
    } {sc.loop_unroll_factor = 8 : i64, sc.parallel_access}
    %add3A_30 = arith.constant 0 : i32
    %add3A_31 = arith.addi %mul3A_2, %add3A_30 : i32
    %mul3A_32 = arith.constant 2048 : i32
    %mul3A_33 = arith.muli %add3A_31, %mul3A_32 : i32
    %rem3A = arith.constant 0 : i32
    %rem3A_34 = arith.constant 2 : i32
    %rem3A_35 = arith.remsi %rem3A, %rem3A_34 : i32
    %mul3A_36 = arith.constant 8192 : i32
    %mul3A_37 = arith.muli %rem3A_35, %mul3A_36 : i32
    %dma_start3A_38 = tpu.memref_slice %arg9[%mul3A_37] : memref<16384xf32, #tpu.memory_space<vmem>> -> memref<8192xf32, #tpu.memory_space<vmem>>
    %dma_start3A_39 = tpu.memref_slice %arg5[%mul3A_33] : memref<2097152xf32, #tpu.memory_space<hbm>> -> memref<8192xf32, #tpu.memory_space<hbm>>
    %dma_start3A_40 = tpu.memref_slice %arg9[%mul3A_37] : memref<16384xf32, #tpu.memory_space<vmem>> -> memref<8192xf32, #tpu.memory_space<vmem>>
    %dma_start3A_41 = tpu.memref_slice %arg5[%mul3A_33] : memref<2097152xf32, #tpu.memory_space<hbm>> -> memref<8192xf32, #tpu.memory_space<hbm>>
    tpu.enqueue_dma source(%dma_start3A_41 : memref<8192xf32, #tpu.memory_space<hbm>>) target(%dma_start3A_40 : memref<8192xf32, #tpu.memory_space<vmem>>) target_semaphore(%arg20 : memref<!tpu.dma_semaphore, #tpu.memory_space<semaphore_mem>>)
    %dma_start3A_42 = arith.constant 0 : i32
    %dma_start3A_43 = tpu.memref_slice %arg4[%mul3A_2, %dma_start3A_42] : memref<1024x16384xf32, #tpu.memory_space<hbm>> -> memref<1x16384xf32, #tpu.memory_space<hbm>>
    %dma_start3A_44 = tpu.memref_squeeze %dma_start3A_43 : memref<1x16384xf32, #tpu.memory_space<hbm>> -> memref<16384xf32, #tpu.memory_space<hbm>>
    %dma_start3A_45 = arith.constant 0 : i32
    %dma_start3A_46 = tpu.memref_slice %arg4[%mul3A_2, %dma_start3A_45] : memref<1024x16384xf32, #tpu.memory_space<hbm>> -> memref<1x16384xf32, #tpu.memory_space<hbm>>
    %dma_start3A_47 = tpu.memref_squeeze %dma_start3A_46 : memref<1x16384xf32, #tpu.memory_space<hbm>> -> memref<16384xf32, #tpu.memory_space<hbm>>
    tpu.enqueue_dma source(%dma_start3A_47 : memref<16384xf32, #tpu.memory_space<hbm>>) target(%arg10 : memref<16384xf32, #tpu.memory_space<vmem>>) target_semaphore(%arg21 : memref<!tpu.dma_semaphore, #tpu.memory_space<semaphore_mem>>)
    %scan3A = arith.constant 0 : i32
    %scan3A_48 = arith.constant 0 : i32
    %scan3A_49 = arith.constant 16 : i32
    %scan3A_50 = arith.addi %scan3A_48, %scan3A_49 : i32
    %scan3A_51 = arith.constant 1 : i32
    %scan3A_52 = scf.for %scan3A_68 = %scan3A_48 to %scan3A_50 step %scan3A_51 iter_args(%scan3A_69 = %scan3A) -> (i32)  : i32 {
      %mul3A_70 = arith.constant 2 : i32
      %mul3A_71 = arith.muli %mul3A_70, %scan3A_68 : i32
      %add3A_72 = arith.addi %mul3A_2, %mul3A_71 : i32
      %mul3A_73 = arith.constant 2 : i32
      %mul3A_74 = arith.muli %mul3A_73, %scan3A_68 : i32
      %rem3A_75 = arith.constant 4 : i32
      %rem3A_76 = arith.remsi %mul3A_74, %rem3A_75 : i32
      %eq3A = arith.constant 0 : i32
      %eq3A_77 = arith.cmpi eq, %rem3A_76, %eq3A : i32
      %convert_element_type3A_78 = arith.extui %eq3A_77 : i1 to i32
      %cond3A = arith.constant 0 : i32
      %cond3A_79 = arith.cmpi ne, %convert_element_type3A_78, %cond3A : i32
      scf.if %cond3A_79 {
        %dma_wait3A_276 = arith.constant 0 : i32
        %dma_wait3A_277 = tpu.memref_slice %arg9[%dma_wait3A_276] : memref<16384xf32, #tpu.memory_space<vmem>> -> memref<8192xf32, #tpu.memory_space<vmem>>
        %dma_wait3A_278 = arith.constant 0 : i32
        %dma_wait3A_279 = tpu.memref_slice %arg5[%dma_wait3A_278] : memref<2097152xf32, #tpu.memory_space<hbm>> -> memref<8192xf32, #tpu.memory_space<hbm>>
        %dma_wait3A_280 = arith.constant 0 : i32
        %dma_wait3A_281 = tpu.memref_slice %arg9[%dma_wait3A_280] : memref<16384xf32, #tpu.memory_space<vmem>> -> memref<8192xf32, #tpu.memory_space<vmem>>
        %dma_wait3A_282 = arith.constant 0 : i32
        %dma_wait3A_283 = tpu.memref_slice %arg5[%dma_wait3A_282] : memref<2097152xf32, #tpu.memory_space<hbm>> -> memref<8192xf32, #tpu.memory_space<hbm>>
        tpu.wait_dma2 semaphore(%arg20 : memref<!tpu.dma_semaphore, #tpu.memory_space<semaphore_mem>>) src(%dma_wait3A_283 : memref<8192xf32, #tpu.memory_space<hbm>>) dst(%dma_wait3A_281 : memref<8192xf32, #tpu.memory_space<vmem>>)
        %jit3A = arith.constant 4 : i32
        %div3A_284 = arith.divsi %mul3A_74, %jit3A : i32
        %sign3A = arith.constant 0 : i32
        %sign3A_285 = arith.cmpi sgt, %mul3A_74, %sign3A : i32
        %sign3A_286 = arith.extui %sign3A_285 : i1 to i32
        %sign3A_287 = arith.constant 0 : i32
        %sign3A_288 = arith.cmpi slt, %mul3A_74, %sign3A_287 : i32
        %sign3A_289 = arith.extui %sign3A_288 : i1 to i32
        %sign3A_290 = arith.subi %sign3A_286, %sign3A_289 : i32
        %sign3A_291 = arith.constant 0 : i32
        %sign3A_292 = arith.cmpi sgt, %jit3A, %sign3A_291 : i32
        %sign3A_293 = arith.extui %sign3A_292 : i1 to i32
        %sign3A_294 = arith.constant 0 : i32
        %sign3A_295 = arith.cmpi slt, %jit3A, %sign3A_294 : i32
        %sign3A_296 = arith.extui %sign3A_295 : i1 to i32
        %sign3A_297 = arith.subi %sign3A_293, %sign3A_296 : i32
        %ne3A = arith.cmpi ne, %sign3A_290, %sign3A_297 : i32
        %rem3A_298 = arith.remsi %mul3A_74, %jit3A : i32
        %ne3A_299 = arith.constant 0 : i32
        %ne3A_300 = arith.cmpi ne, %rem3A_298, %ne3A_299 : i32
        %and3A = arith.andi %ne3A, %ne3A_300 : i1
        %sub3A_301 = arith.constant 1 : i32
        %sub3A_302 = arith.subi %div3A_284, %sub3A_301 : i32
        %select_n3A = arith.select %and3A, %sub3A_302, %div3A_284 : i32
        %lt3A_303 = arith.constant 7 : i32
        %lt3A_304 = arith.cmpi slt, %select_n3A, %lt3A_303 : i32
        %convert_element_type3A_305 = arith.extui %lt3A_304 : i1 to i32
        %cond3A_306 = arith.constant 0 : i32
        %cond3A_307 = arith.cmpi ne, %convert_element_type3A_305, %cond3A_306 : i32
        scf.if %cond3A_307 {
          %jit3A_308 = arith.constant 4 : i32
          %div3A_309 = arith.divsi %mul3A_74, %jit3A_308 : i32
          %sign3A_310 = arith.constant 0 : i32
          %sign3A_311 = arith.cmpi sgt, %mul3A_74, %sign3A_310 : i32
          %sign3A_312 = arith.extui %sign3A_311 : i1 to i32
          %sign3A_313 = arith.constant 0 : i32
          %sign3A_314 = arith.cmpi slt, %mul3A_74, %sign3A_313 : i32
          %sign3A_315 = arith.extui %sign3A_314 : i1 to i32
          %sign3A_316 = arith.subi %sign3A_312, %sign3A_315 : i32
          %sign3A_317 = arith.constant 0 : i32
          %sign3A_318 = arith.cmpi sgt, %jit3A_308, %sign3A_317 : i32
          %sign3A_319 = arith.extui %sign3A_318 : i1 to i32
          %sign3A_320 = arith.constant 0 : i32
          %sign3A_321 = arith.cmpi slt, %jit3A_308, %sign3A_320 : i32
          %sign3A_322 = arith.extui %sign3A_321 : i1 to i32
          %sign3A_323 = arith.subi %sign3A_319, %sign3A_322 : i32
          %ne3A_324 = arith.cmpi ne, %sign3A_316, %sign3A_323 : i32
          %rem3A_325 = arith.remsi %mul3A_74, %jit3A_308 : i32
          %ne3A_326 = arith.constant 0 : i32
          %ne3A_327 = arith.cmpi ne, %rem3A_325, %ne3A_326 : i32
          %and3A_328 = arith.andi %ne3A_324, %ne3A_327 : i1
          %sub3A_329 = arith.constant 1 : i32
          %sub3A_330 = arith.subi %div3A_309, %sub3A_329 : i32
          %select_n3A_331 = arith.select %and3A_328, %sub3A_330, %div3A_309 : i32
          %add3A_332 = arith.constant 1 : i32
          %add3A_333 = arith.addi %select_n3A_331, %add3A_332 : i32
          %mul3A_334 = arith.constant 4 : i32
          %mul3A_335 = arith.muli %add3A_333, %mul3A_334 : i32
          %add3A_336 = arith.addi %mul3A_2, %mul3A_335 : i32
          %mul3A_337 = arith.constant 2048 : i32
          %mul3A_338 = arith.muli %add3A_336, %mul3A_337 : i32
          %rem3A_339 = arith.constant 2 : i32
          %rem3A_340 = arith.remsi %add3A_333, %rem3A_339 : i32
          %mul3A_341 = arith.constant 8192 : i32
          %mul3A_342 = arith.muli %rem3A_340, %mul3A_341 : i32
          %dma_start3A_343 = tpu.memref_slice %arg9[%mul3A_342] : memref<16384xf32, #tpu.memory_space<vmem>> -> memref<8192xf32, #tpu.memory_space<vmem>>
          %dma_start3A_344 = tpu.memref_slice %arg5[%mul3A_338] : memref<2097152xf32, #tpu.memory_space<hbm>> -> memref<8192xf32, #tpu.memory_space<hbm>>
          %dma_start3A_345 = tpu.memref_slice %arg9[%mul3A_342] : memref<16384xf32, #tpu.memory_space<vmem>> -> memref<8192xf32, #tpu.memory_space<vmem>>
          %dma_start3A_346 = tpu.memref_slice %arg5[%mul3A_338] : memref<2097152xf32, #tpu.memory_space<hbm>> -> memref<8192xf32, #tpu.memory_space<hbm>>
          tpu.enqueue_dma source(%dma_start3A_346 : memref<8192xf32, #tpu.memory_space<hbm>>) target(%dma_start3A_345 : memref<8192xf32, #tpu.memory_space<vmem>>) target_semaphore(%arg20 : memref<!tpu.dma_semaphore, #tpu.memory_space<semaphore_mem>>)
        } else {
        }
      } else {
      }
      %dma_wait3A_80 = arith.constant 0 : i32
      %dma_wait3A_81 = arith.constant 0 : i32
      %dma_wait3A_82 = tpu.memref_slice %arg4[%dma_wait3A_80, %dma_wait3A_81] : memref<1024x16384xf32, #tpu.memory_space<hbm>> -> memref<1x16384xf32, #tpu.memory_space<hbm>>
      %dma_wait3A_83 = tpu.memref_squeeze %dma_wait3A_82 : memref<1x16384xf32, #tpu.memory_space<hbm>> -> memref<16384xf32, #tpu.memory_space<hbm>>
      %dma_wait3A_84 = arith.constant 0 : i32
      %dma_wait3A_85 = tpu.memref_slice %arg4[%dma_wait3A_80, %dma_wait3A_84] : memref<1024x16384xf32, #tpu.memory_space<hbm>> -> memref<1x16384xf32, #tpu.memory_space<hbm>>
      %dma_wait3A_86 = tpu.memref_squeeze %dma_wait3A_85 : memref<1x16384xf32, #tpu.memory_space<hbm>> -> memref<16384xf32, #tpu.memory_space<hbm>>
      tpu.wait_dma2 semaphore(%arg21 : memref<!tpu.dma_semaphore, #tpu.memory_space<semaphore_mem>>) src(%dma_wait3A_86 : memref<16384xf32, #tpu.memory_space<hbm>>) dst(%arg10 : memref<16384xf32, #tpu.memory_space<vmem>>)
      %add3A_87 = arith.constant 1 : i32
      %add3A_88 = arith.addi %add3A_72, %add3A_87 : i32
      %dma_start3A_89 = arith.constant 0 : i32
      %dma_start3A_90 = tpu.memref_slice %arg4[%add3A_88, %dma_start3A_89] : memref<1024x16384xf32, #tpu.memory_space<hbm>> -> memref<1x16384xf32, #tpu.memory_space<hbm>>
      %dma_start3A_91 = tpu.memref_squeeze %dma_start3A_90 : memref<1x16384xf32, #tpu.memory_space<hbm>> -> memref<16384xf32, #tpu.memory_space<hbm>>
      %dma_start3A_92 = arith.constant 0 : i32
      %dma_start3A_93 = tpu.memref_slice %arg4[%add3A_88, %dma_start3A_92] : memref<1024x16384xf32, #tpu.memory_space<hbm>> -> memref<1x16384xf32, #tpu.memory_space<hbm>>
      %dma_start3A_94 = tpu.memref_squeeze %dma_start3A_93 : memref<1x16384xf32, #tpu.memory_space<hbm>> -> memref<16384xf32, #tpu.memory_space<hbm>>
      tpu.enqueue_dma source(%dma_start3A_94 : memref<16384xf32, #tpu.memory_space<hbm>>) target(%arg11 : memref<16384xf32, #tpu.memory_space<vmem>>) target_semaphore(%arg22 : memref<!tpu.dma_semaphore, #tpu.memory_space<semaphore_mem>>)
      %gt3A = arith.constant 0 : i32
      %gt3A_95 = arith.cmpi sgt, %scan3A_68, %gt3A : i32
      %mul3A_96 = arith.constant 128 : i32
      %mul3A_97 = arith.muli %mul3A_74, %mul3A_96 : i32
      %rem3A_98 = arith.constant 8 : i32
      %rem3A_99 = arith.remsi %mul3A_74, %rem3A_98 : i32
      %mul3A_100 = arith.constant 2048 : i32
      %mul3A_101 = arith.muli %rem3A_99, %mul3A_100 : i32
      %broadcast_in_dim3A_102 = arith.constant 0x7F800000 : f32
      %broadcast_in_dim3A_103 = vector.broadcast %broadcast_in_dim3A_102 : f32 to vector<16xf32>
      %broadcast_in_dim3A_104 = arith.constant 0xFF800000 : f32
      %broadcast_in_dim3A_105 = vector.broadcast %broadcast_in_dim3A_104 : f32 to vector<16xf32>
      %parallel_loop3A_106 = arith.constant 0 : i32
      %parallel_loop3A_107 = arith.constant 2048 : i32
      %parallel_loop3A_108 = arith.constant 16 : i32
      %parallel_loop3A_109:2 = scf.for %parallel_loop3A_276 = %parallel_loop3A_106 to %parallel_loop3A_107 step %parallel_loop3A_108 iter_args(%parallel_loop3A_277 = %broadcast_in_dim3A_103, %parallel_loop3A_278 = %broadcast_in_dim3A_105) -> (vector<16xf32>, vector<16xf32>)  : i32 {
        %parallel_loop3A_279 = arith.constant 128 : i32
        %parallel_loop3A_280 = arith.remsi %parallel_loop3A_276, %parallel_loop3A_279 : i32
        %parallel_loop3A_281 = arith.addi %mul3A_97, %parallel_loop3A_280 : i32
        %parallel_loop3A_282 = arith.index_cast %parallel_loop3A_281 : i32 to index
        %parallel_loop3A_283 = tpu.vector_load %arg7[%parallel_loop3A_282] {strides = array<i32>} : memref<4096xf32, #tpu.memory_space<vmem>>, vector<16xf32>,
        %parallel_loop3A_284 = arith.index_cast %parallel_loop3A_281 : i32 to index
        %parallel_loop3A_285 = tpu.vector_load %arg8[%parallel_loop3A_284] {strides = array<i32>} : memref<4096xf32, #tpu.memory_space<vmem>>, vector<16xf32>,
        %parallel_loop3A_286 = arith.addi %mul3A_101, %parallel_loop3A_276 : i32
        %parallel_loop3A_287 = arith.index_cast %parallel_loop3A_286 : i32 to index
        %parallel_loop3A_288 = tpu.vector_load %arg9[%parallel_loop3A_287] {strides = array<i32>} : memref<16384xf32, #tpu.memory_space<vmem>>, vector<16xf32>,
        %parallel_loop3A_289 = arith.mulf %parallel_loop3A_285, %parallel_loop3A_288 : vector<16xf32>
        %parallel_loop3A_290 = arith.addf %parallel_loop3A_283, %parallel_loop3A_289 : vector<16xf32>
        %parallel_loop3A_291 = arith.index_cast %parallel_loop3A_276 : i32 to index
        %parallel_loop3A_292 = tpu.vector_load %arg12[%parallel_loop3A_291] {strides = array<i32>} : memref<2048xf32, #tpu.memory_space<vmem>>, vector<16xf32>,
        tpu.vector_store %arg12[%parallel_loop3A_291], %parallel_loop3A_290 {strides = array<i32>} : memref<2048xf32, #tpu.memory_space<vmem>>, vector<16xf32>,
        %parallel_loop3A_293 = arith.minimumf %parallel_loop3A_277, %parallel_loop3A_290 : vector<16xf32>
        %parallel_loop3A_294 = arith.maximumf %parallel_loop3A_278, %parallel_loop3A_290 : vector<16xf32>
        scf.yield %parallel_loop3A_293, %parallel_loop3A_294 : vector<16xf32>, vector<16xf32>
      } {sc.loop_unroll_factor = 16 : i64, sc.parallel_access}
      %reduce_min3A = arith.constant true
      %reduce_min3A_110 = vector.broadcast %reduce_min3A : i1 to vector<16xi1>
      %reduce_min3A_111 = tpu.scan <min>, %parallel_loop3A_109#0 masked %reduce_min3A_110 : vector<16xf32>, vector<16xi1> -> vector<16xf32>
      %reduce_min3A_112 = vector.extract %reduce_min3A_111[15] : f32 from vector<16xf32>
      %reduce_max3A = arith.constant true
      %reduce_max3A_113 = vector.broadcast %reduce_max3A : i1 to vector<16xi1>
      %reduce_max3A_114 = tpu.scan <max>, %parallel_loop3A_109#1 masked %reduce_max3A_113 : vector<16xf32>, vector<16xi1> -> vector<16xf32>
      %reduce_max3A_115 = vector.extract %reduce_max3A_114[15] : f32 from vector<16xf32>
      %sub3A = arith.subf %reduce_max3A_115, %reduce_min3A_112 : f32
      %max3A = arith.constant 9.99999996E-13 : f32
      %max3A_116 = arith.maximumf %sub3A, %max3A : f32
      %broadcast_in_dim3A_117 = vector.broadcast %max3A_116 : f32 to vector<16xf32>
      %div3A = arith.constant 1.638400e+04 : f32
      %div3A_118 = vector.broadcast %div3A : f32 to vector<16xf32>
      %div3A_119 = arith.divf %div3A_118, %broadcast_in_dim3A_117 : vector<16xf32>
      %parallel_loop3A_120 = arith.constant 0 : i32
      %parallel_loop3A_121 = arith.constant 2048 : i32
      %parallel_loop3A_122 = arith.constant 16 : i32
      scf.for %parallel_loop3A_276 = %parallel_loop3A_120 to %parallel_loop3A_121 step %parallel_loop3A_122  : i32 {
        %parallel_loop3A_277 = arith.index_cast %parallel_loop3A_276 : i32 to index
        %parallel_loop3A_278 = tpu.vector_load %arg12[%parallel_loop3A_277] {strides = array<i32>} : memref<2048xf32, #tpu.memory_space<vmem>>, vector<16xf32>,
        %parallel_loop3A_279 = vector.broadcast %reduce_min3A_112 : f32 to vector<16xf32>
        %parallel_loop3A_280 = arith.subf %parallel_loop3A_278, %parallel_loop3A_279 : vector<16xf32>
        %parallel_loop3A_281 = arith.mulf %parallel_loop3A_280, %div3A_119 : vector<16xf32>
        %parallel_loop3A_282 = arith.fptosi %parallel_loop3A_281 : vector<16xf32> to vector<16xi32>
        %parallel_loop3A_283 = arith.constant 16383 : i32
        %parallel_loop3A_284 = vector.broadcast %parallel_loop3A_283 : i32 to vector<16xi32>
        %parallel_loop3A_285 = arith.minsi %parallel_loop3A_282, %parallel_loop3A_284 : vector<16xi32>
        %parallel_loop3A_286 = arith.index_cast %parallel_loop3A_276 : i32 to index
        %parallel_loop3A_287 = tpu.vector_load %arg13[%parallel_loop3A_286] {strides = array<i32>} : memref<2048xi32, #tpu.memory_space<vmem>>, vector<16xi32>,
        tpu.vector_store %arg13[%parallel_loop3A_286], %parallel_loop3A_285 {strides = array<i32>} : memref<2048xi32, #tpu.memory_space<vmem>>, vector<16xi32>,
        tpu.vector_store_idx %arg18[%parallel_loop3A_285], %broadcast_in_dim3A_7 {add = true} : memref<16384xi32, #tpu.memory_space<vmem>>[vector<16xi32>], vector<16xi32>,
      } {sc.loop_unroll_factor = 16 : i64, sc.parallel_access}
      %parallel_loop3A_123 = arith.constant 0 : i32
      %parallel_loop3A_124 = arith.constant 2048 : i32
      %parallel_loop3A_125 = arith.constant 16 : i32
      %parallel_loop3A_126 = scf.for %parallel_loop3A_276 = %parallel_loop3A_123 to %parallel_loop3A_124 step %parallel_loop3A_125 iter_args(%parallel_loop3A_277 = %broadcast_in_dim3A_5) -> (vector<16xi32>)  : i32 {
        %parallel_loop3A_278 = arith.index_cast %parallel_loop3A_276 : i32 to index
        %parallel_loop3A_279 = tpu.vector_load %arg13[%parallel_loop3A_278] {strides = array<i32>} : memref<2048xi32, #tpu.memory_space<vmem>>, vector<16xi32>,
        %parallel_loop3A_280 = tpu.vector_load_idx %arg18[%parallel_loop3A_279] : memref<16384xi32, #tpu.memory_space<vmem>>[vector<16xi32>], vector<16xi32>,
        %parallel_loop3A_281 = arith.index_cast %parallel_loop3A_276 : i32 to index
        %parallel_loop3A_282 = tpu.vector_load %arg14[%parallel_loop3A_281] {strides = array<i32>} : memref<2048xi32, #tpu.memory_space<vmem>>, vector<16xi32>,
        tpu.vector_store %arg14[%parallel_loop3A_281], %parallel_loop3A_280 {strides = array<i32>} : memref<2048xi32, #tpu.memory_space<vmem>>, vector<16xi32>,
        %parallel_loop3A_283 = arith.maxsi %parallel_loop3A_277, %parallel_loop3A_280 : vector<16xi32>
        scf.yield %parallel_loop3A_283 : vector<16xi32>
      } {sc.loop_unroll_factor = 16 : i64, sc.parallel_access}
      %reduce_max3A_127 = arith.constant true
      %reduce_max3A_128 = vector.broadcast %reduce_max3A_127 : i1 to vector<16xi1>
      %reduce_max3A_129 = arith.constant -2147483648 : i32
      %reduce_max3A_130 = vector.broadcast %reduce_max3A_129 : i32 to vector<16xi32>
      %reduce_max3A_131 = arith.xori %parallel_loop3A_126, %reduce_max3A_130 : vector<16xi32>
      %reduce_max3A_132 = tpu.scan <max>, %reduce_max3A_131 masked %reduce_max3A_128 : vector<16xi32>, vector<16xi1> -> vector<16xi32>
      %reduce_max3A_133 = arith.xori %reduce_max3A_132, %reduce_max3A_130 : vector<16xi32>
      %reduce_max3A_134 = vector.extract %reduce_max3A_133[15] : i32 from vector<16xi32>
      %broadcast_in_dim3A_135 = vector.broadcast %reduce_max3A_134 : i32 to vector<16xi32>
      %convert_element_type3A_136 = arith.sitofp %broadcast_in_dim3A_135 : vector<16xi32> to vector<16xf32>
      %neg3A = arith.constant 0.000000e+00 : f32
      %neg3A_137 = vector.broadcast %neg3A : f32 to vector<16xf32>
      %neg3A_138 = arith.subf %neg3A_137, %convert_element_type3A_136 : vector<16xf32>
      %exp3A = math.exp %neg3A_138 : vector<16xf32>
      %parallel_loop3A_139 = arith.constant 0 : i32
      %parallel_loop3A_140 = arith.constant 2048 : i32
      %parallel_loop3A_141 = arith.constant 16 : i32
      %parallel_loop3A_142 = scf.for %parallel_loop3A_276 = %parallel_loop3A_139 to %parallel_loop3A_140 step %parallel_loop3A_141 iter_args(%parallel_loop3A_277 = %broadcast_in_dim3A_3) -> (vector<16xf32>)  : i32 {
        %parallel_loop3A_278 = arith.index_cast %parallel_loop3A_276 : i32 to index
        %parallel_loop3A_279 = tpu.vector_load %arg14[%parallel_loop3A_278] {strides = array<i32>} : memref<2048xi32, #tpu.memory_space<vmem>>, vector<16xi32>,
        %parallel_loop3A_280 = arith.sitofp %parallel_loop3A_279 : vector<16xi32> to vector<16xf32>
        %parallel_loop3A_281 = arith.subf %parallel_loop3A_280, %convert_element_type3A_136 : vector<16xf32>
        %parallel_loop3A_282 = math.exp %parallel_loop3A_281 : vector<16xf32>
        %parallel_loop3A_283 = tpu.vector_load_idx %arg19[%parallel_loop3A_279] : memref<2064xf32, #tpu.memory_space<vmem>>[vector<16xi32>], vector<16xf32>,
        %parallel_loop3A_284 = arith.index_cast %parallel_loop3A_276 : i32 to index
        %parallel_loop3A_285 = tpu.vector_load %arg15[%parallel_loop3A_284] {strides = array<i32>} : memref<2048xf32, #tpu.memory_space<vmem>>, vector<16xf32>,
        tpu.vector_store %arg15[%parallel_loop3A_284], %parallel_loop3A_282 {strides = array<i32>} : memref<2048xf32, #tpu.memory_space<vmem>>, vector<16xf32>,
        %parallel_loop3A_286 = arith.index_cast %parallel_loop3A_276 : i32 to index
        %parallel_loop3A_287 = tpu.vector_load %arg13[%parallel_loop3A_286] {strides = array<i32>} : memref<2048xi32, #tpu.memory_space<vmem>>, vector<16xi32>,
        tpu.vector_store_idx %arg18[%parallel_loop3A_287], %broadcast_in_dim3A_5 : memref<16384xi32, #tpu.memory_space<vmem>>[vector<16xi32>], vector<16xi32>,
        %parallel_loop3A_288 = arith.subf %parallel_loop3A_282, %exp3A : vector<16xf32>
        %parallel_loop3A_289 = arith.mulf %parallel_loop3A_288, %parallel_loop3A_283 : vector<16xf32>
        %parallel_loop3A_290 = arith.addf %parallel_loop3A_277, %parallel_loop3A_289 : vector<16xf32>
        scf.yield %parallel_loop3A_290 : vector<16xf32>
      } {sc.loop_unroll_factor = 16 : i64, sc.parallel_access}
      %mul3A_143 = arith.constant 1.638400e+04 : f32
      %mul3A_144 = vector.broadcast %mul3A_143 : f32 to vector<16xf32>
      %mul3A_145 = arith.mulf %mul3A_144, %exp3A : vector<16xf32>
      %reduce_sum3A = arith.constant true
      %reduce_sum3A_146 = vector.broadcast %reduce_sum3A : i1 to vector<16xi1>
      %reduce_sum3A_147 = tpu.scan <sum>, %parallel_loop3A_142 masked %reduce_sum3A_146 : vector<16xf32>, vector<16xi1> -> vector<16xf32>
      %reduce_sum3A_148 = vector.extract %reduce_sum3A_147[15] : f32 from vector<16xf32>
      %add3A_149 = vector.broadcast %reduce_sum3A_148 : f32 to vector<16xf32>
      %add3A_150 = arith.addf %mul3A_145, %add3A_149 : vector<16xf32>
      %mul3A_151 = arith.constant 1.600000e+01 : f32
      %mul3A_152 = vector.broadcast %mul3A_151 : f32 to vector<16xf32>
      %mul3A_153 = arith.mulf %mul3A_152, %exp3A : vector<16xf32>
      %div3A_154 = arith.divf %mul3A_153, %add3A_150 : vector<16xf32>
      %div3A_155 = arith.constant 1.600000e+01 : f32
      %div3A_156 = vector.broadcast %div3A_155 : f32 to vector<16xf32>
      %div3A_157 = arith.divf %div3A_156, %add3A_150 : vector<16xf32>
      %convert_element_type3A_158 = arith.extui %gt3A_95 : i1 to i32
      %cond3A_159 = arith.constant 0 : i32
      %cond3A_160 = arith.cmpi ne, %convert_element_type3A_158, %cond3A_159 : i32
      scf.if %cond3A_160 {
        %dma_wait3A_276 = arith.constant 0 : i32
        %dma_wait3A_277 = arith.constant 0 : i32
        %dma_wait3A_278 = tpu.memref_slice %arg6[%dma_wait3A_276, %dma_wait3A_277] : memref<1024x16384xf32, #tpu.memory_space<hbm>> -> memref<1x16384xf32, #tpu.memory_space<hbm>>
        %dma_wait3A_279 = tpu.memref_squeeze %dma_wait3A_278 : memref<1x16384xf32, #tpu.memory_space<hbm>> -> memref<16384xf32, #tpu.memory_space<hbm>>
        %dma_wait3A_280 = arith.constant 0 : i32
        %dma_wait3A_281 = tpu.memref_slice %arg6[%dma_wait3A_276, %dma_wait3A_280] : memref<1024x16384xf32, #tpu.memory_space<hbm>> -> memref<1x16384xf32, #tpu.memory_space<hbm>>
        %dma_wait3A_282 = tpu.memref_squeeze %dma_wait3A_281 : memref<1x16384xf32, #tpu.memory_space<hbm>> -> memref<16384xf32, #tpu.memory_space<hbm>>
        tpu.wait_dma2 semaphore(%arg23 : memref<!tpu.dma_semaphore, #tpu.memory_space<semaphore_mem>>) src(%arg16 : memref<16384xf32, #tpu.memory_space<vmem>>) dst(%dma_wait3A_282 : memref<16384xf32, #tpu.memory_space<hbm>>)
      } else {
      }
      %parallel_loop3A_161 = arith.constant 0 : i32
      %parallel_loop3A_162 = arith.constant 16384 : i32
      %parallel_loop3A_163 = arith.constant 16 : i32
      scf.for %parallel_loop3A_276 = %parallel_loop3A_161 to %parallel_loop3A_162 step %parallel_loop3A_163  : i32 {
        %parallel_loop3A_277 = arith.index_cast %parallel_loop3A_276 : i32 to index
        %parallel_loop3A_278 = tpu.vector_load %arg10[%parallel_loop3A_277] {strides = array<i32>} : memref<16384xf32, #tpu.memory_space<vmem>>, vector<16xf32>,
        %parallel_loop3A_279 = arith.mulf %parallel_loop3A_278, %div3A_154 : vector<16xf32>
        %parallel_loop3A_280 = arith.index_cast %parallel_loop3A_276 : i32 to index
        %parallel_loop3A_281 = tpu.vector_load %arg16[%parallel_loop3A_280] {strides = array<i32>} : memref<16384xf32, #tpu.memory_space<vmem>>, vector<16xf32>,
        tpu.vector_store %arg16[%parallel_loop3A_280], %parallel_loop3A_279 {strides = array<i32>} : memref<16384xf32, #tpu.memory_space<vmem>>, vector<16xf32>,
      } {sc.loop_unroll_factor = 16 : i64, sc.parallel_access}
      %parallel_loop3A_164 = arith.constant 0 : i32
      %parallel_loop3A_165 = arith.constant 2048 : i32
      %parallel_loop3A_166 = arith.constant 16 : i32
      scf.for %parallel_loop3A_276 = %parallel_loop3A_164 to %parallel_loop3A_165 step %parallel_loop3A_166  : i32 {
        %parallel_loop3A_277 = arith.index_cast %parallel_loop3A_276 : i32 to index
        %parallel_loop3A_278 = tpu.vector_load %arg13[%parallel_loop3A_277] {strides = array<i32>} : memref<2048xi32, #tpu.memory_space<vmem>>, vector<16xi32>,
        %parallel_loop3A_279 = tpu.vector_load_idx %arg10[%parallel_loop3A_278] : memref<16384xf32, #tpu.memory_space<vmem>>[vector<16xi32>], vector<16xf32>,
        %parallel_loop3A_280 = arith.index_cast %parallel_loop3A_276 : i32 to index
        %parallel_loop3A_281 = tpu.vector_load %arg15[%parallel_loop3A_280] {strides = array<i32>} : memref<2048xf32, #tpu.memory_space<vmem>>, vector<16xf32>,
        %parallel_loop3A_282 = arith.mulf %parallel_loop3A_279, %parallel_loop3A_281 : vector<16xf32>
        %parallel_loop3A_283 = arith.mulf %parallel_loop3A_282, %div3A_157 : vector<16xf32>
        tpu.vector_store_idx %arg16[%parallel_loop3A_278], %parallel_loop3A_283 : memref<16384xf32, #tpu.memory_space<vmem>>[vector<16xi32>], vector<16xf32>,
      } {sc.loop_unroll_factor = 16 : i64, sc.parallel_access}
      %dma_start3A_167 = arith.constant 0 : i32
      %dma_start3A_168 = tpu.memref_slice %arg6[%add3A_72, %dma_start3A_167] : memref<1024x16384xf32, #tpu.memory_space<hbm>> -> memref<1x16384xf32, #tpu.memory_space<hbm>>
      %dma_start3A_169 = tpu.memref_squeeze %dma_start3A_168 : memref<1x16384xf32, #tpu.memory_space<hbm>> -> memref<16384xf32, #tpu.memory_space<hbm>>
      %dma_start3A_170 = arith.constant 0 : i32
      %dma_start3A_171 = tpu.memref_slice %arg6[%add3A_72, %dma_start3A_170] : memref<1024x16384xf32, #tpu.memory_space<hbm>> -> memref<1x16384xf32, #tpu.memory_space<hbm>>
      %dma_start3A_172 = tpu.memref_squeeze %dma_start3A_171 : memref<1x16384xf32, #tpu.memory_space<hbm>> -> memref<16384xf32, #tpu.memory_space<hbm>>
      tpu.enqueue_dma source(%arg16 : memref<16384xf32, #tpu.memory_space<vmem>>) target(%dma_start3A_172 : memref<16384xf32, #tpu.memory_space<hbm>>) target_semaphore(%arg23 : memref<!tpu.dma_semaphore, #tpu.memory_space<semaphore_mem>>)
      %dma_wait3A_173 = arith.constant 0 : i32
      %dma_wait3A_174 = arith.constant 0 : i32
      %dma_wait3A_175 = tpu.memref_slice %arg4[%dma_wait3A_173, %dma_wait3A_174] : memref<1024x16384xf32, #tpu.memory_space<hbm>> -> memref<1x16384xf32, #tpu.memory_space<hbm>>
      %dma_wait3A_176 = tpu.memref_squeeze %dma_wait3A_175 : memref<1x16384xf32, #tpu.memory_space<hbm>> -> memref<16384xf32, #tpu.memory_space<hbm>>
      %dma_wait3A_177 = arith.constant 0 : i32
      %dma_wait3A_178 = tpu.memref_slice %arg4[%dma_wait3A_173, %dma_wait3A_177] : memref<1024x16384xf32, #tpu.memory_space<hbm>> -> memref<1x16384xf32, #tpu.memory_space<hbm>>
      %dma_wait3A_179 = tpu.memref_squeeze %dma_wait3A_178 : memref<1x16384xf32, #tpu.memory_space<hbm>> -> memref<16384xf32, #tpu.memory_space<hbm>>
      tpu.wait_dma2 semaphore(%arg22 : memref<!tpu.dma_semaphore, #tpu.memory_space<semaphore_mem>>) src(%dma_wait3A_179 : memref<16384xf32, #tpu.memory_space<hbm>>) dst(%arg11 : memref<16384xf32, #tpu.memory_space<vmem>>)
      %lt3A = arith.constant 15 : i32
      %lt3A_180 = arith.cmpi slt, %scan3A_68, %lt3A : i32
      %convert_element_type3A_181 = arith.extui %lt3A_180 : i1 to i32
      %cond3A_182 = arith.constant 0 : i32
      %cond3A_183 = arith.cmpi ne, %convert_element_type3A_181, %cond3A_182 : i32
      scf.if %cond3A_183 {
        %add3A_276 = arith.constant 2 : i32
        %add3A_277 = arith.addi %add3A_72, %add3A_276 : i32
        %dma_start3A_278 = arith.constant 0 : i32
        %dma_start3A_279 = tpu.memref_slice %arg4[%add3A_277, %dma_start3A_278] : memref<1024x16384xf32, #tpu.memory_space<hbm>> -> memref<1x16384xf32, #tpu.memory_space<hbm>>
        %dma_start3A_280 = tpu.memref_squeeze %dma_start3A_279 : memref<1x16384xf32, #tpu.memory_space<hbm>> -> memref<16384xf32, #tpu.memory_space<hbm>>
        %dma_start3A_281 = arith.constant 0 : i32
        %dma_start3A_282 = tpu.memref_slice %arg4[%add3A_277, %dma_start3A_281] : memref<1024x16384xf32, #tpu.memory_space<hbm>> -> memref<1x16384xf32, #tpu.memory_space<hbm>>
        %dma_start3A_283 = tpu.memref_squeeze %dma_start3A_282 : memref<1x16384xf32, #tpu.memory_space<hbm>> -> memref<16384xf32, #tpu.memory_space<hbm>>
        tpu.enqueue_dma source(%dma_start3A_283 : memref<16384xf32, #tpu.memory_space<hbm>>) target(%arg10 : memref<16384xf32, #tpu.memory_space<vmem>>) target_semaphore(%arg21 : memref<!tpu.dma_semaphore, #tpu.memory_space<semaphore_mem>>)
      } else {
      }
      %add3A_184 = arith.constant 1 : i32
      %add3A_185 = arith.addi %add3A_72, %add3A_184 : i32
      %add3A_186 = arith.constant 1 : i32
      %add3A_187 = arith.addi %mul3A_74, %add3A_186 : i32
      %gt3A_188 = arith.constant 0 : i32
      %gt3A_189 = arith.cmpi sgt, %scan3A_68, %gt3A_188 : i32
      %mul3A_190 = arith.constant 128 : i32
      %mul3A_191 = arith.muli %add3A_187, %mul3A_190 : i32
      %rem3A_192 = arith.constant 8 : i32
      %rem3A_193 = arith.remsi %add3A_187, %rem3A_192 : i32
      %mul3A_194 = arith.constant 2048 : i32
      %mul3A_195 = arith.muli %rem3A_193, %mul3A_194 : i32
      %broadcast_in_dim3A_196 = arith.constant 0x7F800000 : f32
      %broadcast_in_dim3A_197 = vector.broadcast %broadcast_in_dim3A_196 : f32 to vector<16xf32>
      %broadcast_in_dim3A_198 = arith.constant 0xFF800000 : f32
      %broadcast_in_dim3A_199 = vector.broadcast %broadcast_in_dim3A_198 : f32 to vector<16xf32>
      %parallel_loop3A_200 = arith.constant 0 : i32
      %parallel_loop3A_201 = arith.constant 2048 : i32
      %parallel_loop3A_202 = arith.constant 16 : i32
      %parallel_loop3A_203:2 = scf.for %parallel_loop3A_276 = %parallel_loop3A_200 to %parallel_loop3A_201 step %parallel_loop3A_202 iter_args(%parallel_loop3A_277 = %broadcast_in_dim3A_197, %parallel_loop3A_278 = %broadcast_in_dim3A_199) -> (vector<16xf32>, vector<16xf32>)  : i32 {
        %parallel_loop3A_279 = arith.constant 128 : i32
        %parallel_loop3A_280 = arith.remsi %parallel_loop3A_276, %parallel_loop3A_279 : i32
        %parallel_loop3A_281 = arith.addi %mul3A_191, %parallel_loop3A_280 : i32
        %parallel_loop3A_282 = arith.index_cast %parallel_loop3A_281 : i32 to index
        %parallel_loop3A_283 = tpu.vector_load %arg7[%parallel_loop3A_282] {strides = array<i32>} : memref<4096xf32, #tpu.memory_space<vmem>>, vector<16xf32>,
        %parallel_loop3A_284 = arith.index_cast %parallel_loop3A_281 : i32 to index
        %parallel_loop3A_285 = tpu.vector_load %arg8[%parallel_loop3A_284] {strides = array<i32>} : memref<4096xf32, #tpu.memory_space<vmem>>, vector<16xf32>,
        %parallel_loop3A_286 = arith.addi %mul3A_195, %parallel_loop3A_276 : i32
        %parallel_loop3A_287 = arith.index_cast %parallel_loop3A_286 : i32 to index
        %parallel_loop3A_288 = tpu.vector_load %arg9[%parallel_loop3A_287] {strides = array<i32>} : memref<16384xf32, #tpu.memory_space<vmem>>, vector<16xf32>,
        %parallel_loop3A_289 = arith.mulf %parallel_loop3A_285, %parallel_loop3A_288 : vector<16xf32>
        %parallel_loop3A_290 = arith.addf %parallel_loop3A_283, %parallel_loop3A_289 : vector<16xf32>
        %parallel_loop3A_291 = arith.index_cast %parallel_loop3A_276 : i32 to index
        %parallel_loop3A_292 = tpu.vector_load %arg12[%parallel_loop3A_291] {strides = array<i32>} : memref<2048xf32, #tpu.memory_space<vmem>>, vector<16xf32>,
        tpu.vector_store %arg12[%parallel_loop3A_291], %parallel_loop3A_290 {strides = array<i32>} : memref<2048xf32, #tpu.memory_space<vmem>>, vector<16xf32>,
        %parallel_loop3A_293 = arith.minimumf %parallel_loop3A_277, %parallel_loop3A_290 : vector<16xf32>
        %parallel_loop3A_294 = arith.maximumf %parallel_loop3A_278, %parallel_loop3A_290 : vector<16xf32>
        scf.yield %parallel_loop3A_293, %parallel_loop3A_294 : vector<16xf32>, vector<16xf32>
      } {sc.loop_unroll_factor = 16 : i64, sc.parallel_access}
      %reduce_min3A_204 = arith.constant true
      %reduce_min3A_205 = vector.broadcast %reduce_min3A_204 : i1 to vector<16xi1>
      %reduce_min3A_206 = tpu.scan <min>, %parallel_loop3A_203#0 masked %reduce_min3A_205 : vector<16xf32>, vector<16xi1> -> vector<16xf32>
      %reduce_min3A_207 = vector.extract %reduce_min3A_206[15] : f32 from vector<16xf32>
      %reduce_max3A_208 = arith.constant true
      %reduce_max3A_209 = vector.broadcast %reduce_max3A_208 : i1 to vector<16xi1>
      %reduce_max3A_210 = tpu.scan <max>, %parallel_loop3A_203#1 masked %reduce_max3A_209 : vector<16xf32>, vector<16xi1> -> vector<16xf32>
      %reduce_max3A_211 = vector.extract %reduce_max3A_210[15] : f32 from vector<16xf32>
      %sub3A_212 = arith.subf %reduce_max3A_211, %reduce_min3A_207 : f32
      %max3A_213 = arith.constant 9.99999996E-13 : f32
      %max3A_214 = arith.maximumf %sub3A_212, %max3A_213 : f32
      %broadcast_in_dim3A_215 = vector.broadcast %max3A_214 : f32 to vector<16xf32>
      %div3A_216 = arith.constant 1.638400e+04 : f32
      %div3A_217 = vector.broadcast %div3A_216 : f32 to vector<16xf32>
      %div3A_218 = arith.divf %div3A_217, %broadcast_in_dim3A_215 : vector<16xf32>
      %parallel_loop3A_219 = arith.constant 0 : i32
      %parallel_loop3A_220 = arith.constant 2048 : i32
      %parallel_loop3A_221 = arith.constant 16 : i32
      scf.for %parallel_loop3A_276 = %parallel_loop3A_219 to %parallel_loop3A_220 step %parallel_loop3A_221  : i32 {
        %parallel_loop3A_277 = arith.index_cast %parallel_loop3A_276 : i32 to index
        %parallel_loop3A_278 = tpu.vector_load %arg12[%parallel_loop3A_277] {strides = array<i32>} : memref<2048xf32, #tpu.memory_space<vmem>>, vector<16xf32>,
        %parallel_loop3A_279 = vector.broadcast %reduce_min3A_207 : f32 to vector<16xf32>
        %parallel_loop3A_280 = arith.subf %parallel_loop3A_278, %parallel_loop3A_279 : vector<16xf32>
        %parallel_loop3A_281 = arith.mulf %parallel_loop3A_280, %div3A_218 : vector<16xf32>
        %parallel_loop3A_282 = arith.fptosi %parallel_loop3A_281 : vector<16xf32> to vector<16xi32>
        %parallel_loop3A_283 = arith.constant 16383 : i32
        %parallel_loop3A_284 = vector.broadcast %parallel_loop3A_283 : i32 to vector<16xi32>
        %parallel_loop3A_285 = arith.minsi %parallel_loop3A_282, %parallel_loop3A_284 : vector<16xi32>
        %parallel_loop3A_286 = arith.index_cast %parallel_loop3A_276 : i32 to index
        %parallel_loop3A_287 = tpu.vector_load %arg13[%parallel_loop3A_286] {strides = array<i32>} : memref<2048xi32, #tpu.memory_space<vmem>>, vector<16xi32>,
        tpu.vector_store %arg13[%parallel_loop3A_286], %parallel_loop3A_285 {strides = array<i32>} : memref<2048xi32, #tpu.memory_space<vmem>>, vector<16xi32>,
        tpu.vector_store_idx %arg18[%parallel_loop3A_285], %broadcast_in_dim3A_7 {add = true} : memref<16384xi32, #tpu.memory_space<vmem>>[vector<16xi32>], vector<16xi32>,
      } {sc.loop_unroll_factor = 16 : i64, sc.parallel_access}
      %parallel_loop3A_222 = arith.constant 0 : i32
      %parallel_loop3A_223 = arith.constant 2048 : i32
      %parallel_loop3A_224 = arith.constant 16 : i32
      %parallel_loop3A_225 = scf.for %parallel_loop3A_276 = %parallel_loop3A_222 to %parallel_loop3A_223 step %parallel_loop3A_224 iter_args(%parallel_loop3A_277 = %broadcast_in_dim3A_5) -> (vector<16xi32>)  : i32 {
        %parallel_loop3A_278 = arith.index_cast %parallel_loop3A_276 : i32 to index
        %parallel_loop3A_279 = tpu.vector_load %arg13[%parallel_loop3A_278] {strides = array<i32>} : memref<2048xi32, #tpu.memory_space<vmem>>, vector<16xi32>,
        %parallel_loop3A_280 = tpu.vector_load_idx %arg18[%parallel_loop3A_279] : memref<16384xi32, #tpu.memory_space<vmem>>[vector<16xi32>], vector<16xi32>,
        %parallel_loop3A_281 = arith.index_cast %parallel_loop3A_276 : i32 to index
        %parallel_loop3A_282 = tpu.vector_load %arg14[%parallel_loop3A_281] {strides = array<i32>} : memref<2048xi32, #tpu.memory_space<vmem>>, vector<16xi32>,
        tpu.vector_store %arg14[%parallel_loop3A_281], %parallel_loop3A_280 {strides = array<i32>} : memref<2048xi32, #tpu.memory_space<vmem>>, vector<16xi32>,
        %parallel_loop3A_283 = arith.maxsi %parallel_loop3A_277, %parallel_loop3A_280 : vector<16xi32>
        scf.yield %parallel_loop3A_283 : vector<16xi32>
      } {sc.loop_unroll_factor = 16 : i64, sc.parallel_access}
      %reduce_max3A_226 = arith.constant true
      %reduce_max3A_227 = vector.broadcast %reduce_max3A_226 : i1 to vector<16xi1>
      %reduce_max3A_228 = arith.constant -2147483648 : i32
      %reduce_max3A_229 = vector.broadcast %reduce_max3A_228 : i32 to vector<16xi32>
      %reduce_max3A_230 = arith.xori %parallel_loop3A_225, %reduce_max3A_229 : vector<16xi32>
      %reduce_max3A_231 = tpu.scan <max>, %reduce_max3A_230 masked %reduce_max3A_227 : vector<16xi32>, vector<16xi1> -> vector<16xi32>
      %reduce_max3A_232 = arith.xori %reduce_max3A_231, %reduce_max3A_229 : vector<16xi32>
      %reduce_max3A_233 = vector.extract %reduce_max3A_232[15] : i32 from vector<16xi32>
      %broadcast_in_dim3A_234 = vector.broadcast %reduce_max3A_233 : i32 to vector<16xi32>
      %convert_element_type3A_235 = arith.sitofp %broadcast_in_dim3A_234 : vector<16xi32> to vector<16xf32>
      %neg3A_236 = arith.constant 0.000000e+00 : f32
      %neg3A_237 = vector.broadcast %neg3A_236 : f32 to vector<16xf32>
      %neg3A_238 = arith.subf %neg3A_237, %convert_element_type3A_235 : vector<16xf32>
      %exp3A_239 = math.exp %neg3A_238 : vector<16xf32>
      %parallel_loop3A_240 = arith.constant 0 : i32
      %parallel_loop3A_241 = arith.constant 2048 : i32
      %parallel_loop3A_242 = arith.constant 16 : i32
      %parallel_loop3A_243 = scf.for %parallel_loop3A_276 = %parallel_loop3A_240 to %parallel_loop3A_241 step %parallel_loop3A_242 iter_args(%parallel_loop3A_277 = %broadcast_in_dim3A_3) -> (vector<16xf32>)  : i32 {
        %parallel_loop3A_278 = arith.index_cast %parallel_loop3A_276 : i32 to index
        %parallel_loop3A_279 = tpu.vector_load %arg14[%parallel_loop3A_278] {strides = array<i32>} : memref<2048xi32, #tpu.memory_space<vmem>>, vector<16xi32>,
        %parallel_loop3A_280 = arith.sitofp %parallel_loop3A_279 : vector<16xi32> to vector<16xf32>
        %parallel_loop3A_281 = arith.subf %parallel_loop3A_280, %convert_element_type3A_235 : vector<16xf32>
        %parallel_loop3A_282 = math.exp %parallel_loop3A_281 : vector<16xf32>
        %parallel_loop3A_283 = tpu.vector_load_idx %arg19[%parallel_loop3A_279] : memref<2064xf32, #tpu.memory_space<vmem>>[vector<16xi32>], vector<16xf32>,
        %parallel_loop3A_284 = arith.index_cast %parallel_loop3A_276 : i32 to index
        %parallel_loop3A_285 = tpu.vector_load %arg15[%parallel_loop3A_284] {strides = array<i32>} : memref<2048xf32, #tpu.memory_space<vmem>>, vector<16xf32>,
        tpu.vector_store %arg15[%parallel_loop3A_284], %parallel_loop3A_282 {strides = array<i32>} : memref<2048xf32, #tpu.memory_space<vmem>>, vector<16xf32>,
        %parallel_loop3A_286 = arith.index_cast %parallel_loop3A_276 : i32 to index
        %parallel_loop3A_287 = tpu.vector_load %arg13[%parallel_loop3A_286] {strides = array<i32>} : memref<2048xi32, #tpu.memory_space<vmem>>, vector<16xi32>,
        tpu.vector_store_idx %arg18[%parallel_loop3A_287], %broadcast_in_dim3A_5 : memref<16384xi32, #tpu.memory_space<vmem>>[vector<16xi32>], vector<16xi32>,
        %parallel_loop3A_288 = arith.subf %parallel_loop3A_282, %exp3A_239 : vector<16xf32>
        %parallel_loop3A_289 = arith.mulf %parallel_loop3A_288, %parallel_loop3A_283 : vector<16xf32>
        %parallel_loop3A_290 = arith.addf %parallel_loop3A_277, %parallel_loop3A_289 : vector<16xf32>
        scf.yield %parallel_loop3A_290 : vector<16xf32>
      } {sc.loop_unroll_factor = 16 : i64, sc.parallel_access}
      %mul3A_244 = arith.constant 1.638400e+04 : f32
      %mul3A_245 = vector.broadcast %mul3A_244 : f32 to vector<16xf32>
      %mul3A_246 = arith.mulf %mul3A_245, %exp3A_239 : vector<16xf32>
      %reduce_sum3A_247 = arith.constant true
      %reduce_sum3A_248 = vector.broadcast %reduce_sum3A_247 : i1 to vector<16xi1>
      %reduce_sum3A_249 = tpu.scan <sum>, %parallel_loop3A_243 masked %reduce_sum3A_248 : vector<16xf32>, vector<16xi1> -> vector<16xf32>
      %reduce_sum3A_250 = vector.extract %reduce_sum3A_249[15] : f32 from vector<16xf32>
      %add3A_251 = vector.broadcast %reduce_sum3A_250 : f32 to vector<16xf32>
      %add3A_252 = arith.addf %mul3A_246, %add3A_251 : vector<16xf32>
      %mul3A_253 = arith.constant 1.600000e+01 : f32
      %mul3A_254 = vector.broadcast %mul3A_253 : f32 to vector<16xf32>
      %mul3A_255 = arith.mulf %mul3A_254, %exp3A_239 : vector<16xf32>
      %div3A_256 = arith.divf %mul3A_255, %add3A_252 : vector<16xf32>
      %div3A_257 = arith.constant 1.600000e+01 : f32
      %div3A_258 = vector.broadcast %div3A_257 : f32 to vector<16xf32>
      %div3A_259 = arith.divf %div3A_258, %add3A_252 : vector<16xf32>
      %convert_element_type3A_260 = arith.extui %gt3A_189 : i1 to i32
      %cond3A_261 = arith.constant 0 : i32
      %cond3A_262 = arith.cmpi ne, %convert_element_type3A_260, %cond3A_261 : i32
      scf.if %cond3A_262 {
        %dma_wait3A_276 = arith.constant 0 : i32
        %dma_wait3A_277 = arith.constant 0 : i32
        %dma_wait3A_278 = tpu.memref_slice %arg6[%dma_wait3A_276, %dma_wait3A_277] : memref<1024x16384xf32, #tpu.memory_space<hbm>> -> memref<1x16384xf32, #tpu.memory_space<hbm>>
        %dma_wait3A_279 = tpu.memref_squeeze %dma_wait3A_278 : memref<1x16384xf32, #tpu.memory_space<hbm>> -> memref<16384xf32, #tpu.memory_space<hbm>>
        %dma_wait3A_280 = arith.constant 0 : i32
        %dma_wait3A_281 = tpu.memref_slice %arg6[%dma_wait3A_276, %dma_wait3A_280] : memref<1024x16384xf32, #tpu.memory_space<hbm>> -> memref<1x16384xf32, #tpu.memory_space<hbm>>
        %dma_wait3A_282 = tpu.memref_squeeze %dma_wait3A_281 : memref<1x16384xf32, #tpu.memory_space<hbm>> -> memref<16384xf32, #tpu.memory_space<hbm>>
        tpu.wait_dma2 semaphore(%arg24 : memref<!tpu.dma_semaphore, #tpu.memory_space<semaphore_mem>>) src(%arg17 : memref<16384xf32, #tpu.memory_space<vmem>>) dst(%dma_wait3A_282 : memref<16384xf32, #tpu.memory_space<hbm>>)
      } else {
      }
      %parallel_loop3A_263 = arith.constant 0 : i32
      %parallel_loop3A_264 = arith.constant 16384 : i32
      %parallel_loop3A_265 = arith.constant 16 : i32
      scf.for %parallel_loop3A_276 = %parallel_loop3A_263 to %parallel_loop3A_264 step %parallel_loop3A_265  : i32 {
        %parallel_loop3A_277 = arith.index_cast %parallel_loop3A_276 : i32 to index
        %parallel_loop3A_278 = tpu.vector_load %arg11[%parallel_loop3A_277] {strides = array<i32>} : memref<16384xf32, #tpu.memory_space<vmem>>, vector<16xf32>,
        %parallel_loop3A_279 = arith.mulf %parallel_loop3A_278, %div3A_256 : vector<16xf32>
        %parallel_loop3A_280 = arith.index_cast %parallel_loop3A_276 : i32 to index
        %parallel_loop3A_281 = tpu.vector_load %arg17[%parallel_loop3A_280] {strides = array<i32>} : memref<16384xf32, #tpu.memory_space<vmem>>, vector<16xf32>,
        tpu.vector_store %arg17[%parallel_loop3A_280], %parallel_loop3A_279 {strides = array<i32>} : memref<16384xf32, #tpu.memory_space<vmem>>, vector<16xf32>,
      } {sc.loop_unroll_factor = 16 : i64, sc.parallel_access}
      %parallel_loop3A_266 = arith.constant 0 : i32
      %parallel_loop3A_267 = arith.constant 2048 : i32
      %parallel_loop3A_268 = arith.constant 16 : i32
      scf.for %parallel_loop3A_276 = %parallel_loop3A_266 to %parallel_loop3A_267 step %parallel_loop3A_268  : i32 {
        %parallel_loop3A_277 = arith.index_cast %parallel_loop3A_276 : i32 to index
        %parallel_loop3A_278 = tpu.vector_load %arg13[%parallel_loop3A_277] {strides = array<i32>} : memref<2048xi32, #tpu.memory_space<vmem>>, vector<16xi32>,
        %parallel_loop3A_279 = tpu.vector_load_idx %arg11[%parallel_loop3A_278] : memref<16384xf32, #tpu.memory_space<vmem>>[vector<16xi32>], vector<16xf32>,
        %parallel_loop3A_280 = arith.index_cast %parallel_loop3A_276 : i32 to index
        %parallel_loop3A_281 = tpu.vector_load %arg15[%parallel_loop3A_280] {strides = array<i32>} : memref<2048xf32, #tpu.memory_space<vmem>>, vector<16xf32>,
        %parallel_loop3A_282 = arith.mulf %parallel_loop3A_279, %parallel_loop3A_281 : vector<16xf32>
        %parallel_loop3A_283 = arith.mulf %parallel_loop3A_282, %div3A_259 : vector<16xf32>
        tpu.vector_store_idx %arg17[%parallel_loop3A_278], %parallel_loop3A_283 : memref<16384xf32, #tpu.memory_space<vmem>>[vector<16xi32>], vector<16xf32>,
      } {sc.loop_unroll_factor = 16 : i64, sc.parallel_access}
      %dma_start3A_269 = arith.constant 0 : i32
      %dma_start3A_270 = tpu.memref_slice %arg6[%add3A_185, %dma_start3A_269] : memref<1024x16384xf32, #tpu.memory_space<hbm>> -> memref<1x16384xf32, #tpu.memory_space<hbm>>
      %dma_start3A_271 = tpu.memref_squeeze %dma_start3A_270 : memref<1x16384xf32, #tpu.memory_space<hbm>> -> memref<16384xf32, #tpu.memory_space<hbm>>
      %dma_start3A_272 = arith.constant 0 : i32
      %dma_start3A_273 = tpu.memref_slice %arg6[%add3A_185, %dma_start3A_272] : memref<1024x16384xf32, #tpu.memory_space<hbm>> -> memref<1x16384xf32, #tpu.memory_space<hbm>>
      %dma_start3A_274 = tpu.memref_squeeze %dma_start3A_273 : memref<1x16384xf32, #tpu.memory_space<hbm>> -> memref<16384xf32, #tpu.memory_space<hbm>>
      tpu.enqueue_dma source(%arg17 : memref<16384xf32, #tpu.memory_space<vmem>>) target(%dma_start3A_274 : memref<16384xf32, #tpu.memory_space<hbm>>) target_semaphore(%arg24 : memref<!tpu.dma_semaphore, #tpu.memory_space<semaphore_mem>>)
      %scan3A_275 = arith.constant 0 : i32
      scf.yield %scan3A_275 : i32
    }
    %scan3A_53 = arith.constant 16 : i32
    %dma_wait3A_54 = arith.constant 0 : i32
    %dma_wait3A_55 = arith.constant 0 : i32
    %dma_wait3A_56 = tpu.memref_slice %arg6[%dma_wait3A_54, %dma_wait3A_55] : memref<1024x16384xf32, #tpu.memory_space<hbm>> -> memref<1x16384xf32, #tpu.memory_space<hbm>>
    %dma_wait3A_57 = tpu.memref_squeeze %dma_wait3A_56 : memref<1x16384xf32, #tpu.memory_space<hbm>> -> memref<16384xf32, #tpu.memory_space<hbm>>
    %dma_wait3A_58 = arith.constant 0 : i32
    %dma_wait3A_59 = tpu.memref_slice %arg6[%dma_wait3A_54, %dma_wait3A_58] : memref<1024x16384xf32, #tpu.memory_space<hbm>> -> memref<1x16384xf32, #tpu.memory_space<hbm>>
    %dma_wait3A_60 = tpu.memref_squeeze %dma_wait3A_59 : memref<1x16384xf32, #tpu.memory_space<hbm>> -> memref<16384xf32, #tpu.memory_space<hbm>>
    tpu.wait_dma2 semaphore(%arg23 : memref<!tpu.dma_semaphore, #tpu.memory_space<semaphore_mem>>) src(%arg16 : memref<16384xf32, #tpu.memory_space<vmem>>) dst(%dma_wait3A_60 : memref<16384xf32, #tpu.memory_space<hbm>>)
    %dma_wait3A_61 = arith.constant 0 : i32
    %dma_wait3A_62 = arith.constant 0 : i32
    %dma_wait3A_63 = tpu.memref_slice %arg6[%dma_wait3A_61, %dma_wait3A_62] : memref<1024x16384xf32, #tpu.memory_space<hbm>> -> memref<1x16384xf32, #tpu.memory_space<hbm>>
    %dma_wait3A_64 = tpu.memref_squeeze %dma_wait3A_63 : memref<1x16384xf32, #tpu.memory_space<hbm>> -> memref<16384xf32, #tpu.memory_space<hbm>>
    %dma_wait3A_65 = arith.constant 0 : i32
    %dma_wait3A_66 = tpu.memref_slice %arg6[%dma_wait3A_61, %dma_wait3A_65] : memref<1024x16384xf32, #tpu.memory_space<hbm>> -> memref<1x16384xf32, #tpu.memory_space<hbm>>
    %dma_wait3A_67 = tpu.memref_squeeze %dma_wait3A_66 : memref<1x16384xf32, #tpu.memory_space<hbm>> -> memref<16384xf32, #tpu.memory_space<hbm>>
    tpu.wait_dma2 semaphore(%arg24 : memref<!tpu.dma_semaphore, #tpu.memory_space<semaphore_mem>>) src(%arg17 : memref<16384xf32, #tpu.memory_space<vmem>>) dst(%dma_wait3A_67 : memref<16384xf32, #tpu.memory_space<hbm>>)
    return
  }
}

</mosaic_0001>

<sc_bundles>
// kernel: prob_dropout_sc.3.cloned.1.call-start
scs
__scs_entry_jumppad:
0x0: {  	(pc) =	sbr.rel $0x88, $3  }
0x1: {  	(tag) =	ssettag $0x0;
	lr =	simm.s32 $0x1  }
0x2: {  	[smem:$0x3F9D] =	sst lr;
	_ =	strace $0xD0000000  }
0x3: {  	_ = 	snop  }
0x4: {  	_ = 	snop  }
0x5: {  	_ = 	snop  }
0x6: {  	_ = 	snop  }
0x7: {  	_ = 	snop  }
__scs_overlays_trampoline_lowered:
0x8: {  	[smem:$0x3FAC] =	sst s0  }
0x9: {  	[smem:$0x3FAD] =	sst s1  }
0xa: {  	[smem:$0x3FAE] =	sst s2  }
0xb: {  	[smem:$0x3FAF] =	sst s3  }
0xc: {  	[smem:$0x3FB0] =	sst s4  }
0xd: {  	[smem:$0x3FB1] =	sst s5  }
0xe: {  	[smem:$0x3FB2] =	sst s6  }
0xf: {  	[smem:$0x3FB3] =	sst s7  }
0x10: {  	[smem:$0x3FB4] =	sst s8  }
0x11: {  	[smem:$0x3FB5] =	sst s9;
	s0 =	simm.s32 @!p0 $0x0  }
0x12: {  	s1 =	sld [smem:$0x3F9B];
	s0 =	simm.s32 @p0 $0x1  }
0x13: {  	[smem:$0x3FB6] =	sst s0;
	s0 =	simm.s32 @!p1 $0x0  }
0x14: {  	s2 =	sld [smem:$0x3F9A];
	s0 =	simm.s32 @p1 $0x1  }
0x15: {  	[smem:$0x3FB7] =	sst s0;
	s0 =	simm.s32 @!p2 $0x0  }
0x16: {  	s3 =	sld [smem:$0x3FDB];
	s0 =	simm.s32 @p2 $0x1  }
0x17: {  	s4 =	simm.s32 $0x1BF5;
	[smem:$0x3FB9] =	sst s0  }
0x18: {  	s0 =	sld [smem:$0x3F9C];
	_ =	swait.ge [sflag:s4], $0x0  }
0x19: {  	s7 =	sld [smem:$0x3F9D]  }
0x1a: {  	s8 =	sadd.s32 $0xFFFFE003, lr  }
0x1b: {  	s9 =	sadd.s32 $0xFFFFFEF7, lr;
	s5 =	simm.s32 $0xFFFFFFFF;
	p2 =	slt.u32 s8, $0xFFFFF086  }
0x1c: {  	p1 =	slt.u32 s9, $0xF7A;
	s5 =	simm.s32 @!p2 $0x0  }
0x1d: {  	s5 =	simm.s32 @p1 $0x1;
	p0 =	seq.s32 s7, s2  }
0x1e: {  	s7 =	smul.u32 @!p0 $0xF7A, s2;
	p2 =	seq.s32 @!p0 s5, $0x0  }
0x1f: {  	s9 =	smul.u32 $0xF7A, s1;
	s8 =	simm.s32 @!p0 $0x1BF5;
	p2 =	por !p2, p0  }
0x20: {  	[sflag:s8] =	ssyncset.s32 @!p0 $0xFFFFF086;
	s6 =	sadd.s32 @!p0 s3, s7;
	s7 =	simm.s32 @!p0 $0x108  }
0x21: {  	s3 =	sadd.s32 s3, s9;
	s6 =	sadd.s32 @!p0 $0x88, s6;
	s7 =	simm.s32 @p2 $0x1082  }
0x22: {  	[simem:s7], [sflag:s8] =	dma.local @!p0 [hbm:s6], $0xF7A  }
0x23: {  	s9 =	sor.u32 $0xD0000000, s2;
	s6 =	simm.s32 $0x108;
	_ =	swait.ge @!p0 [sflag:s8], $0x0  }
0x24: {  	s3 =	sadd.s32 $0x88, s3;
	s6 =	simm.s32 @!p1 $0x1082;
	[sflag:s4] =	ssyncset.s32 $0xFFFFF086  }
0x25: {  	[simem:s6], [sflag:s4] =	dma.local [hbm:s3], $0xF7A  }
0x26: {  	[smem:$0x3F9D] =	sst s1;
	(tag) =	ssettag s2;
	_ =	strace s9  }
0x27: {  	s1 =	sld [smem:$0x3FAD]  }
0x28: {  	s2 =	sld [smem:$0x3FAE]  }
0x29: {  	s4 =	sld [smem:$0x3FB0]  }
0x2a: {  	p0 =	seq.s32 s5, $0x0;
	s5 =	sld [smem:$0x3FB1]  }
0x2b: {  	s6 =	sld [smem:$0x3FB2]  }
0x2c: {  	s7 =	sld [smem:$0x3FB3]  }
0x2d: {  	s3 =	simm.s32 $0x108;
	s8 =	sld [smem:$0x3FB4]  }
0x2e: {  	s3 =	simm.s32 @!p0 $0x1082;
	s9 =	sld [smem:$0x3FB5]  }
0x2f: {  	lr =	sadd.s32 s0, s3;
	s0 =	sld [smem:$0x3FAC]  }
0x30: {  	s3 =	sld [smem:$0x3FAF]  }
0x31: {  	[smem:$0x3FB8] =	sst s10  }
0x32: {  	s10 =	sld [smem:$0x3FB6];
	_ =	sdelay $0x3  }
0x33: {  	p0 =	seq.s32 s10, $0x1;
	s10 =	sld [smem:$0x3FB8];
	_ =	sdelay $0x3  }
0x34: {  	[smem:$0x3FB8] =	sst s10  }
0x35: {  	s10 =	sld [smem:$0x3FB7];
	_ =	sdelay $0x3  }
0x36: {  	p1 =	seq.s32 s10, $0x1;
	s10 =	sld [smem:$0x3FB8];
	_ =	sdelay $0x3  }
0x37: {  	[smem:$0x3FB8] =	sst s10  }
0x38: {  	s10 =	sld [smem:$0x3FB9]  }
0x39: {  	_ = 	snop;
	(pc) =	sbr.ind lr, $3  }
0x3a: {  	_ = 	snop  }
0x3b: {  	_ = 	snop  }
0x3c: {  	p2 =	seq.s32 s10, $0x1;
	s10 =	sld [smem:$0x3FB8]  }
0x3d: {  	_ =	shalt  }
0x3e: {  	_ =	shalt  }
0x3f: {  	_ =	shalt  }
0x40: {  	_ =	shalt  }
0x41: {  	_ =	shalt  }
0x42: {  	_ =	shalt  }
0x43: {  	_ =	shalt  }
0x44: {  	_ =	shalt  }
0x45: {  	_ =	shalt  }
0x46: {  	_ =	shalt  }
0x47: {  	_ =	shalt  }
0x48: {  	_ =	shalt  }
0x49: {  	_ =	shalt  }
0x4a: {  	_ =	shalt  }
0x4b: {  	_ =	shalt  }
0x4c: {  	_ =	shalt  }
0x4d: {  	_ =	shalt  }
0x4e: {  	_ =	shalt  }
0x4f: {  	_ =	shalt  }
0x50: {  	_ =	shalt  }
0x51: {  	_ =	shalt  }
0x52: {  	_ =	shalt  }
0x53: {  	_ =	shalt  }
0x54: {  	_ =	shalt  }
0x55: {  	_ =	shalt  }
0x56: {  	_ =	shalt  }
0x57: {  	_ =	shalt  }
0x58: {  	_ =	shalt  }
0x59: {  	_ =	shalt  }
0x5a: {  	_ =	shalt  }
0x5b: {  	_ =	shalt  }
0x5c: {  	_ =	shalt  }
0x5d: {  	_ =	shalt  }
0x5e: {  	_ =	shalt  }
0x5f: {  	_ =	shalt  }
0x60: {  	_ =	shalt  }
0x61: {  	_ =	shalt  }
0x62: {  	_ =	shalt  }
0x63: {  	_ =	shalt  }
0x64: {  	_ =	shalt  }
0x65: {  	_ =	shalt  }
0x66: {  	_ =	shalt  }
0x67: {  	_ =	shalt  }
0x68: {  	_ =	shalt  }
0x69: {  	_ =	shalt  }
0x6a: {  	_ =	shalt  }
0x6b: {  	_ =	shalt  }
0x6c: {  	_ =	shalt  }
0x6d: {  	_ =	shalt  }
0x6e: {  	_ =	shalt  }
0x6f: {  	_ =	shalt  }
0x70: {  	_ =	shalt  }
0x71: {  	_ =	shalt  }
0x72: {  	_ =	shalt  }
0x73: {  	_ =	shalt  }
0x74: {  	_ =	shalt  }
0x75: {  	_ =	shalt  }
0x76: {  	_ =	shalt  }
0x77: {  	_ =	shalt  }
0x78: {  	_ =	shalt  }
0x79: {  	_ =	shalt  }
0x7a: {  	_ =	shalt  }
0x7b: {  	_ =	shalt  }
0x7c: {  	_ =	shalt  }
0x7d: {  	_ =	shalt  }
0x7e: {  	_ =	shalt  }
0x7f: {  	_ =	shalt  }
0x80: {  	_ =	shalt  }
0x81: {  	_ =	shalt  }
0x82: {  	_ =	shalt  }
0x83: {  	_ =	shalt  }
0x84: {  	_ =	shalt  }
0x85: {  	_ =	shalt  }
0x86: {  	_ =	shalt  }
0x87: {  	_ =	shalt  }
.Lfunc_end0:
.L_simem_size_0:
called_computation_lowered:
.L_overlay_start_0:
0x88: {  	s2 =	sld [smem:$0x3FD9]  }
0x89: {  	s3 =	sld [smem:$0x3FFE];
	_ =	sdelay $0x1  }
0x8a: {  	s1 =	srdreg.scid  }
0x8b: {  	s0 =	sand.u32 $0x1, s1  }
0x8c: {  	s18 =	sshll.u32 s0, $0xA;
	s2 =	sadd.s32 s3, s2  }
0x8d: {  	s2 =	sadd.s32 s2, s18  }
0x8e: {  	[smem:$0x3FC4] =	sst s2  }
0x8f: {  	_ = 	snop  }
0x90: {  	s2 =	sld [smem:$0x3FC9]  }
0x91: {  	s19 =	sld [smem:$0x3FC8]  }
0x92: {  	s4 =	sld [smem:$0x3FC7]  }
0x93: {  	s5 =	sld [smem:$0x3FC6]  }
0x94: {  	s6 =	sld [smem:$0x3FD0];
	(tm) =	ssettm $0x1  }
0x95: {  	s7 =	sld [smem:$0x3FFB];
	_ =	sdelay $0x3  }
0x96: {  	_ =	strace s7  }
0x97: {  	s7 =	sld [smem:$0x3FFC];
	_ =	sdelay $0x3  }
0x98: {  	_ =	strace s7  }
0x99: {  	s7 =	sld [smem:$0x3FFD];
	_ =	sdelay $0x3  }
0x9a: {  	_ =	strace s7  }
0x9b: {  	_ =	strace $0x8FFFFFFF  }
0x9c: {  	s20 =	sld [smem:$0x3FDB];
	_ =	sdelay $0x1  }
0x9d: {  	s8 =	simm.s32 $_scs_section_size  }
0x9e: {  	s9 =	simm.s32 $_size__tile_overlayer_lowered;
	s10 =	simm.s32 $_tile_overlayer_lowered  }
0x9f: {  	s23 =	simm.s32 $0x1BFF;
	s22 =	sshll.u32 s10, $0x1;
	s7 =	sadd.s32 s8, s20  }
0xa0: {  	s11 =	simm.s32 $0x0;
	s21 =	sshll.u32 s9, $0x1;
	s9 =	sadd.s32 s22, s7  }
0xa1: {  	[timem:s11], [sflag:s23] =	dma.local [hbm:s9], s21  }
0xa2: {  	_ =	swait.ge [sflag:s23], s21  }
0xa3: {  	s8 =	ssub.s32 $0x0, s21;
	[sflag:s23] =	ssyncset.done $0x0  }
0xa4: {  	[sflag:s23] =	ssyncadd.s32 s8;
	_ =	sdelay $0x1  }
0xa5: {  	s24 =	simm.s32 $0x1B8B  }
0xa6: {  	_ =	swait.ge [sflag:s24], $0x1  }
0xa7: {  	[sflag:s24] =	ssyncset.done $0x0  }
0xa8: {  	s25 =	simm.s32 $0x1B8E;
	[sflag:s24] =	ssyncadd.s32 $0xFFFFFFFF  }
0xa9: {  	s26 =	simm.s32 $execute0_lowered;
	[smem:$0x3FD2] =	sst s25  }
0xaa: {  	s8 =	sshll.u32 s26, $0x1;
	_ =	strace $0x80000046;
	[dreg:$0x1] =	wrdreg $0xFFFFFFFF  }
0xab: {  	s28 =	simm.s32 $_size_execute0_lowered;
	s7 =	sadd.s32 s7, s8;
	[dreg:$0x0] =	wrdreg $0x0  }
0xac: {  	s8 =	sshll.u32 s28, $0x1;
	[dreg:$0x2] =	wrdreg s7  }
0xad: {  	[dreg:$0x3] =	wrdreg s8  }
0xae: {  	[dreg:$0x4] =	wrdreg $0xC0  }
0xaf: {  	_ =	task [dreg:s11], $0x5FFFF  }
0xb0: {  	[dreg:$0x1] =	wrdreg $0xFFFFFFFF  }
0xb1: {  	[dreg:$0x0] =	wrdreg $0x60  }
0xb2: {  	[dreg:$0x2] =	wrdreg s2  }
0xb3: {  	[dreg:$0x3] =	wrdreg s19  }
0xb4: {  	[dreg:$0x4] =	wrdreg s4  }
0xb5: {  	[dreg:$0x5] =	wrdreg s5  }
0xb6: {  	[dreg:$0x6] =	wrdreg s6  }
0xb7: {  	[dreg:$0x7] =	wrdreg $0x9  }
0xb8: {  	_ =	task.clear_ibuf [dreg:s11], $0x8FFFF;
	_ =	strace $0x90000046  }
0xb9: {  	s29 =	simm.s32 $0x9;
	_ =	strace $0x80000048  }
0xba: {  	_ =	swait.ge [sflag:s29], $0x1  }
0xbb: {  	[sflag:s29] =	ssyncadd.s32 $0xFFFFFFFF  }
0xbc: {  	_ =	strace $0x90000048  }
0xbd: {  	_ =	sfence  }
0xbe: {  	s30 =	sld [smem:$0x0];
	_ =	sdelay $0x2  }
0xbf: {  	s31 =	sshll.u32 s1, $0xD;
	s1 =	sshrl.u32 s1, $0x2  }
0xc0: {  	s3 =	sand.u32 $0x4000, s31;
	s1 =	sadd.s32 s1, s30  }
0xc1: {  	s0 =	sor.u32 s3, s0;
	s1 =	sshll.u32 s1, $0x11  }
0xc2: {  	s0 =	sor.u32 s1, s0  }
0xc3: {  	s0 =	sadd.s32 $0x8F2B, s0  }
0xc4: {  	[sflag:s0] =	ssyncadd.remote.s32 $0x1  }
0xc5: {  	_ =	sfence.sel $0xFFFF  }
0xc6: {  	[dreg:$0x0] =	wrdreg $0xFFFFFFFF;
	(pc) =	sbr.abs _section_cstart, $3  }
0xc7: {  	[dreg:$0x1] =	wrdreg $0xFFFFFFFF  }
0xc8: {  	_ =	task.clear_ibuf [dreg:s11], $0x2FFFF;
	_ =	strace $0x9FFFFFFF  }
0xc9: {  	(tm) =	ssettm $0x7FFFFFFF  }
tec
execute0_lowered:
.L_overlay_start_1:
0x0: {  	(tag) =	ssettag $0x1  }
0x1: {  	v0 =	vimm.f32 $2.063000000e+03;
	vm7 =	vcmask $0x300  }
0x2: {  	vm8 =	vcmask $0x704;
	v0 =	vsel vm7, $0x45000000, v0  }
0x3: {  	vm5 =	vcmask $0xB08;
	v0 =	vsel vm8, $0x45001000, v0  }
0x4: {  	vm11 =	vcmask $0xF0C;
	v0 =	vsel vm5, $0x45002000, v0  }
0x5: {  	vm10 =	vcmask $0x1310;
	v0 =	vsel vm11, $0x45003000, v0  }
0x6: {  	vm9 =	vcmask $0x1714;
	v0 =	vsel vm10, $0x45004000, v0  }
0x7: {  	vm6 =	vcmask $0x1B18;
	v0 =	vsel vm9, $0x45005000, v0  }
0x8: {  	vm3 =	vcmask $0x1F1C;
	v0 =	vsel vm6, $0x45006000, v0  }
0x9: {  	vm1 =	vcmask $0x2320;
	v0 =	vsel vm3, $0x45007000, v0  }
0xa: {  	vm0 =	vcmask $0x2724;
	v0 =	vsel vm1, $0x45008000, v0  }
0xb: {  	s0 =	rddreg [dreg:$0x0];
	vm2 =	vcmask $0x2B28;
	v1 =	vimm.f32 $1.500000000e+01;
	v0 =	vsel vm0, $0x45009000, v0  }
0xc: {  	s1 =	rddreg [dreg:$0x1];
	vm4 =	vcmask $0x2F2C;
	v1 =	vsel vm7, $0x0, v1;
	v0 =	vsel vm2, $0x4500A000, v0  }
0xd: {  	s12 =	rddreg [dreg:$0x2];
	vm13 =	vcmask $0x3330;
	v1 =	vsel vm8, $0x3F800000, v1;
	v0 =	vsel vm4, $0x4500B000, v0  }
0xe: {  	s2 =	rddreg [dreg:$0x3];
	s3 =	simm.s32 $0x0;
	vm14 =	vcmask $0x3734;
	v1 =	vsel vm5, $0x40000000, v1;
	v0 =	vsel vm13, $0x4500C000, v0  }
0xf: {  	vm15 =	vcmask $0x3B38;
	[smem:$0x7FF] =	sst s3;
	v1 =	vsel vm11, $0x40400000, v1;
	v0 =	vsel vm14, $0x4500D000, v0  }
0x10: {  	s17 =	rddreg [dreg:$0x4];
	s23 =	srdreg.scid;
	_ =	strace $0x80000047;
	v1 =	vsel vm10, $0x40800000, v1;
	v0 =	vsel vm15, $0x4500E000, v0  }
0x11: {  	s4 =	stileid.u32;
	s14 =	simm.s32 $0x80;
	s15 =	simm.s32 $0x400;
	(erf) = vrcp.f32 v0;
	v0 =	vsel vm9, $0x40A00000, v1  }
0x12: {  	s16 =	simm.s32 $0x6000;
	s18 =	simm.s32 $0xA000;
	s19 =	simm.s32 $0x18000;
	v0 =	vsel vm6, $0x40C00000, v0  }
0x13: {  	s20 =	simm.s32 $0x1C000;
	s3 =	sand.u32 $0x1, s23;
	s4 =	sshll.u32 s4, $0x1;
	v0 =	vsel vm3, $0x40E00000, v0  }
0x14: {  	s21 =	simm.s32 $0x10000;
	s5 =	ssub.s32 $0x2, s3;
	s3 =	sor.u32 s3, s4;
	v0 =	vsel vm1, $0x41000000, v0  }
0x15: {  	s22 =	simm.s32 $0x3;
	s6 =	sshll.u32 s3, $0x9;
	s25 =	sshll.u32 s3, $0x5;
	v0 =	vsel vm0, $0x41100000, v0  }
0x16: {  	s24 =	sshrl.u32 s5, $0x1;
	[dreg:$0x6] =	wrdreg s25;
	s0 =	sadd.s32 s0, s6;
	v0 =	vsel vm2, $0x41200000, v0  }
0x17: {  	s29 =	sshll.u32 s3, $0x10;
	s26 =	sadd.s32 s1, s6;
	[dreg:$0x7] =	wrdreg s0;
	v0 =	vsel vm4, $0x41300000, v0  }
0x18: {  	s28 =	sshll.u32 s3, $0xD;
	s30 =	sadd.s32 s12, s29;
	[dreg:$0x8] =	wrdreg s26;
	v0 =	vsel vm13, $0x41400000, v0  }
0x19: {  	s4 =	ssub.s32 s5, s24;
	s0 =	sadd.s32 s2, s28;
	[dreg:$0xa] =	wrdreg s30  }
0x1a: {  	s23 =	simm.s32 $0x14000;
	s31 =	smax.u32 s4, $0x1;
	[dreg:$0x9] =	wrdreg s0;
	v2 =	vsel vm14, $0x41500000, v0  }
0x1b: {  	v3 =	vimm.s32 $0x1;
	s6 =	simm.s32 $0x4;
	s2 =	simm.s32 $0x0;
	[dreg:$0xb] =	wrdreg s31;
	v1 =	vimm.s32 $0x0;
	v2 =	vsel vm15, $0x41600000, v2;
	v0 =	vpop (erf)  }
.LBB2_1:
0x1c: {  	s0 =	simm.s32 $0x0;
	s1 =	rddreg [dreg:$0x7]  }
0x1d: {  	[tilespmem:s0], [sflag:$0x4] =	stream.linear.gather [hbm4b:s1+s0], $0x1000, $0x38;
	[tilespmem:$0x1C880] =	vst v63  }
0x1e: {  	s30 =	rddreg [dreg:$0x8];
	s31 =	simm.s32 $0x1000  }
0x1f: {  	[tilespmem:s31], [sflag:$0x4] =	stream.linear.gather [hbm4b:s30+s0], $0x1000, $0x38;
	[tilespmem:$0x1C880] =	vst v63  }
0x20: {  	[dreg:$0xc] =	wrdreg s2;
	s0 =	simm.s32 $0x18040  }
0x21: {  	[tilespmem:s0+$0xFFFFFFC0] =	vst v1  }
0x22: {  	[tilespmem:s0+$0x30] =	vst v1  }
0x23: {  	[tilespmem:s0+$0x20] =	vst v1  }
0x24: {  	[tilespmem:s0+$0x10] =	vst v1  }
0x25: {  	[tilespmem:s0+$0x0] =	vst v1  }
0x26: {  	[tilespmem:s0+$0xFFFFFFF0] =	vst v1  }
0x27: {  	s2 =	simm.s32 $0x0;
	s1 =	simm.s32 $0x1C040;
	[tilespmem:s0+$0xFFFFFFE0] =	vst v1  }
.LBB2_2:
0x28: {  	s2 =	sadd.s32 $0x80, s2;
	[tilespmem:s0+$0xFFFFFFD0] =	vst v1;
	s0 =	sadd.s32 $0x80, s0  }
0x29: {  	[tilespmem:s0+$0xFFFFFFC0] =	vst v1;
	p0 =	slt.u32 s2, $0x3F80  }
0x2a: {  	[tilespmem:s0+$0x30] =	vst v1  }
.Ltmp0:
0x2b: {  	[tilespmem:s0+$0x20] =	vst v1;
	(pc) =	sbr.rel @p0 .LBB2_2-.Ltmp0, $4  }
0x2c: {  	[tilespmem:s0+$0x10] =	vst v1  }
0x2d: {  	[tilespmem:s0+$0x0] =	vst v1  }
0x2e: {  	[tilespmem:s0+$0xFFFFFFF0] =	vst v1  }
0x2f: {  	[tilespmem:s0+$0xFFFFFFE0] =	vst v1  }
0x30: {  	s2 =	simm.s32 $0x0;
	s7 =	simm.s32 $0x10  }
0x31: {  	s3 =	simm.s32 $0x70;
	s8 =	simm.s32 $0x20;
	s4 =	simm.s32 $0x30;
	v4 =	vmov s2;
	v5 =	vmov s7  }
0x32: {  	s9 =	simm.s32 $0x40;
	v6 =	vmov s3;
	v7 =	vmov s8;
	v8 =	vmov s4  }
0x33: {  	s10 =	simm.s32 $0x50;
	v9 =	vmov s9;
	v4 =	vcvt.s32.f32 v4;
	v6 =	vcvt.s32.f32 v6  }
0x34: {  	s11 =	simm.s32 $0x60;
	v10 =	vmov s10;
	v5 =	vcvt.s32.f32 v5;
	v7 =	vcvt.s32.f32 v7  }
0x35: {  	s28 =	simm.s32 $0xB0;
	v11 =	vmov s11;
	v8 =	vcvt.s32.f32 v8;
	v6 =	vbroadcast v6, $0x0  }
0x36: {  	v56 =	vmov s28;
	v9 =	vcvt.s32.f32 v9;
	v5 =	vbroadcast v5, $0x0  }
0x37: {  	v10 =	vcvt.s32.f32 v10;
	v7 =	vbroadcast v7, $0x0;
	v6 =	vadd.f32 v2, v6  }
0x38: {  	v11 =	vcvt.s32.f32 v11;
	v8 =	vbroadcast v8, $0x0;
	v5 =	vadd.f32 v2, v5  }
0x39: {  	v9 =	vbroadcast v9, $0x0;
	v7 =	vadd.f32 v2, v7;
	(erf) = vrcp.f32 v6  }
0x3a: {  	v54 =	vbroadcast v10, $0x0;
	v6 =	vadd.f32 v2, v8;
	(erf) = vrcp.f32 v5  }
0x3b: {  	v55 =	vbroadcast v11, $0x0;
	v5 =	vadd.f32 v2, v9;
	(erf) = vrcp.f32 v7  }
0x3c: {  	s29 =	simm.s32 $0xC0;
	v4 =	vbroadcast v4, $0x0;
	v7 =	vadd.f32 v2, v54;
	(erf) = vrcp.f32 v6  }
0x3d: {  	s25 =	simm.s32 $0xF0;
	v57 =	vmov s29;
	v6 =	vadd.f32 v2, v55;
	(erf) = vrcp.f32 v5  }
0x3e: {  	s24 =	simm.s32 $0x90;
	v4 =	vadd.f32 v2, v4;
	(erf) = vrcp.f32 v7;
	v7 =	vmov s25  }
0x3f: {  	s26 =	simm.s32 $0xA0;
	(erf) = vrcp.f32 v6;
	v6 =	vmov s24;
	v7 =	vcvt.s32.f32 v7  }
0x40: {  	s30 =	simm.s32 $0xD0;
	(erf) = vrcp.f32 v4;
	v4 =	vmov s26;
	v6 =	vcvt.s32.f32 v6  }
0x41: {  	s31 =	simm.s32 $0xE0;
	v58 =	vmov s30;
	v4 =	vcvt.s32.f32 v4;
	v7 =	vbroadcast v7, $0x0  }
0x42: {  	v59 =	vmov s31;
	v10 =	vcvt.s32.f32 v58;
	v6 =	vbroadcast v6, $0x0  }
0x43: {  	v8 =	vcvt.s32.f32 v56;
	v4 =	vbroadcast v4, $0x0;
	v7 =	vadd.f32 v2, v7  }
0x44: {  	[tilespmem:s0+$0xFFFFFFD0] =	vst v1;
	v11 =	vcvt.s32.f32 v59;
	v9 =	vcvt.s32.f32 v57;
	v12 =	vpop (erf);
	v6 =	vadd.f32 v2, v6  }
0x45: {  	s13 =	simm.s32 $0x80;
	v10 =	vbroadcast v10, $0x0;
	v8 =	vbroadcast v8, $0x0;
	[tilespmem:s1+$0x30] =	vst v12;
	v60 =	vpop (erf);
	v4 =	vadd.f32 v2, v4  }
0x46: {  	v9 =	vbroadcast v9, $0x0;
	v5 =	vmov s13;
	[tilespmem:s1+$0xFFFFFFD0] =	vst v60;
	v61 =	vpop (erf);
	(erf) = vrcp.f32 v7  }
0x47: {  	v8 =	vadd.f32 v2, v8;
	v5 =	vcvt.s32.f32 v5;
	[tilespmem:s1+$0xFFFFFFE0] =	vst v61;
	(erf) = vrcp.f32 v6;
	v7 =	vpop (erf)  }
0x48: {  	v62 =	vbroadcast v11, $0x0;
	(erf) = vrcp.f32 v4;
	[tilespmem:s1+$0xFFFFFFF0] =	vst v7;
	v6 =	vpop (erf);
	v7 =	vadd.f32 v2, v9  }
0x49: {  	v5 =	vbroadcast v5, $0x0;
	[tilespmem:s1+$0x0] =	vst v6;
	v4 =	vpop (erf);
	v6 =	vadd.f32 v2, v10;
	(erf) = vrcp.f32 v8  }
0x4a: {  	s0 =	simm.s32 $0x100;
	v63 =	vadd.f32 v2, v62;
	[tilespmem:s1+$0x10] =	vst v4;
	v4 =	vpop (erf);
	(erf) = vrcp.f32 v7  }
0x4b: {  	v5 =	vadd.f32 v2, v5;
	v7 =	vmov s0;
	[tilespmem:s1+$0x20] =	vst v4;
	v4 =	vpop (erf);
	(erf) = vrcp.f32 v6  }
0x4c: {  	s4 =	simm.s32 $0x110;
	s3 =	simm.s32 $0x170;
	s2 =	simm.s32 $0x180;
	[tilespmem:s1+$0xFFFFFFC0] =	vst v4;
	v4 =	vcvt.s32.f32 v7;
	(erf) = vrcp.f32 v63  }
.LBB2_4:
0x4d: {  	p0 =	slt.u32 s2, $0x780;
	v6 =	vmov s4;
	s4 =	sadd.s32 $0x20, s0;
	s5 =	sadd.s32 $0x30, s0;
	v7 =	vmov s3;
	(erf) = vrcp.f32 v5  }
0x4e: {  	s3 =	sadd.s32 $0x40, s0;
	v5 =	vmov s4;
	v8 =	vmov s5;
	v7 =	vcvt.s32.f32 v7  }
0x4f: {  	s1 =	sadd.s32 $0x80, s1;
	v6 =	vcvt.s32.f32 v6;
	v9 =	vmov s3;
	s3 =	sadd.s32 $0x50, s0;
	v5 =	vcvt.s32.f32 v5;
	v10 =	vpop (erf)  }
0x50: {  	v8 =	vcvt.s32.f32 v8;
	v11 =	vmov s3;
	s3 =	sadd.s32 $0x60, s0;
	s0 =	smov.u32 s2;
	v7 =	vbroadcast v7, $0x0;
	[tilespmem:s1+$0x30] =	vst v10;
	v10 =	vpop (erf)  }
0x51: {  	v9 =	vcvt.s32.f32 v9;
	v6 =	vbroadcast v6, $0x0;
	v12 =	vmov s3;
	[tilespmem:s1+$0xFFFFFFD0] =	vst v10;
	v10 =	vpop (erf)  }
0x52: {  	v11 =	vcvt.s32.f32 v11;
	v5 =	vbroadcast v5, $0x0;
	v13 =	vadd.f32 v2, v7;
	[tilespmem:s1+$0xFFFFFFE0] =	vst v10;
	v10 =	vpop (erf)  }
0x53: {  	v8 =	vbroadcast v8, $0x0;
	v12 =	vcvt.s32.f32 v12;
	v14 =	vadd.f32 v2, v6;
	[tilespmem:s1+$0xFFFFFFF0] =	vst v10;
	v10 =	vpop (erf)  }
0x54: {  	v9 =	vbroadcast v9, $0x0;
	v15 =	vadd.f32 v2, v5;
	(erf) = vrcp.f32 v13;
	[tilespmem:s1+$0x0] =	vst v10;
	v7 =	vpop (erf)  }
0x55: {  	v8 =	vadd.f32 v2, v8;
	v10 =	vbroadcast v11, $0x0;
	(erf) = vrcp.f32 v14;
	[tilespmem:s1+$0x10] =	vst v7;
	v6 =	vpop (erf)  }
.Ltmp1:
0x56: {  	v7 =	vadd.f32 v2, v9;
	v9 =	vbroadcast v12, $0x0;
	(erf) = vrcp.f32 v15;
	[tilespmem:s1+$0x20] =	vst v6;
	v5 =	vpop (erf);
	(pc) =	sbr.rel @p0 .LBB2_4-.Ltmp1, $4  }
0x57: {  	v4 =	vbroadcast v4, $0x0;
	v6 =	vadd.f32 v2, v10;
	(erf) = vrcp.f32 v8;
	[tilespmem:s1+$0xFFFFFFC0] =	vst v5  }
0x58: {  	v8 =	vadd.f32 v2, v9;
	(erf) = vrcp.f32 v7  }
0x59: {  	v5 =	vadd.f32 v2, v4;
	v7 =	vmov s2;
	(erf) = vrcp.f32 v6  }
0x5a: {  	s4 =	sadd.s32 $0x10, s0;
	s3 =	sadd.s32 $0x70, s0;
	s2 =	sadd.s32 $0x80, s2;
	v4 =	vcvt.s32.f32 v7;
	(erf) = vrcp.f32 v8  }
0x5b: {  	v6 =	vmov s4;
	s2 =	sadd.s32 $0x20, s0;
	v7 =	vmov s3  }
0x5c: {  	s26 =	sadd.s32 $0x30, s0;
	(erf) = vrcp.f32 v5;
	s28 =	sadd.s32 $0x40, s0;
	v5 =	vmov s2;
	v7 =	vcvt.s32.f32 v7  }
0x5d: {  	s29 =	sadd.s32 $0x50, s0;
	v8 =	vmov s26;
	v6 =	vcvt.s32.f32 v6;
	v9 =	vmov s28  }
0x5e: {  	s30 =	sadd.s32 $0x60, s0;
	v10 =	vmov s29;
	v5 =	vcvt.s32.f32 v5;
	v7 =	vbroadcast v7, $0x0  }
0x5f: {  	v11 =	vmov s30;
	v4 =	vbroadcast v4, $0x0;
	v6 =	vbroadcast v6, $0x0  }
0x60: {  	v8 =	vcvt.s32.f32 v8;
	v5 =	vbroadcast v5, $0x0;
	v7 =	vadd.f32 v2, v7  }
0x61: {  	v9 =	vcvt.s32.f32 v9;
	v10 =	vcvt.s32.f32 v10;
	v6 =	vadd.f32 v2, v6  }
0x62: {  	v11 =	vcvt.s32.f32 v11;
	v8 =	vbroadcast v8, $0x0;
	v5 =	vadd.f32 v2, v5  }
0x63: {  	v9 =	vbroadcast v9, $0x0;
	(erf) = vrcp.f32 v7  }
0x64: {  	s31 =	sadd.s32 $0x80, s1;
	v10 =	vbroadcast v10, $0x0;
	v8 =	vadd.f32 v2, v8;
	v7 =	vpop (erf);
	(erf) = vrcp.f32 v6  }
0x65: {  	[tilespmem:s31+$0x30] =	vst v7;
	v6 =	vpop (erf);
	v7 =	vadd.f32 v2, v9;
	v9 =	vbroadcast v11, $0x0;
	(erf) = vrcp.f32 v5  }
0x66: {  	[tilespmem:s31+$0xFFFFFFD0] =	vst v6;
	v5 =	vpop (erf);
	v6 =	vadd.f32 v2, v10;
	(erf) = vrcp.f32 v8  }
0x67: {  	v4 =	vadd.f32 v2, v4;
	[tilespmem:s31+$0xFFFFFFE0] =	vst v5;
	v5 =	vpop (erf);
	v8 =	vadd.f32 v2, v9;
	(erf) = vrcp.f32 v7  }
0x68: {  	[tilespmem:s31+$0xFFFFFFF0] =	vst v5;
	v5 =	vpop (erf);
	(erf) = vrcp.f32 v6  }
0x69: {  	[tilespmem:s31+$0x0] =	vst v5;
	v5 =	vpop (erf);
	(erf) = vrcp.f32 v8  }
0x6a: {  	[tilespmem:s31+$0x10] =	vst v5;
	v5 =	vpop (erf);
	(erf) = vrcp.f32 v4  }
0x6b: {  	v4 =	vpop (erf);
	[tilespmem:s31+$0x20] =	vst v5  }
0x6c: {  	s0 =	sadd.s32 $0x80, s31;
	[tilespmem:s31+$0xFFFFFFC0] =	vst v4;
	v4 =	vpop (erf)  }
0x6d: {  	[tilespmem:s0+$0x30] =	vst v4;
	v4 =	vpop (erf)  }
0x6e: {  	[tilespmem:s0+$0xFFFFFFD0] =	vst v4;
	v4 =	vpop (erf)  }
0x6f: {  	[tilespmem:s0+$0xFFFFFFE0] =	vst v4;
	v4 =	vpop (erf)  }
0x70: {  	[tilespmem:s0+$0xFFFFFFF0] =	vst v4;
	v4 =	vpop (erf)  }
0x71: {  	[tilespmem:s0+$0x0] =	vst v4;
	v4 =	vpop (erf)  }
0x72: {  	[tilespmem:s0+$0x10] =	vst v4;
	v4 =	vpop (erf)  }
0x73: {  	[tilespmem:s0+$0x20] =	vst v4;
	v4 =	vpop (erf)  }
0x74: {  	[tilespmem:s0+$0xFFFFFFC0] =	vst v4  }
0x75: {  	[tilespmem:$0x1C800] =	vst v0  }
0x76: {  	_ =	swait.ge [sflag:s6], $0x1000  }
0x77: {  	[sflag:s6] =	ssyncset.done $0x0  }
0x78: {  	[sflag:s6] =	ssyncadd.s32 $0xFFFFF000  }
0x79: {  	_ =	swait.ge [sflag:s6], $0x1000  }
0x7a: {  	[sflag:s6] =	ssyncset.done $0x0  }
0x7b: {  	s0 =	simm.s32 $0x1040;
	[sflag:s6] =	ssyncadd.s32 $0xFFFFF000  }
0x7c: {  	v4 =	vld [tilespmem:s0+$0xFFFFFFC0]  }
0x7d: {  	v5 =	vld [tilespmem:s0+$0x30]  }
0x7e: {  	v6 =	vld [tilespmem:s0+$0x20]  }
0x7f: {  	v7 =	vld [tilespmem:s0+$0xFFFFFFF0]  }
0x80: {  	v8 =	vld [tilespmem:s0+$0xFFFFFFE0]  }
0x81: {  	v9 =	vld [tilespmem:s0+$0x0]  }
0x82: {  	v10 =	vld [tilespmem:s0+$0x10];
	_ =	sdelay $0x1  }
0x83: {  	v4 =	vmul.f32 $5.000000000e-01, v4  }
0x84: {  	v7 =	vmul.f32 $5.000000000e-01, v7;
	v6 =	vmul.f32 $5.000000000e-01, v6  }
0x85: {  	v8 =	vmul.f32 $5.000000000e-01, v8;
	v9 =	vmul.f32 $5.000000000e-01, v9  }
0x86: {  	v11 =	vld [tilespmem:s0+$0xFFFFFFD0];
	v5 =	vmul.f32 $5.000000000e-01, v5;
	v10 =	vmul.f32 $5.000000000e-01, v10  }
0x87: {  	s1 =	simm.s32 $0x10C0;
	v4 =	vmul.f32 $1.442695020e+00, v4;
	v8 =	vmul.f32 $1.442695020e+00, v8  }
0x88: {  	v12 =	vld [tilespmem:s1+$0xFFFFFFC0];
	v6 =	vmul.f32 $1.442695020e+00, v6;
	v5 =	vmul.f32 $1.442695020e+00, v5  }
0x89: {  	(erf) = vpow2.f32 v4;
	v4 =	vmul.f32 $1.442695020e+00, v7  }
0x8a: {  	v14 =	vld [tilespmem:s1+$0x20];
	v7 =	vmul.f32 $1.442695020e+00, v10;
	(erf) = vpow2.f32 v8  }
0x8b: {  	v10 =	vmul.f32 $5.000000000e-01, v11;
	v8 =	vld [tilespmem:s1+$0xFFFFFFF0];
	(erf) = vpow2.f32 v6  }
0x8c: {  	v13 =	vld [tilespmem:s1+$0x30];
	v6 =	vmul.f32 $1.442695020e+00, v9;
	(erf) = vpow2.f32 v7  }
0x8d: {  	v11 =	vld [tilespmem:s1+$0xFFFFFFE0];
	v7 =	vmul.f32 $5.000000000e-01, v12;
	(erf) = vpow2.f32 v4  }
0x8e: {  	v12 =	vld [tilespmem:s1+$0x0];
	v4 =	vmul.f32 $1.442695020e+00, v10;
	(erf) = vpow2.f32 v6  }
0x8f: {  	v6 =	vmul.f32 $1.442695020e+00, v7;
	(erf) = vpow2.f32 v5  }
0x90: {  	v9 =	vld [tilespmem:s1+$0x10];
	v7 =	vmul.f32 $5.000000000e-01, v8;
	v8 =	vmul.f32 $5.000000000e-01, v14;
	_ =	sdelay $0x1  }
0x91: {  	v10 =	vmul.f32 $5.000000000e-01, v11;
	(erf) = vpow2.f32 v4  }
0x92: {  	v11 =	vmul.f32 $5.000000000e-01, v13;
	v5 =	vld [tilespmem:s1+$0xFFFFFFD0];
	v4 =	vmul.f32 $5.000000000e-01, v12;
	v14 =	vpop (erf)  }
0x93: {  	s3 =	simm.s32 $0x1140;
	s2 =	simm.s32 $0x80;
	v12 =	vmul.f32 $1.442695020e+00, v10;
	v10 =	vmul.f32 $1.442695020e+00, v8;
	[tilespmem:s0+$0xFFFFFFC0] =	vst v14;
	v8 =	vpop (erf)  }
.LBB2_6:
0x94: {  	v13 =	vld [tilespmem:s3+$0xFFFFFFC0];
	s2 =	sadd.s32 $0x80, s2;
	v9 =	vmul.f32 $5.000000000e-01, v9;
	(erf) = vpow2.f32 v6;
	v6 =	vpop (erf)  }
0x95: {  	v7 =	vmul.f32 $1.442695020e+00, v7;
	v11 =	vmul.f32 $1.442695020e+00, v11;
	v14 =	vld [tilespmem:s3+$0x30];
	p0 =	slt.u32 s2, $0xF80;
	[tilespmem:s0+$0x20] =	vst v6;
	v6 =	vpop (erf)  }
0x96: {  	v15 =	vld [tilespmem:s3+$0x20];
	v9 =	vmul.f32 $1.442695020e+00, v9;
	(erf) = vpow2.f32 v12;
	[tilespmem:s0+$0x10] =	vst v6;
	v6 =	vpop (erf)  }
0x97: {  	v12 =	vld [tilespmem:s3+$0xFFFFFFF0];
	v5 =	vmul.f32 $5.000000000e-01, v5;
	(erf) = vpow2.f32 v10;
	[tilespmem:s0+$0xFFFFFFE0] =	vst v8;
	v8 =	vpop (erf)  }
0x98: {  	v16 =	vmul.f32 $1.442695020e+00, v4;
	v10 =	vld [tilespmem:s3+$0xFFFFFFE0];
	(erf) = vpow2.f32 v9;
	[tilespmem:s0+$0xFFFFFFF0] =	vst v6;
	v6 =	vpop (erf)  }
0x99: {  	v9 =	vmul.f32 $5.000000000e-01, v13;
	v13 =	vld [tilespmem:s3+$0x0];
	(erf) = vpow2.f32 v7;
	[tilespmem:s0+$0x30] =	vst v6  }
0x9a: {  	v5 =	vmul.f32 $1.442695020e+00, v5;
	(erf) = vpow2.f32 v16;
	[tilespmem:s0+$0x0] =	vst v8;
	v4 =	vpop (erf)  }
.Ltmp2:
0x9b: {  	v6 =	vmul.f32 $1.442695020e+00, v9;
	v9 =	vld [tilespmem:s3+$0x10];
	(erf) = vpow2.f32 v11;
	[tilespmem:s0+$0xFFFFFFD0] =	vst v4;
	s0 =	smov.u32 s1;
	s1 =	smov.u32 s3;
	(pc) =	sbr.rel @p0 .LBB2_6-.Ltmp2, $4  }
0x9c: {  	v15 =	vmul.f32 $5.000000000e-01, v15;
	v7 =	vmul.f32 $5.000000000e-01, v12  }
0x9d: {  	v10 =	vmul.f32 $5.000000000e-01, v10;
	v12 =	vpop (erf);
	(erf) = vpow2.f32 v5  }
0x9e: {  	v11 =	vmul.f32 $5.000000000e-01, v14;
	v5 =	vld [tilespmem:s3+$0xFFFFFFD0];
	v4 =	vmul.f32 $5.000000000e-01, v13;
	[tilespmem:s0+$0xFFFFFFC0] =	vst v12  }
0x9f: {  	s3 =	sadd.s32 $0x80, s3;
	v12 =	vmul.f32 $1.442695020e+00, v10;
	v10 =	vmul.f32 $1.442695020e+00, v15;
	v8 =	vpop (erf)  }
0xa0: {  	v9 =	vmul.f32 $5.000000000e-01, v9  }
0xa1: {  	(erf) = vpow2.f32 v6;
	v56 =	vmul.f32 $1.442695020e+00, v7  }
0xa2: {  	(erf) = vpow2.f32 v12;
	v57 =	vmul.f32 $1.442695020e+00, v9  }
0xa3: {  	v4 =	vmul.f32 $1.442695020e+00, v4;
	(erf) = vpow2.f32 v10  }
0xa4: {  	v59 =	vpop (erf);
	[tilespmem:s0+$0xFFFFFFE0] =	vst v8;
	v5 =	vmul.f32 $5.000000000e-01, v5;
	(erf) = vpow2.f32 v57  }
0xa5: {  	v58 =	vmul.f32 $1.442695020e+00, v11;
	[tilespmem:s0+$0x20] =	vst v59;
	v60 =	vpop (erf);
	(erf) = vpow2.f32 v56  }
0xa6: {  	[tilespmem:s0+$0x10] =	vst v60;
	v61 =	vpop (erf);
	v5 =	vmul.f32 $1.442695020e+00, v5;
	(erf) = vpow2.f32 v4  }
0xa7: {  	[tilespmem:s0+$0xFFFFFFF0] =	vst v61;
	v4 =	vpop (erf);
	(erf) = vpow2.f32 v58  }
0xa8: {  	v62 =	vpop (erf);
	[tilespmem:s0+$0x0] =	vst v4;
	(erf) = vpow2.f32 v5  }
0xa9: {  	[tilespmem:s0+$0x30] =	vst v62;
	v63 =	vpop (erf)  }
0xaa: {  	v5 =	vpop (erf);
	[tilespmem:s0+$0xFFFFFFD0] =	vst v63  }
0xab: {  	v4 =	vpop (erf);
	[tilespmem:s1+$0xFFFFFFC0] =	vst v5  }
0xac: {  	v5 =	vpop (erf);
	[tilespmem:s1+$0xFFFFFFE0] =	vst v4  }
0xad: {  	[tilespmem:s1+$0x20] =	vst v5;
	v5 =	vpop (erf)  }
0xae: {  	[tilespmem:s1+$0x10] =	vst v5;
	v5 =	vpop (erf)  }
0xaf: {  	v4 =	vpop (erf);
	[tilespmem:s1+$0xFFFFFFF0] =	vst v5  }
0xb0: {  	v5 =	vpop (erf);
	[tilespmem:s1+$0x0] =	vst v4  }
0xb1: {  	[tilespmem:s1+$0x30] =	vst v5;
	v4 =	vpop (erf)  }
0xb2: {  	[tilespmem:s1+$0xFFFFFFD0] =	vst v4  }
0xb3: {  	s26 =	simm.s32 $0x0;
	s30 =	simm.s32 $0x2000;
	s0 =	rddreg [dreg:$0x9]  }
0xb4: {  	[tilespmem:s30], [sflag:$0x1] =	stream.linear.gather [hbm4b:s0+s26], $0x2000, $0x38;
	[tilespmem:$0x1C880] =	vst v63  }
0xb5: {  	s28 =	simm.s32 $0x0;
	s29 =	simm.s32 $0x0;
	s31 =	rddreg [dreg:$0xa]  }
0xb6: {  	[tilespmem:s16], [sflag:$0x2] =	stream.strided.gather [hbm4b:s31+s14], $0x4000, s15, s14, $0x38;
	[tilespmem:$0x1C880] =	vst v63  }
.LBB2_8:
0xb7: {  	s0 =	sand.u32 $0x1, s29  }
0xb8: {  	p1 =	seq.s32 s0, $0x1  }
0xb9: {  	s1 =	sshll.u32 s29, $0x1;
	p0 =	sgt.u32 @!p1 s29, $0xD  }
0xba: {  	s24 =	sshll.u32 s29, $0x5;
	s0 =	simm.s32 @!p1 $0x1;
	p0 =	por p0, p1  }
0xbb: {  	s25 =	simm.s32 $0x2;
	_ =	swait.ge @!p1 [sflag:s0], $0x2000;
	s2 =	sshrl.u32 @!p0 s29, $0x1  }
0xbc: {  	s3 =	rddreg [dreg:$0x6];
	[sflag:s0] =	ssyncset.done @!p1 $0x0;
	s2 =	sadd.s32 @!p0 $0x1, s2  }
0xbd: {  	s4 =	sadd.s32 s3, s1;
	[sflag:s0] =	ssyncadd.s32 @!p1 $0xFFFFE000;
	s3 =	sshll.u32 @!p0 s2, $0xD  }
0xbe: {  	s2 =	sshll.u32 @!p0 s2, $0xA;
	s13 =	sshll.u32 s4, $0xB;
	s0 =	sand.u32 @!p0 $0x2000, s3  }
0xbf: {  	s3 =	rddreg [dreg:$0x9];
	s11 =	sand.u32 $0xFFFC000, s13;
	s13 =	sand.u32 $0x60, s24  }
0xc0: {  	s0 =	sadd.s32 @!p0 $0x2000, s0;
	s2 =	sadd.s32 @!p0 s2, s3;
	s3 =	simm.s32 @!p0 $0x0  }
0xc1: {  	[tilespmem:s0], [sflag:$0x1] =	stream.linear.gather @!p0 [hbm4b:s2+s3], $0x2000, $0x38;
	[tilespmem:$0x1C880] =	vst v63  }
0xc2: {  	s0 =	sor.u32 s13, s11;
	_ =	swait.ge [sflag:s25], $0x4000  }
0xc3: {  	s30 =	sor.u32 $0x10, s0;
	[sflag:s25] =	ssyncset.done $0x0  }
0xc4: {  	s6 =	sshll.u32 s29, $0x8;
	s0 =	sadd.s32 s12, s30;
	[sflag:s25] =	ssyncadd.s32 $0xFFFFC000  }
0xc5: {  	[tilespmem:s18], [sflag:$0x3] =	stream.strided.gather [hbm4b:s0+s14], $0x4000, s15, s14, $0x38;
	[tilespmem:$0x1C880] =	vst v63  }
0xc6: {  	v14 =	vld [tilespmem:s6+$0x1070]  }
0xc7: {  	v15 =	vld [tilespmem:s6+$0x1060]  }
0xc8: {  	v16 =	vld [tilespmem:s6+$0x1050]  }
0xc9: {  	s7 =	sor.u32 $0x10, s6;
	v17 =	vld [tilespmem:s6+$0x1040]  }
0xca: {  	v6 =	vld [tilespmem:s7+$0x0]  }
0xcb: {  	v23 =	vld [tilespmem:s6+$0x1030]  }
0xcc: {  	v4 =	vld [tilespmem:s6+$0x0]  }
0xcd: {  	s3 =	sand.u32 $0x3, s28;
	v21 =	vld [tilespmem:s6+$0x1020]  }
0xce: {  	s0 =	sshll.u32 s3, $0xC;
	v22 =	vld [tilespmem:s6+$0x1010]  }
0xcf: {  	s9 =	sadd.s32 $0x2080, s0;
	v13 =	vld [tilespmem:s6+$0x1000]  }
0xd0: {  	v5 =	vld [tilespmem:s9+$0x70]  }
0xd1: {  	v7 =	vld [tilespmem:s9+$0x60]  }
0xd2: {  	v8 =	vld [tilespmem:s9+$0x50]  }
0xd3: {  	v9 =	vld [tilespmem:s9+$0x40]  }
0xd4: {  	v10 =	vld [tilespmem:s9+$0x30]  }
0xd5: {  	v11 =	vld [tilespmem:s9+$0x20]  }
0xd6: {  	v18 =	vld [tilespmem:s9+$0x10]  }
0xd7: {  	v19 =	vld [tilespmem:s9+$0x0]  }
0xd8: {  	v20 =	vld [tilespmem:s9+$0xFFFFFFF0]  }
0xd9: {  	v24 =	vld [tilespmem:s9+$0xFFFFFFE0]  }
0xda: {  	v25 =	vld [tilespmem:s9+$0xFFFFFFD0]  }
0xdb: {  	v27 =	vld [tilespmem:s9+$0xFFFFFFC0]  }
0xdc: {  	v26 =	vld [tilespmem:s9+$0xFFFFFF80]  }
0xdd: {  	v28 =	vld [tilespmem:s9+$0xFFFFFF90];
	v7 =	vmul.f32 v7, v15;
	v5 =	vmul.f32 v5, v14  }
0xde: {  	v29 =	vld [tilespmem:s9+$0xFFFFFFA0];
	v9 =	vmul.f32 v9, v17;
	v8 =	vmul.f32 v8, v16  }
0xdf: {  	s10 =	sor.u32 $0x20, s6;
	v30 =	vld [tilespmem:s9+$0xFFFFFFB0];
	v11 =	vmul.f32 v11, v21;
	v10 =	vmul.f32 v10, v23  }
0xe0: {  	s24 =	sor.u32 $0x30, s6;
	v12 =	vld [tilespmem:s10+$0x0];
	v19 =	vmul.f32 v19, v13;
	v18 =	vmul.f32 v18, v22  }
0xe1: {  	s8 =	smov.u32 s12;
	v31 =	vimm.f32 $+Inf;
	s12 =	sor.u32 $0x40, s6;
	v26 =	vmul.f32 v26, v13;
	v13 =	vld [tilespmem:s24+$0x0];
	v20 =	vmul.f32 v20, v14  }
0xe2: {  	v32 =	vimm.f32 $-Inf;
	s25 =	sor.u32 $0x50, s6;
	v28 =	vmul.f32 v28, v22;
	v14 =	vld [tilespmem:s12+$0x0];
	v22 =	vmul.f32 v24, v15  }
0xe3: {  	s5 =	sand.u32 $0x7, s26;
	s0 =	sor.u32 $0x60, s6;
	v29 =	vmul.f32 v29, v21;
	v15 =	vld [tilespmem:s25+$0x0];
	v24 =	vmul.f32 v25, v16;
	v33 =	vadd.f32 v26, v4  }
0xe4: {  	s5 =	sshll.u32 s5, $0xB;
	s2 =	sor.u32 $0x70, s6;
	s3 =	simm.s32 $0xE080;
	v25 =	vmul.f32 v27, v17;
	v16 =	vld [tilespmem:s0+$0x0];
	v21 =	vadd.f32 v28, v6;
	v26 =	vmul.f32 v30, v23  }
0xe5: {  	s31 =	sadd.s32 $0x28F0, s5;
	s5 =	simm.s32 $0x0;
	v17 =	vld [tilespmem:s2+$0x0];
	v23 =	vadd.f32 v29, v12;
	[tilespmem:s3+$0xFFFFFF80] =	vst v33;
	v28 =	vmin.f32 v31, v33;
	v27 =	vmax.f32 v32, v33  }
.LBB2_9:
0xe6: {  	v29 =	vld [tilespmem:s6+$0x1070];
	[tilespmem:s3+$0xFFFFFF90] =	vst v21;
	v28 =	vmin.f32 v28, v21;
	v21 =	vmax.f32 v27, v21;
	v26 =	vadd.f32 v26, v13  }
0xe7: {  	v27 =	vld [tilespmem:s6+$0x1060];
	[tilespmem:s3+$0xFFFFFFA0] =	vst v23;
	v28 =	vmin.f32 v28, v23;
	v21 =	vmax.f32 v21, v23;
	v23 =	vadd.f32 v25, v14  }
0xe8: {  	v25 =	vld [tilespmem:s6+$0x1050];
	[tilespmem:s3+$0xFFFFFFB0] =	vst v26;
	v28 =	vmin.f32 v28, v26;
	v21 =	vmax.f32 v21, v26;
	v24 =	vadd.f32 v24, v15  }
0xe9: {  	v30 =	vld [tilespmem:s6+$0x1040];
	[tilespmem:s3+$0xFFFFFFC0] =	vst v23;
	v26 =	vmin.f32 v28, v23;
	v21 =	vmax.f32 v21, v23;
	v22 =	vadd.f32 v22, v16  }
0xea: {  	v23 =	vld [tilespmem:s7+$0x0];
	[tilespmem:s3+$0xFFFFFFD0] =	vst v24;
	v26 =	vmin.f32 v26, v24;
	v21 =	vmax.f32 v21, v24;
	v20 =	vadd.f32 v20, v17  }
0xeb: {  	v19 =	vadd.f32 v19, v4;
	v28 =	vld [tilespmem:s6+$0x1030];
	[tilespmem:s3+$0xFFFFFFE0] =	vst v22;
	v24 =	vmin.f32 v26, v22;
	v21 =	vmax.f32 v21, v22  }
0xec: {  	v6 =	vadd.f32 v18, v6;
	v4 =	vld [tilespmem:s6+$0x0];
	[tilespmem:s3+$0xFFFFFFF0] =	vst v20;
	v22 =	vmin.f32 v24, v20;
	v20 =	vmax.f32 v21, v20  }
0xed: {  	v11 =	vadd.f32 v11, v12;
	v21 =	vld [tilespmem:s6+$0x1020];
	[tilespmem:s3+$0x0] =	vst v19;
	v18 =	vmin.f32 v22, v19;
	v19 =	vmax.f32 v20, v19  }
0xee: {  	v10 =	vadd.f32 v10, v13;
	v22 =	vld [tilespmem:s6+$0x1010];
	[tilespmem:s3+$0x10] =	vst v6;
	v12 =	vmin.f32 v18, v6;
	v6 =	vmax.f32 v19, v6  }
0xef: {  	s9 =	sadd.s32 $0x100, s9;
	v9 =	vadd.f32 v9, v14;
	v13 =	vld [tilespmem:s6+$0x1000];
	[tilespmem:s3+$0x20] =	vst v11;
	v12 =	vmin.f32 v12, v11;
	v6 =	vmax.f32 v6, v11  }
0xf0: {  	v8 =	vadd.f32 v8, v15;
	v11 =	vld [tilespmem:s9+$0x70];
	[tilespmem:s3+$0x30] =	vst v10;
	v12 =	vmin.f32 v12, v10;
	v6 =	vmax.f32 v6, v10  }
0xf1: {  	v7 =	vadd.f32 v7, v16;
	v10 =	vld [tilespmem:s9+$0x60];
	[tilespmem:s3+$0x40] =	vst v9;
	v12 =	vmin.f32 v12, v9;
	v15 =	vmax.f32 v6, v9  }
0xf2: {  	v5 =	vadd.f32 v5, v17;
	v14 =	vld [tilespmem:s9+$0x50];
	[tilespmem:s3+$0x50] =	vst v8;
	v9 =	vmin.f32 v12, v8;
	v12 =	vmax.f32 v15, v8  }
0xf3: {  	v8 =	vld [tilespmem:s9+$0x40];
	[tilespmem:s3+$0x60] =	vst v7;
	v9 =	vmin.f32 v9, v7;
	v7 =	vmax.f32 v12, v7;
	v6 =	vmov v23  }
0xf4: {  	v12 =	vld [tilespmem:s9+$0x30];
	[tilespmem:s3+$0x70] =	vst v5;
	v17 =	vmin.f32 v9, v5;
	v23 =	vmax.f32 v7, v5  }
0xf5: {  	v15 =	vld [tilespmem:s9+$0x20]  }
0xf6: {  	v16 =	vld [tilespmem:s9+$0x10]  }
0xf7: {  	v18 =	vld [tilespmem:s9+$0x0]  }
0xf8: {  	v20 =	vld [tilespmem:s9+$0xFFFFFFF0]  }
0xf9: {  	v24 =	vld [tilespmem:s9+$0xFFFFFFE0]  }
0xfa: {  	v26 =	vld [tilespmem:s9+$0xFFFFFFD0]  }
0xfb: {  	v31 =	vld [tilespmem:s9+$0xFFFFFFC0]  }
0xfc: {  	s5 =	sadd.s32 $0x100, s5;
	v32 =	vld [tilespmem:s9+$0xFFFFFF80]  }
0xfd: {  	p0 =	slt.u32 s5, $0x700;
	v5 =	vmul.f32 v11, v29;
	v7 =	vmul.f32 v10, v27;
	v33 =	vld [tilespmem:s9+$0xFFFFFF90]  }
0xfe: {  	v9 =	vmul.f32 v8, v30;
	v8 =	vmul.f32 v14, v25;
	v34 =	vld [tilespmem:s9+$0xFFFFFFA0]  }
0xff: {  	v10 =	vmul.f32 v12, v28;
	v11 =	vmul.f32 v15, v21;
	v35 =	vld [tilespmem:s9+$0xFFFFFFB0]  }
0x100: {  	v19 =	vmul.f32 v18, v13;
	v18 =	vmul.f32 v16, v22;
	v12 =	vld [tilespmem:s10+$0x0]  }
.Ltmp3:
0x101: {  	v20 =	vmul.f32 v20, v29;
	v15 =	vmul.f32 v32, v13;
	v13 =	vld [tilespmem:s24+$0x0];
	(pc) =	sbr.rel @p0 .LBB2_9-.Ltmp3, $4  }
0x102: {  	v16 =	vmul.f32 v33, v22;
	v14 =	vld [tilespmem:s12+$0x0];
	v22 =	vmul.f32 v24, v27  }
0x103: {  	v24 =	vmul.f32 v26, v25;
	v27 =	vadd.f32 v15, v4;
	v29 =	vmul.f32 v34, v21;
	v15 =	vld [tilespmem:s25+$0x0]  }
0x104: {  	s3 =	sadd.s32 $0x100, s3;
	v25 =	vmul.f32 v31, v30;
	v21 =	vadd.f32 v16, v6;
	v26 =	vmul.f32 v35, v28;
	v16 =	vld [tilespmem:s0+$0x0]  }
0x105: {  	[tilespmem:s3+$0xFFFFFF80] =	vst v27;
	v28 =	vmin.f32 v17, v27;
	v27 =	vmax.f32 v23, v27;
	v23 =	vadd.f32 v29, v12;
	v17 =	vld [tilespmem:s2+$0x0]  }
0x106: {  	v28 =	vmin.f32 v28, v21;
	v26 =	vadd.f32 v26, v13  }
0x107: {  	v27 =	vmax.f32 v27, v21;
	v28 =	vmin.f32 v28, v23;
	v25 =	vadd.f32 v25, v14  }
0x108: {  	v27 =	vmax.f32 v27, v23;
	v28 =	vmin.f32 v28, v26;
	v24 =	vadd.f32 v24, v15  }
0x109: {  	v27 =	vmax.f32 v27, v26;
	v28 =	vmin.f32 v28, v25;
	v22 =	vadd.f32 v22, v16  }
0x10a: {  	v27 =	vmax.f32 v27, v25;
	v28 =	vmin.f32 v28, v24;
	v20 =	vadd.f32 v20, v17  }
0x10b: {  	v4 =	vadd.f32 v19, v4;
	v27 =	vmax.f32 v27, v24;
	v28 =	vmin.f32 v28, v22  }
0x10c: {  	v6 =	vadd.f32 v18, v6;
	v19 =	vmax.f32 v27, v22;
	v55 =	vmin.f32 v28, v20  }
0x10d: {  	v11 =	vadd.f32 v11, v12;
	v18 =	vmax.f32 v19, v20;
	v19 =	vmin.f32 v55, v4  }
0x10e: {  	v10 =	vadd.f32 v10, v13;
	v12 =	vmax.f32 v18, v4;
	v18 =	vmin.f32 v19, v6  }
0x10f: {  	v9 =	vadd.f32 v9, v14;
	v12 =	vmax.f32 v12, v6;
	v13 =	vmin.f32 v18, v11  }
0x110: {  	v8 =	vadd.f32 v8, v15;
	v12 =	vmax.f32 v12, v11;
	v13 =	vmin.f32 v13, v10  }
0x111: {  	v7 =	vadd.f32 v7, v16;
	v12 =	vmax.f32 v12, v10;
	v13 =	vmin.f32 v13, v9  }
0x112: {  	v5 =	vadd.f32 v5, v17;
	v12 =	vmax.f32 v12, v9;
	v13 =	vmin.f32 v13, v8  }
0x113: {  	v12 =	vmax.f32 v12, v8;
	v13 =	vmin.f32 v13, v7  }
0x114: {  	v12 =	vmax.f32 v12, v7;
	v13 =	vmin.f32 v13, v5  }
0x115: {  	v12 =	vmax.f32 v12, v5;
	(xrf0) =	vmin.scan.msk.f32 $0xffff, v13  }
0x116: {  	(xrf0) =	vmax.scan.msk.f32 $0xffff, v12;
	_ =	sdelay $0x4  }
0x117: {  	v12, _, _ =	vpop (xrf0)  }
0x118: {  	(v2sf) =	vpush v12, $0xF;
	v13, _, _ =	vpop (xrf0)  }
0x119: {  	(v2sf) =	vpush v13, $0xF;
	_ =	sdelay $0x3  }
0x11a: {  	[tilespmem:s3+$0xFFFFFF90] =	vst v21  }
0x11b: {  	[tilespmem:s3+$0xFFFFFFA0] =	vst v23  }
0x11c: {  	[tilespmem:s3+$0xFFFFFFB0] =	vst v26  }
0x11d: {  	[tilespmem:s3+$0x0] =	vst v4  }
0x11e: {  	[tilespmem:s3+$0x10] =	vst v6  }
0x11f: {  	[tilespmem:s3+$0x20] =	vst v11  }
0x120: {  	[tilespmem:s3+$0x30] =	vst v10  }
0x121: {  	[tilespmem:s3+$0xFFFFFFC0] =	vst v25  }
0x122: {  	[tilespmem:s3+$0x40] =	vst v9  }
0x123: {  	[tilespmem:s3+$0xFFFFFFD0] =	vst v24  }
0x124: {  	[tilespmem:s3+$0x50] =	vst v8;
	s0 =	spop (v2sf)  }
0x125: {  	[tilespmem:s3+$0xFFFFFFE0] =	vst v22;
	s2 =	spop (v2sf)  }
0x126: {  	[tilespmem:s3+$0x60] =	vst v7;
	s0 =	ssub.f32 s2, s0  }
0x127: {  	[tilespmem:s3+$0xFFFFFFF0] =	vst v20  }
0x128: {  	s24 =	simm.s32 $0xE080;
	[tilespmem:s3+$0x70] =	vst v5;
	s0 =	smax.f32 s0, $9.999999960e-13  }
0x129: {  	v14 =	vld [tilespmem:s24+$0x30];
	v4 =	vmov s0  }
0x12a: {  	v6 =	vld [tilespmem:s24+$0xFFFFFF80];
	(erf) = vrcp.f32 v4  }
0x12b: {  	v11 =	vld [tilespmem:s24+$0xFFFFFFA0]  }
0x12c: {  	v9 =	vld [tilespmem:s24+$0xFFFFFFD0]  }
0x12d: {  	v7 =	vld [tilespmem:s24+$0x50]  }
0x12e: {  	v8 =	vld [tilespmem:s24+$0xFFFFFFC0]  }
0x12f: {  	v10 =	vld [tilespmem:s24+$0x0]  }
0x130: {  	v15 =	vld [tilespmem:s24+$0xFFFFFFB0];
	v5 =	vbroadcast v12, $0xF  }
0x131: {  	v18 =	vld [tilespmem:s24+$0x40]  }
0x132: {  	v12 =	vld [tilespmem:s24+$0x10];
	v6 =	vsub.f32 v6, v5;
	v7 =	vsub.f32 v7, v5  }
0x133: {  	v13 =	vld [tilespmem:s24+$0xFFFFFF90];
	v9 =	vsub.f32 v9, v5;
	v8 =	vsub.f32 v8, v5;
	v4 =	vpop (erf)  }
0x134: {  	v20 =	vld [tilespmem:s24+$0x60];
	v10 =	vsub.f32 v10, v5;
	v11 =	vsub.f32 v11, v5;
	v4 =	vmul.f32 $1.638400000e+04, v4  }
0x135: {  	v14 =	vsub.f32 v14, v5;
	v15 =	vsub.f32 v15, v5  }
0x136: {  	v18 =	vsub.f32 v18, v5;
	v6 =	vmul.f32 v6, v4;
	v7 =	vmul.f32 v7, v4  }
0x137: {  	v12 =	vsub.f32 v12, v5;
	v9 =	vmul.f32 v9, v4;
	v8 =	vmul.f32 v8, v4  }
0x138: {  	v13 =	vsub.f32 v13, v5;
	v10 =	vmul.f32 v10, v4;
	v11 =	vmul.f32 v11, v4  }
0x139: {  	v20 =	vsub.f32 v20, v5;
	v12 =	vmul.f32 v12, v4;
	v14 =	vmul.f32 v14, v4  }
0x13a: {  	v13 =	vmul.f32 v13, v4;
	v15 =	vmul.f32 v15, v4  }
0x13b: {  	v18 =	vmul.f32 v18, v4;
	v20 =	vmul.f32 v20, v4  }
0x13c: {  	v6 =	vtrunc.f32 v6;
	v7 =	vtrunc.f32 v7  }
0x13d: {  	v8 =	vtrunc.f32 v8;
	v10 =	vtrunc.f32 v10  }
0x13e: {  	v19 =	vld [tilespmem:s24+$0xFFFFFFF0];
	v9 =	vtrunc.f32 v9;
	v11 =	vtrunc.f32 v11  }
0x13f: {  	v21 =	vld [tilespmem:s24+$0xFFFFFFE0];
	v14 =	vtrunc.f32 v14;
	v13 =	vtrunc.f32 v13  }
0x140: {  	v16 =	vld [tilespmem:s24+$0x20];
	v15 =	vtrunc.f32 v15;
	v12 =	vtrunc.f32 v12  }
0x141: {  	v18 =	vtrunc.f32 v18;
	v6 =	vcvt.f32.s32 v6  }
0x142: {  	v7 =	vcvt.f32.s32 v7;
	v9 =	vcvt.f32.s32 v9  }
0x143: {  	v19 =	vsub.f32 v19, v5;
	v17 =	vcvt.f32.s32 v10;
	v13 =	vcvt.f32.s32 v13  }
0x144: {  	v21 =	vsub.f32 v21, v5;
	v14 =	vcvt.f32.s32 v14;
	v8 =	vcvt.f32.s32 v8  }
0x145: {  	v10 =	vsub.f32 v16, v5;
	v16 =	vld [tilespmem:s24+$0x70];
	v15 =	vcvt.f32.s32 v15;
	v11 =	vcvt.f32.s32 v11  }
0x146: {  	v12 =	vcvt.f32.s32 v12;
	v18 =	vcvt.f32.s32 v18;
	vm1 =	vlt.s32 v9, $0x3FFF  }
0x147: {  	s25 =	simm.s32 $0xE180;
	s3 =	simm.s32 $0xE880;
	vm0 =	vlt.s32 v7, $0x3FFF;
	v10 =	vmul.f32 v10, v4;
	v9 =	vnsel vm1, $0x3FFF, v9  }
0x148: {  	v22 =	vld [tilespmem:s25+$0xFFFFFFC0];
	vm2 =	vlt.s32 v12, $0x3FFF;
	vm4 =	vlt.s32 v14, $0x3FFF;
	v7 =	vnsel vm0, $0x3FFF, v7;
	[tilespmem:s3+$0xFFFFFFD0] =	vst v9  }
0x149: {  	v23 =	vld [tilespmem:s25+$0xFFFFFF80];
	vm0 =	vlt.s32 v13, $0x3FFF;
	vm1 =	vlt.s32 v6, $0x3FFF;
	v12 =	vnsel vm2, $0x3FFF, v12;
	[tilespmem:s3+$0x50] =	vst v7  }
0x14a: {  	v24 =	vld [tilespmem:s25+$0x50];
	v14 =	vnsel vm4, $0x3FFF, v14;
	v13 =	vnsel vm0, $0x3FFF, v13;
	[tilespmem:s3+$0x10] =	vst v12;
	v16 =	vsub.f32 v16, v5  }
0x14b: {  	v59 =	vld [tilespmem:s25+$0x20];
	vm0 =	vlt.s32 v8, $0x3FFF;
	v56 =	vnsel vm1, $0x3FFF, v6;
	vm1 =	vlt.s32 v18, $0x3FFF;
	[tilespmem:s3+$0x30] =	vst v14  }
0x14c: {  	v8 =	vnsel vm0, $0x3FFF, v8;
	v16 =	vmul.f32 v16, v4;
	[tilespmem:v9+s19+$0x0] =	vst.idx.add.s32.msk $0xffff, v3;
	v9 =	vtrunc.f32 v10  }
0x14d: {  	vm0 =	vlt.s32 v11, $0x3FFF;
	v10 =	vmul.f32 v19, v4;
	[tilespmem:v7+s19+$0x0] =	vst.idx.add.s32.msk $0xffff, v3;
	v7 =	vmul.f32 v21, v4  }
0x14e: {  	[tilespmem:s3+$0xFFFFFF90] =	vst v13;
	v11 =	vnsel vm0, $0x3FFF, v11;
	v19 =	vld [tilespmem:s25+$0xFFFFFF90];
	v16 =	vtrunc.f32 v16;
	v9 =	vcvt.f32.s32 v9  }
0x14f: {  	vm0 =	vlt.s32 v15, $0x3FFF;
	[tilespmem:v13+s19+$0x0] =	vst.idx.add.s32.msk $0xffff, v3;
	v16 =	vcvt.f32.s32 v16;
	v10 =	vtrunc.f32 v10  }
0x150: {  	[tilespmem:s3+$0xFFFFFFC0] =	vst v8;
	v15 =	vnsel vm0, $0x3FFF, v15;
	v13 =	vld [tilespmem:s25+$0x0];
	v7 =	vtrunc.f32 v7;
	v10 =	vcvt.f32.s32 v10  }
0x151: {  	[tilespmem:v8+s19+$0x0] =	vst.idx.add.s32.msk $0xffff, v3;
	v8 =	vtrunc.f32 v20;
	v7 =	vcvt.f32.s32 v7;
	vm2 =	vlt.s32 v16, $0x3FFF  }
0x152: {  	[tilespmem:s3+$0xFFFFFFA0] =	vst v11;
	v20 =	vld [tilespmem:s25+$0xFFFFFFD0];
	v8 =	vcvt.f32.s32 v8;
	v16 =	vnsel vm2, $0x3FFF, v16;
	vm2 =	vlt.s32 v10, $0x3FFF  }
0x153: {  	[tilespmem:v11+s19+$0x0] =	vst.idx.add.s32.msk $0xffff, v3;
	v11 =	vsub.f32 v59, v5;
	v6 =	vnsel vm2, $0x3FFF, v10;
	v10 =	vsub.f32 v23, v5  }
0x154: {  	[tilespmem:s3+$0xFFFFFF80] =	vst v56;
	v21 =	vld [tilespmem:s25+$0xFFFFFFA0];
	vm3 =	vlt.s32 v7, $0x3FFF;
	v19 =	vsub.f32 v19, v5;
	v23 =	vsub.f32 v24, v5  }
0x155: {  	[tilespmem:v12+s19+$0x0] =	vst.idx.add.s32.msk $0xffff, v3;
	vm15 =	vlt.s32 v8, $0x3FFF;
	v13 =	vsub.f32 v13, v5;
	v10 =	vmul.f32 v10, v4  }
0x156: {  	v12 =	vld [tilespmem:s25+$0x10];
	[tilespmem:s3+$0x70] =	vst v16;
	vm2 =	vlt.s32 v9, $0x3FFF;
	v30 =	vmul.f32 v19, v4;
	v23 =	vmul.f32 v23, v4  }
0x157: {  	v57 =	vnsel vm3, $0x3FFF, v7;
	v13 =	vmul.f32 v13, v4;
	[tilespmem:v16+s19+$0x0] =	vst.idx.add.s32.msk $0xffff, v3;
	v16 =	vtrunc.f32 v10  }
0x158: {  	[tilespmem:v14+s19+$0x0] =	vst.idx.add.s32.msk $0xffff, v3;
	v23 =	vtrunc.f32 v23;
	v10 =	vnsel vm2, $0x3FFF, v9;
	v9 =	vsub.f32 v20, v5  }
0x159: {  	[tilespmem:v56+s19+$0x0] =	vst.idx.add.s32.msk $0xffff, v3;
	vm2 =	vlt.s32 v17, $0x3FFF;
	v20 =	vsub.f32 v22, v5;
	v22 =	vnsel vm1, $0x3FFF, v18  }
0x15a: {  	[tilespmem:s3+$0xFFFFFFF0] =	vst v6;
	v18 =	vsub.f32 v21, v5;
	v7 =	vcvt.f32.s32 v16;
	v16 =	vld [tilespmem:s25+$0x30];
	v23 =	vcvt.f32.s32 v23  }
0x15b: {  	v21 =	vsub.f32 v12, v5;
	[tilespmem:v6+s19+$0x0] =	vst.idx.add.s32.msk $0xffff, v3;
	v6 =	vtrunc.f32 v13;
	v9 =	vmul.f32 v9, v4  }
0x15c: {  	[tilespmem:s3+$0xFFFFFFB0] =	vst v15;
	v60 =	vnsel vm2, $0x3FFF, v17;
	v17 =	vld [tilespmem:s25+$0xFFFFFFB0];
	v20 =	vmul.f32 v20, v4;
	v18 =	vmul.f32 v18, v4  }
0x15d: {  	[tilespmem:v15+s19+$0x0] =	vst.idx.add.s32.msk $0xffff, v3;
	v58 =	vnsel vm15, $0x3FFF, v8;
	v21 =	vmul.f32 v21, v4;
	v6 =	vcvt.f32.s32 v6  }
0x15e: {  	v29 =	vld [tilespmem:s25+$0x40];
	[tilespmem:s3+$0x60] =	vst v58;
	v20 =	vtrunc.f32 v20;
	v9 =	vtrunc.f32 v9  }
0x15f: {  	v62 =	vld [tilespmem:s25+$0x70];
	[tilespmem:s3+$0xFFFFFFE0] =	vst v57;
	v61 =	vtrunc.f32 v18;
	v18 =	vmul.f32 v11, v4  }
0x160: {  	v12 =	vld [tilespmem:s25+$0x60];
	[tilespmem:s3+$0x40] =	vst v22;
	v11 =	vtrunc.f32 v30;
	v21 =	vtrunc.f32 v21;
	v13 =	vsub.f32 v16, v5  }
0x161: {  	[tilespmem:v57+s19+$0x0] =	vst.idx.add.s32.msk $0xffff, v3;
	v9 =	vcvt.f32.s32 v9;
	v11 =	vcvt.f32.s32 v11;
	v16 =	vsub.f32 v17, v5  }
0x162: {  	[tilespmem:v22+s19+$0x0] =	vst.idx.add.s32.msk $0xffff, v3;
	v22 =	vcvt.f32.s32 v20;
	v13 =	vmul.f32 v13, v4  }
0x163: {  	[tilespmem:v58+s19+$0x0] =	vst.idx.add.s32.msk $0xffff, v3;
	v20 =	vsub.f32 v29, v5;
	vm0 =	vlt.s32 v9, $0x3FFF;
	v16 =	vmul.f32 v16, v4  }
0x164: {  	[tilespmem:s3+$0x20] =	vst v10;
	v17 =	vld [tilespmem:s25+$0xFFFFFFF0];
	v19 =	vnsel vm0, $0x3FFF, v9;
	vm0 =	vlt.s32 v23, $0x3FFF;
	v9 =	vtrunc.f32 v13  }
0x165: {  	[tilespmem:s3+$0x0] =	vst v60;
	v63 =	vtrunc.f32 v16;
	v16 =	vnsel vm0, $0x3FFF, v23;
	v23 =	vsub.f32 v62, v5  }
0x166: {  	s9 =	simm.s32 $0xE980;
	s6 =	simm.s32 $0x0;
	[tilespmem:v60+s19+$0x0] =	vst.idx.add.s32.msk $0xffff, v3;
	vm0 =	vlt.s32 v11, $0x3FFF;
	v13 =	vcvt.f32.s32 v9;
	v9 =	vcvt.f32.s32 v63  }
0x167: {  	s10 =	simm.s32 $0x100;
	s7 =	simm.s32 $0xE980;
	s24 =	simm.s32 $0xE280;
	v8 =	vld [tilespmem:s25+$0xFFFFFFE0];
	[tilespmem:s9+$0xFFFFFFD0] =	vst v19;
	v14 =	vnsel vm0, $0x3FFF, v11;
	v11 =	vcvt.f32.s32 v61;
	vm0 =	vlt.s32 v22, $0x3FFF  }
.LBB2_11:
0x168: {  	s10 =	sadd.s32 $0x100, s10;
	vm1 =	vlt.s32 v7, $0x3FFF;
	v15 =	vnsel vm0, $0x3FFF, v22;
	v22 =	vmul.f32 v23, v4;
	s9 =	sadd.s32 $0x100, s9;
	[tilespmem:v10+s19+$0x0] =	vst.idx.add.s32.msk $0xffff, v3  }
0x169: {  	v10 =	vsub.f32 v17, v5;
	v17 =	vcvt.f32.s32 v21;
	v12 =	vsub.f32 v12, v5;
	v23 =	vld [tilespmem:s24+$0xFFFFFFC0];
	p0 =	slt.u32 s10, $0x700;
	[tilespmem:s7+$0x50] =	vst v16  }
0x16a: {  	v18 =	vtrunc.f32 v18;
	vm0 =	vlt.s32 v11, $0x3FFF;
	[tilespmem:v19+s19+$0x0] =	vst.idx.add.s32.msk $0xffff, v3;
	v19 =	vtrunc.f32 v22  }
0x16b: {  	v20 =	vmul.f32 v20, v4;
	v10 =	vmul.f32 v10, v4;
	vm2 =	vlt.s32 v17, $0x3FFF;
	v21 =	vld [tilespmem:s24+$0xFFFFFF90];
	[tilespmem:s7+$0xFFFFFF90] =	vst v14  }
0x16c: {  	v18 =	vcvt.f32.s32 v18;
	v17 =	vnsel vm2, $0x3FFF, v17;
	v19 =	vcvt.f32.s32 v19;
	v22 =	vld [tilespmem:s24+$0xFFFFFFA0];
	[tilespmem:s7+$0xFFFFFFC0] =	vst v15  }
0x16d: {  	v8 =	vsub.f32 v8, v5;
	v12 =	vmul.f32 v12, v4;
	v10 =	vtrunc.f32 v10;
	v24 =	vld [tilespmem:s24+$0xFFFFFF80];
	[tilespmem:s7+$0x10] =	vst v17  }
0x16e: {  	v20 =	vtrunc.f32 v20;
	v10 =	vcvt.f32.s32 v10;
	vm2 =	vlt.s32 v19, $0x3FFF;
	v25 =	vld [tilespmem:s24+$0x50]  }
0x16f: {  	v8 =	vmul.f32 v8, v4;
	v20 =	vcvt.f32.s32 v20;
	[tilespmem:v16+s19+$0x0] =	vst.idx.add.s32.msk $0xffff, v3;
	v16 =	vnsel vm2, $0x3FFF, v19  }
0x170: {  	v19 =	vnsel vm1, $0x3FFF, v7;
	vm1 =	vlt.s32 v10, $0x3FFF;
	v7 =	vtrunc.f32 v12;
	[tilespmem:v15+s19+$0x0] =	vst.idx.add.s32.msk $0xffff, v3  }
0x171: {  	v8 =	vtrunc.f32 v8;
	v15 =	vnsel vm1, $0x3FFF, v10;
	v12 =	vld [tilespmem:s24+$0xFFFFFFD0];
	[tilespmem:s7+$0x70] =	vst v16  }
0x172: {  	v8 =	vcvt.f32.s32 v8;
	vm1 =	vlt.s32 v20, $0x3FFF;
	v10 =	vsub.f32 v24, v5;
	v24 =	vld [tilespmem:s24+$0x10];
	[tilespmem:s7+$0xFFFFFFF0] =	vst v15  }
0x173: {  	vm2 =	vlt.s32 v18, $0x3FFF;
	v7 =	vcvt.f32.s32 v7;
	v25 =	vsub.f32 v25, v5;
	[tilespmem:v14+s19+$0x0] =	vst.idx.add.s32.msk $0xffff, v3  }
0x174: {  	vm4 =	vlt.s32 v13, $0x3FFF;
	vm3 =	vlt.s32 v8, $0x3FFF;
	v10 =	vmul.f32 v10, v4;
	v14 =	vld [tilespmem:s24+$0x0];
	[tilespmem:s7+$0xFFFFFF80] =	vst v19  }
0x175: {  	v26 =	vnsel vm4, $0x3FFF, v13;
	v25 =	vmul.f32 v25, v4;
	[tilespmem:v16+s19+$0x0] =	vst.idx.add.s32.msk $0xffff, v3  }
0x176: {  	v16 =	vnsel vm3, $0x3FFF, v8;
	vm3 =	vlt.s32 v7, $0x3FFF;
	v13 =	vtrunc.f32 v10;
	[tilespmem:v17+s19+$0x0] =	vst.idx.add.s32.msk $0xffff, v3  }
0x177: {  	v10 =	vnsel vm2, $0x3FFF, v18;
	v28 =	vnsel vm3, $0x3FFF, v7;
	v27 =	vld [tilespmem:s24+$0x20];
	v25 =	vtrunc.f32 v25;
	[tilespmem:s7+$0x30] =	vst v26  }
0x178: {  	v12 =	vsub.f32 v12, v5;
	vm2 =	vlt.s32 v6, $0x3FFF;
	v7 =	vcvt.f32.s32 v13;
	v13 =	vld [tilespmem:s24+$0x30];
	[tilespmem:s7+$0x60] =	vst v28  }
0x179: {  	v17 =	vsub.f32 v23, v5;
	v29 =	vnsel vm2, $0x3FFF, v6;
	v8 =	vld [tilespmem:s24+$0xFFFFFFE0];
	v14 =	vsub.f32 v14, v5;
	[tilespmem:s7+$0xFFFFFFE0] =	vst v16  }
0x17a: {  	v11 =	vnsel vm0, $0x3FFF, v11;
	v20 =	vnsel vm1, $0x3FFF, v20;
	v18 =	vmul.f32 v12, v4;
	v6 =	vld [tilespmem:s24+$0xFFFFFFB0];
	[tilespmem:s7+$0x20] =	vst v10  }
0x17b: {  	v22 =	vsub.f32 v22, v5;
	v24 =	vsub.f32 v24, v5;
	v23 =	vmul.f32 v17, v4;
	v12 =	vld [tilespmem:s24+$0x60];
	[tilespmem:s7+$0xFFFFFFA0] =	vst v11  }
0x17c: {  	vm0 =	vlt.s32 v9, $0x3FFF;
	v21 =	vsub.f32 v21, v5;
	v14 =	vmul.f32 v14, v4;
	v17 =	vld [tilespmem:s24+$0xFFFFFFF0];
	[tilespmem:s7+$0x40] =	vst v20  }
0x17d: {  	v9 =	vnsel vm0, $0x3FFF, v9;
	v22 =	vmul.f32 v22, v4;
	v25 =	vcvt.f32.s32 v25;
	[tilespmem:v15+s19+$0x0] =	vst.idx.add.s32.msk $0xffff, v3  }
0x17e: {  	v23 =	vtrunc.f32 v23;
	v14 =	vtrunc.f32 v14;
	v13 =	vsub.f32 v13, v5;
	v30 =	vld [tilespmem:s24+$0x40];
	[tilespmem:s7+$0xFFFFFFB0] =	vst v9  }
0x17f: {  	v24 =	vmul.f32 v24, v4;
	v15 =	vsub.f32 v6, v5;
	v6 =	vtrunc.f32 v18;
	[tilespmem:v16+s19+$0x0] =	vst.idx.add.s32.msk $0xffff, v3  }
0x180: {  	v16 =	vcvt.f32.s32 v6;
	v6 =	vcvt.f32.s32 v14;
	v14 =	vsub.f32 v27, v5;
	[tilespmem:v11+s19+$0x0] =	vst.idx.add.s32.msk $0xffff, v3  }
0x181: {  	vm0 =	vlt.s32 v25, $0x3FFF;
	v13 =	vmul.f32 v13, v4;
	v11 =	vtrunc.f32 v22;
	v27 =	vld [tilespmem:s24+$0x70];
	[tilespmem:s7+$0x0] =	vst v29;
	s7 =	smov.u32 s9  }
0x182: {  	v21 =	vmul.f32 v21, v4;
	v15 =	vmul.f32 v15, v4;
	vm1 =	vlt.s32 v16, $0x3FFF;
	[tilespmem:v19+s19+$0x0] =	vst.idx.add.s32.msk $0xffff, v3  }
0x183: {  	v13 =	vtrunc.f32 v13;
	v18 =	vmul.f32 v14, v4;
	v19 =	vnsel vm1, $0x3FFF, v16;
	[tilespmem:v20+s19+$0x0] =	vst.idx.add.s32.msk $0xffff, v3  }
.Ltmp4:
0x184: {  	v14 =	vtrunc.f32 v21;
	v20 =	vtrunc.f32 v15;
	v16 =	vnsel vm0, $0x3FFF, v25;
	[tilespmem:s9+$0xFFFFFFD0] =	vst v19;
	(pc) =	sbr.rel @p0 .LBB2_11-.Ltmp4, $4  }
0x185: {  	v13 =	vcvt.f32.s32 v13;
	v14 =	vcvt.f32.s32 v14;
	v15 =	vimm.s32 $0x0;
	[tilespmem:v26+s19+$0x0] =	vst.idx.add.s32.msk $0xffff, v3  }
0x186: {  	v22 =	vcvt.f32.s32 v23;
	v21 =	vtrunc.f32 v24;
	v23 =	vsub.f32 v27, v5;
	[tilespmem:v9+s19+$0x0] =	vst.idx.add.s32.msk $0xffff, v3  }
0x187: {  	vm0 =	vlt.s32 v14, $0x3FFF;
	v9 =	vcvt.f32.s32 v20;
	v20 =	vsub.f32 v30, v5;
	[tilespmem:v28+s19+$0x0] =	vst.idx.add.s32.msk $0xffff, v3  }
0x188: {  	v11 =	vcvt.f32.s32 v11;
	s24 =	sadd.s32 $0x100, s24;
	v14 =	vnsel vm0, $0x3FFF, v14;
	vm0 =	vlt.s32 v22, $0x3FFF;
	[tilespmem:v29+s19+$0x0] =	vst.idx.add.s32.msk $0xffff, v3  }
0x189: {  	_ =	sdelay $0x3  }
0x18a: {  	[tilespmem:v10+s19+$0x0] =	vst.idx.add.s32.msk $0xffff, v3  }
0x18b: {  	[tilespmem:s7+$0x50] =	vst v16  }
0x18c: {  	v10 =	vsub.f32 v17, v5;
	v59 =	vmul.f32 v23, v4;
	v21 =	vcvt.f32.s32 v21;
	[tilespmem:v19+s19+$0x0] =	vst.idx.add.s32.msk $0xffff, v3  }
0x18d: {  	v22 =	vnsel vm0, $0x3FFF, v22;
	[tilespmem:s7+$0xFFFFFF90] =	vst v14;
	v12 =	vsub.f32 v12, v5;
	v5 =	vsub.f32 v8, v5  }
0x18e: {  	[tilespmem:s7+$0xFFFFFFC0] =	vst v22;
	v10 =	vmul.f32 v10, v4;
	v17 =	vtrunc.f32 v59;
	vm0 =	vlt.s32 v21, $0x3FFF  }
0x18f: {  	[tilespmem:v16+s19+$0x0] =	vst.idx.add.s32.msk $0xffff, v3;
	v5 =	vmul.f32 v5, v4;
	v60 =	vnsel vm0, $0x3FFF, v21;
	v17 =	vcvt.f32.s32 v17  }
0x190: {  	[tilespmem:v14+s19+$0x0] =	vst.idx.add.s32.msk $0xffff, v3;
	v10 =	vtrunc.f32 v10  }
0x191: {  	[tilespmem:s7+$0x10] =	vst v60;
	v5 =	vtrunc.f32 v5;
	v10 =	vcvt.f32.s32 v10;
	vm0 =	vlt.s32 v17, $0x3FFF  }
0x192: {  	[tilespmem:v22+s19+$0x0] =	vst.idx.add.s32.msk $0xffff, v3;
	v5 =	vcvt.f32.s32 v5;
	v8 =	vnsel vm0, $0x3FFF, v17  }
0x193: {  	vm0 =	vlt.s32 v10, $0x3FFF;
	[tilespmem:s7+$0x70] =	vst v8  }
0x194: {  	v12 =	vmul.f32 v12, v4;
	vm1 =	vlt.s32 v5, $0x3FFF;
	v10 =	vnsel vm0, $0x3FFF, v10;
	[tilespmem:v60+s19+$0x0] =	vst.idx.add.s32.msk $0xffff, v3  }
0x195: {  	vm0 =	vlt.s32 v7, $0x3FFF;
	v5 =	vnsel vm1, $0x3FFF, v5;
	[tilespmem:s7+$0xFFFFFFF0] =	vst v10  }
0x196: {  	v12 =	vtrunc.f32 v12;
	vm1 =	vlt.s32 v11, $0x3FFF;
	v7 =	vnsel vm0, $0x3FFF, v7;
	[tilespmem:s7+$0xFFFFFFE0] =	vst v5  }
0x197: {  	v12 =	vcvt.f32.s32 v12;
	v11 =	vnsel vm1, $0x3FFF, v11;
	[tilespmem:s7+$0xFFFFFF80] =	vst v7  }
0x198: {  	vm0 =	vlt.s32 v13, $0x3FFF;
	[tilespmem:s7+$0xFFFFFFA0] =	vst v11  }
0x199: {  	v13 =	vnsel vm0, $0x3FFF, v13;
	vm0 =	vlt.s32 v12, $0x3FFF;
	[tilespmem:v8+s19+$0x0] =	vst.idx.add.s32.msk $0xffff, v3  }
0x19a: {  	[tilespmem:s7+$0x30] =	vst v13;
	v12 =	vnsel vm0, $0x3FFF, v12  }
0x19b: {  	v61 =	vtrunc.f32 v18;
	v4 =	vmul.f32 v20, v4;
	[tilespmem:s7+$0x60] =	vst v12  }
0x19c: {  	v8 =	vcvt.f32.s32 v61;
	[tilespmem:v10+s19+$0x0] =	vst.idx.add.s32.msk $0xffff, v3  }
0x19d: {  	v4 =	vtrunc.f32 v4;
	[tilespmem:v5+s19+$0x0] =	vst.idx.add.s32.msk $0xffff, v3  }
0x19e: {  	v4 =	vcvt.f32.s32 v4;
	vm0 =	vlt.s32 v8, $0x3FFF;
	[tilespmem:v11+s19+$0x0] =	vst.idx.add.s32.msk $0xffff, v3  }
0x19f: {  	v8 =	vnsel vm0, $0x3FFF, v8;
	[tilespmem:v7+s19+$0x0] =	vst.idx.add.s32.msk $0xffff, v3  }
0x1a0: {  	vm0 =	vlt.s32 v4, $0x3FFF;
	[tilespmem:s7+$0x20] =	vst v8  }
0x1a1: {  	v4 =	vnsel vm0, $0x3FFF, v4;
	[tilespmem:v13+s19+$0x0] =	vst.idx.add.s32.msk $0xffff, v3  }
0x1a2: {  	vm0 =	vlt.s32 v9, $0x3FFF;
	[tilespmem:s7+$0x40] =	vst v4  }
0x1a3: {  	v9 =	vnsel vm0, $0x3FFF, v9;
	vm0 =	vlt.s32 v6, $0x3FFF;
	[tilespmem:v12+s19+$0x0] =	vst.idx.add.s32.msk $0xffff, v3  }
0x1a4: {  	[tilespmem:s7+$0xFFFFFFB0] =	vst v9;
	v5 =	vnsel vm0, $0x3FFF, v6  }
0x1a5: {  	[tilespmem:s7+$0x0] =	vst v5  }
0x1a6: {  	[tilespmem:v8+s19+$0x0] =	vst.idx.add.s32.msk $0xffff, v3  }
0x1a7: {  	[tilespmem:v4+s19+$0x0] =	vst.idx.add.s32.msk $0xffff, v3  }
0x1a8: {  	[tilespmem:v9+s19+$0x0] =	vst.idx.add.s32.msk $0xffff, v3  }
0x1a9: {  	[tilespmem:v5+s19+$0x0] =	vst.idx.add.s32.msk $0xffff, v3  }
0x1aa: {  	v4 =	vld [tilespmem:s3+$0xFFFFFF80];
	_ =	sdelay $0x1  }
0x1ab: {  	v5 =	vld [tilespmem:s3+$0xFFFFFF90];
	_ =	sdelay $0x1  }
0x1ac: {  	v6 =	vld [tilespmem:s3+$0xFFFFFFA0]  }
0x1ad: {  	v7 =	vld [tilespmem:s3+$0xFFFFFFB0]  }
0x1ae: {  	v8 =	vld [tilespmem:s3+$0xFFFFFFC0]  }
0x1af: {  	v9 =	vld [tilespmem:s3+$0xFFFFFFD0]  }
0x1b0: {  	v4 =	vld.idx.msk [tilespmem:v4+s19+$0x0], $0xffff  }
0x1b1: {  	v10 =	vld [tilespmem:s3+$0xFFFFFFE0]  }
0x1b2: {  	v5 =	vld.idx.msk [tilespmem:v5+s19+$0x0], $0xffff  }
0x1b3: {  	v11 =	vld [tilespmem:s3+$0xFFFFFFF0]  }
0x1b4: {  	v6 =	vld.idx.msk [tilespmem:v6+s19+$0x0], $0xffff  }
0x1b5: {  	v13 =	vld [tilespmem:s3+$0x0];
	vm0 =	vgt.s32 v15, v4  }
0x1b6: {  	v7 =	vld.idx.msk [tilespmem:v7+s19+$0x0], $0xffff;
	v12 =	vsel vm0, v15, v4  }
0x1b7: {  	v14 =	vld [tilespmem:s3+$0x10];
	vm0 =	vgt.s32 v12, v5  }
0x1b8: {  	v8 =	vld.idx.msk [tilespmem:v8+s19+$0x0], $0xffff;
	v12 =	vsel vm0, v12, v5  }
0x1b9: {  	v62 =	vld [tilespmem:s3+$0x30];
	vm0 =	vgt.s32 v12, v6  }
0x1ba: {  	v9 =	vld.idx.msk [tilespmem:v9+s19+$0x0], $0xffff;
	v12 =	vsel vm0, v12, v6  }
0x1bb: {  	v15 =	vld [tilespmem:s3+$0x20];
	vm0 =	vgt.s32 v12, v7  }
0x1bc: {  	s7 =	simm.s32 $0xF080;
	v10 =	vld.idx.msk [tilespmem:v10+s19+$0x0], $0xffff;
	v12 =	vsel vm0, v12, v7  }
0x1bd: {  	v63 =	vld.idx.msk [tilespmem:v11+s19+$0x0], $0xffff;
	[tilespmem:s7+$0xFFFFFF80] =	vst v4;
	vm0 =	vgt.s32 v12, v8  }
0x1be: {  	v11 =	vld.idx.msk [tilespmem:v13+s19+$0x0], $0xffff;
	[tilespmem:s7+$0xFFFFFF90] =	vst v5;
	v4 =	vsel vm0, v12, v8  }
0x1bf: {  	[tilespmem:s7+$0xFFFFFFA0] =	vst v6;
	v5 =	vld [tilespmem:s3+$0x40];
	vm0 =	vgt.s32 v4, v9  }
0x1c0: {  	[tilespmem:s7+$0xFFFFFFB0] =	vst v7;
	v7 =	vld [tilespmem:s3+$0x50];
	v6 =	vsel vm0, v4, v9  }
0x1c1: {  	[tilespmem:s7+$0xFFFFFFC0] =	vst v8;
	v4 =	vld.idx.msk [tilespmem:v14+s19+$0x0], $0xffff;
	vm0 =	vgt.s32 v6, v10  }
0x1c2: {  	[tilespmem:s7+$0xFFFFFFD0] =	vst v9;
	v9 =	vld [tilespmem:s3+$0x60];
	v8 =	vsel vm0, v6, v10  }
0x1c3: {  	[tilespmem:s7+$0xFFFFFFE0] =	vst v10;
	v6 =	vld.idx.msk [tilespmem:v15+s19+$0x0], $0xffff;
	vm0 =	vgt.s32 v8, v63  }
0x1c4: {  	[tilespmem:s7+$0xFFFFFFF0] =	vst v63;
	v10 =	vld [tilespmem:s3+$0x70];
	v12 =	vsel vm0, v8, v63  }
0x1c5: {  	s0 =	simm.s32 $0xE980;
	s12 =	smov.u32 s8;
	[tilespmem:s7+$0x0] =	vst v11;
	v8 =	vld.idx.msk [tilespmem:v62+s19+$0x0], $0xffff;
	vm0 =	vgt.s32 v12, v11  }
.LBB2_13:
0x1c6: {  	v13 =	vld [tilespmem:s0+$0xFFFFFF80];
	v11 =	vsel vm0, v12, v11  }
0x1c7: {  	s6 =	sadd.s32 $0x100, s6;
	[tilespmem:s7+$0x10] =	vst v4;
	vm0 =	vgt.s32 v11, v4;
	v5 =	vld.idx.msk [tilespmem:v5+s19+$0x0], $0xffff  }
0x1c8: {  	p0 =	slt.u32 s6, $0x700;
	v12 =	vld [tilespmem:s0+$0xFFFFFF90];
	v4 =	vsel vm0, v11, v4  }
0x1c9: {  	[tilespmem:s7+$0x20] =	vst v6;
	vm0 =	vgt.s32 v4, v6;
	v7 =	vld.idx.msk [tilespmem:v7+s19+$0x0], $0xffff  }
0x1ca: {  	v11 =	vld [tilespmem:s0+$0xFFFFFFA0];
	v4 =	vsel vm0, v4, v6  }
0x1cb: {  	[tilespmem:s7+$0x30] =	vst v8;
	vm0 =	vgt.s32 v4, v8;
	v6 =	vld.idx.msk [tilespmem:v9+s19+$0x0], $0xffff  }
0x1cc: {  	v9 =	vld [tilespmem:s0+$0xFFFFFFB0];
	v4 =	vsel vm0, v4, v8  }
0x1cd: {  	[tilespmem:s7+$0x40] =	vst v5;
	vm0 =	vgt.s32 v4, v5;
	v8 =	vld.idx.msk [tilespmem:v10+s19+$0x0], $0xffff  }
0x1ce: {  	v10 =	vld [tilespmem:s0+$0xFFFFFFC0];
	v4 =	vsel vm0, v4, v5  }
0x1cf: {  	v5 =	vld.idx.msk [tilespmem:v13+s19+$0x0], $0xffff;
	[tilespmem:s7+$0x50] =	vst v7;
	vm0 =	vgt.s32 v4, v7  }
0x1d0: {  	v13 =	vld [tilespmem:s0+$0xFFFFFFD0];
	v4 =	vsel vm0, v4, v7  }
0x1d1: {  	v7 =	vld.idx.msk [tilespmem:v12+s19+$0x0], $0xffff;
	[tilespmem:s7+$0x60] =	vst v6;
	vm0 =	vgt.s32 v4, v6  }
0x1d2: {  	v12 =	vld [tilespmem:s0+$0xFFFFFFE0];
	v4 =	vsel vm0, v4, v6  }
0x1d3: {  	v6 =	vld.idx.msk [tilespmem:v11+s19+$0x0], $0xffff;
	[tilespmem:s7+$0x70] =	vst v8;
	vm0 =	vgt.s32 v4, v8  }
0x1d4: {  	s7 =	sadd.s32 $0x100, s7;
	v11 =	vld [tilespmem:s0+$0xFFFFFFF0];
	v4 =	vsel vm0, v4, v8  }
0x1d5: {  	[tilespmem:s7+$0xFFFFFF80] =	vst v5;
	vm0 =	vgt.s32 v4, v5;
	v8 =	vld.idx.msk [tilespmem:v9+s19+$0x0], $0xffff  }
0x1d6: {  	v4 =	vsel vm0, v4, v5;
	v9 =	vld [tilespmem:s0+$0x0]  }
0x1d7: {  	[tilespmem:s7+$0xFFFFFF90] =	vst v7;
	vm0 =	vgt.s32 v4, v7;
	v5 =	vld.idx.msk [tilespmem:v10+s19+$0x0], $0xffff  }
0x1d8: {  	v4 =	vsel vm0, v4, v7;
	v10 =	vld [tilespmem:s0+$0x10]  }
0x1d9: {  	[tilespmem:s7+$0xFFFFFFA0] =	vst v6;
	vm0 =	vgt.s32 v4, v6;
	v7 =	vld.idx.msk [tilespmem:v13+s19+$0x0], $0xffff  }
0x1da: {  	v4 =	vsel vm0, v4, v6;
	v6 =	vld [tilespmem:s0+$0x20]  }
0x1db: {  	[tilespmem:s7+$0xFFFFFFB0] =	vst v8;
	vm0 =	vgt.s32 v4, v8;
	v12 =	vld.idx.msk [tilespmem:v12+s19+$0x0], $0xffff  }
0x1dc: {  	v4 =	vsel vm0, v4, v8;
	v8 =	vld [tilespmem:s0+$0x30]  }
0x1dd: {  	[tilespmem:s7+$0xFFFFFFC0] =	vst v5;
	vm0 =	vgt.s32 v4, v5;
	v13 =	vld.idx.msk [tilespmem:v11+s19+$0x0], $0xffff  }
0x1de: {  	v4 =	vsel vm0, v4, v5;
	v5 =	vld [tilespmem:s0+$0x40]  }
0x1df: {  	[tilespmem:s7+$0xFFFFFFD0] =	vst v7;
	vm0 =	vgt.s32 v4, v7;
	v11 =	vld.idx.msk [tilespmem:v9+s19+$0x0], $0xffff  }
0x1e0: {  	v9 =	vsel vm0, v4, v7;
	v7 =	vld [tilespmem:s0+$0x50]  }
.Ltmp5:
0x1e1: {  	[tilespmem:s7+$0xFFFFFFE0] =	vst v12;
	vm0 =	vgt.s32 v9, v12;
	v4 =	vld.idx.msk [tilespmem:v10+s19+$0x0], $0xffff;
	(pc) =	sbr.rel @p0 .LBB2_13-.Ltmp5, $4  }
0x1e2: {  	v10 =	vsel vm0, v9, v12;
	v9 =	vld [tilespmem:s0+$0x60]  }
0x1e3: {  	[tilespmem:s7+$0xFFFFFFF0] =	vst v13;
	vm0 =	vgt.s32 v10, v13;
	v6 =	vld.idx.msk [tilespmem:v6+s19+$0x0], $0xffff  }
0x1e4: {  	v12 =	vsel vm0, v10, v13;
	v10 =	vld [tilespmem:s0+$0x70]  }
0x1e5: {  	s0 =	sadd.s32 $0x100, s0;
	[tilespmem:s7+$0x0] =	vst v11;
	vm0 =	vgt.s32 v12, v11;
	v8 =	vld.idx.msk [tilespmem:v8+s19+$0x0], $0xffff  }
0x1e6: {  	_ =	sdelay $0x1  }
0x1e7: {  	v11 =	vsel vm0, v12, v11  }
0x1e8: {  	vm0 =	vgt.s32 v11, v4  }
0x1e9: {  	v5 =	vld.idx.msk [tilespmem:v5+s19+$0x0], $0xffff;
	v11 =	vsel vm0, v11, v4  }
0x1ea: {  	vm0 =	vgt.s32 v11, v6  }
0x1eb: {  	v7 =	vld.idx.msk [tilespmem:v7+s19+$0x0], $0xffff;
	v11 =	vsel vm0, v11, v6  }
0x1ec: {  	vm0 =	vgt.s32 v11, v8  }
0x1ed: {  	v9 =	vld.idx.msk [tilespmem:v9+s19+$0x0], $0xffff;
	v11 =	vsel vm0, v11, v8  }
0x1ee: {  	vm0 =	vgt.s32 v11, v5  }
0x1ef: {  	v10 =	vld.idx.msk [tilespmem:v10+s19+$0x0], $0xffff;
	v11 =	vsel vm0, v11, v5  }
0x1f0: {  	vm0 =	vgt.s32 v11, v7  }
0x1f1: {  	v11 =	vsel vm0, v11, v7  }
0x1f2: {  	vm0 =	vgt.s32 v11, v9  }
0x1f3: {  	v11 =	vsel vm0, v11, v9  }
0x1f4: {  	vm0 =	vgt.s32 v11, v10  }
0x1f5: {  	v11 =	vsel vm0, v11, v10  }
0x1f6: {  	v11 =	vxor.u32 $0x80000000, v11  }
0x1f7: {  	(xrf0) =	vmax.scan.msk.u32 $0xffff, v11;
	_ =	sdelay $0x5  }
0x1f8: {  	v11, _, _ =	vpop (xrf0)  }
0x1f9: {  	(v2sf) =	vpush v11, $0xF;
	_ =	sdelay $0x7  }
0x1fa: {  	[tilespmem:s7+$0x10] =	vst v4  }
0x1fb: {  	[tilespmem:s7+$0x20] =	vst v6  }
0x1fc: {  	[tilespmem:s7+$0x30] =	vst v8  }
0x1fd: {  	[tilespmem:s7+$0x40] =	vst v5  }
0x1fe: {  	[tilespmem:s7+$0x50] =	vst v7  }
0x1ff: {  	[tilespmem:s7+$0x60] =	vst v9  }
0x200: {  	s2 =	simm.s32 $0xF080;
	[tilespmem:s7+$0x70] =	vst v10  }
0x201: {  	v6 =	vld [tilespmem:s2+$0xFFFFFF80];
	s0 =	spop (v2sf)  }
0x202: {  	v10 =	vld [tilespmem:s2+$0xFFFFFF90];
	s0 =	sxor.u32 $0x80000000, s0  }
0x203: {  	v4 =	vmov s0  }
0x204: {  	v4 =	vcvt.s32.f32 v4;
	_ =	sdelay $0x1  }
0x205: {  	v12 =	vld [tilespmem:s2+$0xFFFFFFB0];
	v5 =	vbroadcast v4, $0x0  }
0x206: {  	v8 =	vcvt.s32.f32 v10;
	v11 =	vld [tilespmem:s2+$0xFFFFFFA0];
	v4 =	vcvt.s32.f32 v6  }
0x207: {  	v14 =	vld [tilespmem:s2+$0xFFFFFFC0];
	v7 =	vsub.f32 $0.0e+00, v5  }
0x208: {  	v16 =	vld [tilespmem:s2+$0xFFFFFFD0];
	v4 =	vsub.f32 v4, v5;
	v15 =	vsub.f32 v8, v5  }
0x209: {  	v17 =	vld [tilespmem:s2+$0xFFFFFFE0];
	v13 =	vmul.f32 $1.442695020e+00, v7  }
0x20a: {  	v18 =	vld [tilespmem:s2+$0x40];
	v4 =	vmul.f32 $1.442695020e+00, v4;
	v15 =	vmul.f32 $1.442695020e+00, v15  }
0x20b: {  	v19 =	vld [tilespmem:s2+$0xFFFFFFF0];
	(erf) = vpow2.f32 v13;
	v13 =	vcvt.s32.f32 v11  }
0x20c: {  	v20 =	vld [tilespmem:s2+$0x30];
	(erf) = vpow2.f32 v4;
	v4 =	vcvt.s32.f32 v12  }
0x20d: {  	v22 =	vld [tilespmem:s2+$0x0];
	v13 =	vsub.f32 v13, v5;
	(erf) = vpow2.f32 v15;
	v15 =	vcvt.s32.f32 v14  }
0x20e: {  	s25 =	simm.s32 $0xF180;
	v24 =	vld [tilespmem:s2+$0x10];
	v21 =	vcvt.s32.f32 v16;
	v4 =	vsub.f32 v4, v5  }
0x20f: {  	v35 =	vld [tilespmem:s25+$0xFFFFFFB0];
	v13 =	vmul.f32 $1.442695020e+00, v13;
	v15 =	vsub.f32 v15, v5  }
0x210: {  	v23 =	vcvt.s32.f32 v17;
	v25 =	vld.idx.msk [tilespmem:v6+s20+$0x0], $0xffff;
	v21 =	vsub.f32 v21, v5;
	v4 =	vmul.f32 $1.442695020e+00, v4  }
0x211: {  	v26 =	vld.idx.msk [tilespmem:v10+s20+$0x0], $0xffff;
	(erf) = vpow2.f32 v13;
	v15 =	vmul.f32 $1.442695020e+00, v15  }
0x212: {  	v6 =	vcvt.s32.f32 v19;
	v10 =	vmul.f32 $1.442695020e+00, v21;
	v21 =	vsub.f32 v23, v5;
	v13 =	vld [tilespmem:s2+$0x20]  }
0x213: {  	v37 =	vld [tilespmem:s25+$0xFFFFFFC0];
	v27 =	vcvt.s32.f32 v22;
	(erf) = vpow2.f32 v4  }
0x214: {  	v28 =	vld.idx.msk [tilespmem:v11+s20+$0x0], $0xffff;
	v23 =	vsub.f32 v6, v5;
	v11 =	vmul.f32 $1.442695020e+00, v21;
	v4 =	vpop (erf);
	(erf) = vpow2.f32 v15  }
0x215: {  	v30 =	vld.idx.msk [tilespmem:v12+s20+$0x0], $0xffff;
	v12 =	vsub.f32 v27, v5;
	v27 =	vcvt.s32.f32 v24;
	v15 =	vpop (erf);
	(erf) = vpow2.f32 v10  }
0x216: {  	s10 =	simm.s32 $0xF880;
	v38 =	vld [tilespmem:s25+$0xFFFFFFD0];
	v23 =	vmul.f32 $1.442695020e+00, v23;
	v21 =	vpop (erf);
	(erf) = vpow2.f32 v11;
	v11 =	vsub.f32 v15, v4  }
0x217: {  	v57 =	vld [tilespmem:s25+$0x20];
	v27 =	vsub.f32 v27, v5;
	v32 =	vcvt.s32.f32 v13;
	[tilespmem:s10+$0xFFFFFF90] =	vst v21;
	v21 =	vsub.f32 v21, v4  }
0x218: {  	v29 =	vimm.f32 $0.0e+00;
	v9 =	vld [tilespmem:s2+$0x50];
	v12 =	vmul.f32 $1.442695020e+00, v12;
	v25 =	vmul.f32 v11, v25  }
0x219: {  	v16 =	vld.idx.msk [tilespmem:v16+s20+$0x0], $0xffff;
	v27 =	vmul.f32 $1.442695020e+00, v27;
	v32 =	vsub.f32 v32, v5;
	v21 =	vmul.f32 v21, v26  }
0x21a: {  	v17 =	vld.idx.msk [tilespmem:v17+s20+$0x0], $0xffff;
	[tilespmem:s10+$0xFFFFFF80] =	vst v15;
	v15 =	vpop (erf);
	(erf) = vpow2.f32 v23;
	v23 =	vcvt.s32.f32 v20;
	v25 =	vadd.f32 v25, v29  }
0x21b: {  	v31 =	vcvt.s32.f32 v18;
	v7 =	vld [tilespmem:s2+$0x60];
	v29 =	vmul.f32 $1.442695020e+00, v32;
	[tilespmem:s10+$0xFFFFFFA0] =	vst v15;
	v15 =	vsub.f32 v15, v4  }
0x21c: {  	s24 =	simm.s32 $0xE880;
	v14 =	vld.idx.msk [tilespmem:v14+s20+$0x0], $0xffff;
	v33 =	vpop (erf);
	(erf) = vpow2.f32 v12;
	v23 =	vsub.f32 v23, v5;
	v21 =	vadd.f32 v21, v25  }
0x21d: {  	v11 =	vld [tilespmem:s24+$0xFFFFFFA0];
	v25 =	vsub.f32 v33, v4;
	v26 =	vpop (erf);
	(erf) = vpow2.f32 v27;
	v15 =	vmul.f32 v15, v28  }
0x21e: {  	v22 =	vld.idx.msk [tilespmem:v22+s20+$0x0], $0xffff;
	[tilespmem:s10+$0xFFFFFFC0] =	vst v26;
	v27 =	vpop (erf);
	v23 =	vmul.f32 $1.442695020e+00, v23;
	(erf) = vpow2.f32 v29;
	v26 =	vsub.f32 v26, v4  }
0x21f: {  	v8 =	vld [tilespmem:s2+$0x70];
	v15 =	vadd.f32 v15, v21;
	v21 =	vmul.f32 v25, v30;
	v25 =	vsub.f32 v31, v5  }
0x220: {  	v29 =	vpop (erf);
	(erf) = vpow2.f32 v23;
	v23 =	vld.idx.msk [tilespmem:v24+s20+$0x0], $0xffff;
	v24 =	vcvt.s32.f32 v9  }
0x221: {  	v18 =	vld.idx.msk [tilespmem:v18+s20+$0x0], $0xffff;
	v14 =	vmul.f32 v26, v14;
	v15 =	vadd.f32 v21, v15;
	v21 =	vmul.f32 $1.442695020e+00, v25  }
0x222: {  	v19 =	vld.idx.msk [tilespmem:v19+s20+$0x0], $0xffff;
	[tilespmem:s10+$0xFFFFFFD0] =	vst v27;
	v26 =	vsub.f32 v27, v4;
	v27 =	vcvt.s32.f32 v7  }
0x223: {  	v6 =	vld [tilespmem:s24+$0xFFFFFF80];
	v24 =	vsub.f32 v24, v5;
	v25 =	vpop (erf);
	(erf) = vpow2.f32 v21;
	v14 =	vadd.f32 v14, v15  }
0x224: {  	v15 =	vmul.f32 v26, v16;
	v16 =	vld.idx.msk [tilespmem:v20+s20+$0x0], $0xffff;
	v20 =	vcvt.s32.f32 v8;
	v26 =	vsub.f32 v29, v4  }
0x225: {  	v13 =	vld.idx.msk [tilespmem:v13+s20+$0x0], $0xffff;
	v27 =	vsub.f32 v27, v5;
	v24 =	vmul.f32 $1.442695020e+00, v24;
	[tilespmem:v11+s19+$0x0] =	vst.idx.msk $0xffff, v1;
	v11 =	vcvt.s32.f32 v37  }
0x226: {  	v30 =	vld [tilespmem:s24+$0xFFFFFFD0];
	[tilespmem:s10+$0xFFFFFFE0] =	vst v29;
	v21 =	vpop (erf);
	v14 =	vadd.f32 v15, v14;
	v15 =	vmul.f32 v26, v17;
	v20 =	vsub.f32 v20, v5  }
0x227: {  	v9 =	vld.idx.msk [tilespmem:v9+s20+$0x0], $0xffff;
	[tilespmem:s10+$0xFFFFFFF0] =	vst v25;
	v25 =	vsub.f32 v25, v4;
	v17 =	vmul.f32 $1.442695020e+00, v27;
	v29 =	vpop (erf);
	(erf) = vpow2.f32 v24  }
0x228: {  	v31 =	vld [tilespmem:s24+$0xFFFFFFE0];
	[tilespmem:s10+$0x0] =	vst v21;
	v21 =	vsub.f32 v21, v4;
	v14 =	vadd.f32 v15, v14;
	v15 =	vmul.f32 $1.442695020e+00, v20  }
0x229: {  	v8 =	vld.idx.msk [tilespmem:v8+s20+$0x0], $0xffff;
	v19 =	vmul.f32 v25, v19;
	v26 =	vpop (erf);
	(erf) = vpow2.f32 v17  }
0x22a: {  	[tilespmem:s10+$0x10] =	vst v29;
	(erf) = vpow2.f32 v15;
	v15 =	vmul.f32 v21, v22;
	v22 =	vld [tilespmem:s25+$0xFFFFFF80]  }
0x22b: {  	v27 =	vld [tilespmem:s24+$0x10];
	v14 =	vadd.f32 v19, v14;
	v19 =	vsub.f32 v29, v4  }
0x22c: {  	[tilespmem:s10+$0xFFFFFFB0] =	vst v33;
	v25 =	vld [tilespmem:s25+$0xFFFFFF90];
	v11 =	vsub.f32 v11, v5  }
0x22d: {  	v10 =	vld [tilespmem:s24+$0xFFFFFF90];
	[tilespmem:s10+$0x20] =	vst v26;
	v17 =	vpop (erf);
	v14 =	vadd.f32 v15, v14;
	v15 =	vmul.f32 v19, v23;
	v19 =	vsub.f32 v26, v4  }
0x22e: {  	[tilespmem:v30+s19+$0x0] =	vst.idx.msk $0xffff, v1;
	v26 =	vld [tilespmem:s25+$0xFFFFFFA0];
	v21 =	vpop (erf)  }
0x22f: {  	v11 =	vmul.f32 $1.442695020e+00, v11;
	v20 =	vld [tilespmem:s24+$0x20];
	[tilespmem:s10+$0x40] =	vst v21;
	v21 =	vsub.f32 v21, v4;
	v34 =	vcvt.s32.f32 v22  }
0x230: {  	v12 =	vld [tilespmem:s24+$0xFFFFFFB0];
	[tilespmem:s10+$0x30] =	vst v17;
	v17 =	vsub.f32 v17, v4;
	v14 =	vadd.f32 v15, v14;
	v15 =	vmul.f32 v19, v13  }
0x231: {  	v28 =	vld [tilespmem:s24+$0xFFFFFFC0];
	[tilespmem:v31+s19+$0x0] =	vst.idx.msk $0xffff, v1;
	v55 =	vcvt.s32.f32 v25;
	v19 =	vpop (erf);
	v18 =	vmul.f32 v21, v18;
	v21 =	vsub.f32 v34, v5  }
0x232: {  	v30 =	vld [tilespmem:s25+$0x0];
	v17 =	vmul.f32 v17, v16;
	v14 =	vadd.f32 v15, v14;
	v29 =	vpop (erf);
	v16 =	vsub.f32 v19, v4;
	[tilespmem:s10+$0x50] =	vst v19  }
0x233: {  	v7 =	vld.idx.msk [tilespmem:v7+s20+$0x0], $0xffff;
	v34 =	vsub.f32 v55, v5;
	v56 =	vcvt.s32.f32 v26;
	[tilespmem:v27+s19+$0x0] =	vst.idx.msk $0xffff, v1;
	v19 =	vpop (erf);
	v21 =	vmul.f32 $1.442695020e+00, v21  }
0x234: {  	v31 =	vld [tilespmem:s25+$0x10];
	v27 =	vcvt.s32.f32 v57;
	v36 =	vsub.f32 v29, v4;
	[tilespmem:s10+$0x60] =	vst v29;
	v29 =	vsub.f32 v19, v4  }
0x235: {  	[tilespmem:v10+s19+$0x0] =	vst.idx.msk $0xffff, v1;
	v24 =	vld [tilespmem:s24+$0x30];
	v14 =	vadd.f32 v17, v14;
	v10 =	vmul.f32 $1.442695020e+00, v34;
	(erf) = vpow2.f32 v21  }
0x236: {  	[tilespmem:v6+s19+$0x0] =	vst.idx.msk $0xffff, v1;
	v13 =	vld [tilespmem:s25+$0x50];
	v17 =	vsub.f32 v56, v5;
	v6 =	vmul.f32 v29, v8;
	v8 =	vcvt.s32.f32 v35  }
0x237: {  	[tilespmem:v20+s19+$0x0] =	vst.idx.msk $0xffff, v1;
	v20 =	vcvt.s32.f32 v30;
	v9 =	vmul.f32 v16, v9;
	v14 =	vadd.f32 v18, v14;
	v29 =	vld [tilespmem:s25+$0xFFFFFFE0]  }
0x238: {  	[tilespmem:v12+s19+$0x0] =	vst.idx.msk $0xffff, v1;
	v12 =	vmul.f32 $1.442695020e+00, v17;
	v17 =	vld [tilespmem:s25+$0xFFFFFFF0];
	(erf) = vpow2.f32 v10;
	v8 =	vsub.f32 v8, v5  }
0x239: {  	v23 =	vld [tilespmem:s24+$0x40];
	v7 =	vmul.f32 v36, v7;
	v9 =	vadd.f32 v9, v14;
	v10 =	vcvt.s32.f32 v38  }
0x23a: {  	v15 =	vld [tilespmem:s25+$0x60];
	(erf) = vpow2.f32 v12;
	v8 =	vmul.f32 $1.442695020e+00, v8  }
0x23b: {  	v61 =	vld.idx.msk [tilespmem:v37+s20+$0x0], $0xffff;
	v18 =	vcvt.s32.f32 v13;
	v7 =	vadd.f32 v7, v9;
	v10 =	vsub.f32 v10, v5  }
0x23c: {  	[tilespmem:s10+$0x70] =	vst v19;
	v19 =	vld [tilespmem:s25+$0x40];
	v20 =	vsub.f32 v20, v5;
	v9 =	vcvt.s32.f32 v29;
	(erf) = vpow2.f32 v8  }
0x23d: {  	v12 =	vld.idx.msk [tilespmem:v22+s20+$0x0], $0xffff;
	v10 =	vmul.f32 $1.442695020e+00, v10;
	v8 =	vadd.f32 v6, v7;
	v7 =	vcvt.s32.f32 v17  }
0x23e: {  	v53 =	vld [tilespmem:s24+$0xFFFFFFF0];
	[tilespmem:v24+s19+$0x0] =	vst.idx.msk $0xffff, v1;
	v24 =	vcvt.s32.f32 v31;
	v9 =	vsub.f32 v9, v5;
	(erf) = vpow2.f32 v11  }
0x23f: {  	[tilespmem:v28+s19+$0x0] =	vst.idx.msk $0xffff, v1;
	v25 =	vld.idx.msk [tilespmem:v25+s20+$0x0], $0xffff;
	v28 =	vcvt.s32.f32 v15;
	v20 =	vmul.f32 $1.442695020e+00, v20;
	v11 =	vsub.f32 v7, v5;
	v58 =	vpop (erf)  }
0x240: {  	v21 =	vld [tilespmem:s25+$0x30];
	(erf) = vpow2.f32 v10;
	v32 =	vsub.f32 v58, v4;
	v59 =	vmul.f32 $1.442695020e+00, v9  }
0x241: {  	v26 =	vld.idx.msk [tilespmem:v26+s20+$0x0], $0xffff;
	[tilespmem:v23+s19+$0x0] =	vst.idx.msk $0xffff, v1;
	v23 =	vsub.f32 v24, v5;
	v14 =	vcvt.s32.f32 v19;
	v10 =	vpop (erf);
	v11 =	vmul.f32 $1.442695020e+00, v11  }
0x242: {  	v54 =	vld [tilespmem:s24+$0x0];
	v60 =	vsub.f32 v10, v4;
	v12 =	vmul.f32 v32, v12;
	(erf) = vpow2.f32 v59  }
0x243: {  	v35 =	vld.idx.msk [tilespmem:v35+s20+$0x0], $0xffff;
	v23 =	vmul.f32 $1.442695020e+00, v23;
	v24 =	vpop (erf);
	(erf) = vpow2.f32 v11  }
0x244: {  	s6 =	simm.s32 $0xF980;
	v16 =	vld [tilespmem:s25+$0x70];
	v11 =	vadd.f32 v12, v8;
	v12 =	vmul.f32 v60, v25;
	v25 =	vsub.f32 v24, v4  }
0x245: {  	v13 =	vld.idx.msk [tilespmem:v13+s20+$0x0], $0xffff;
	v22 =	vcvt.s32.f32 v21;
	[tilespmem:s6+$0xFFFFFFA0] =	vst v24;
	v24 =	vsub.f32 v27, v5;
	v27 =	vpop (erf);
	(erf) = vpow2.f32 v20  }
0x246: {  	v15 =	vld.idx.msk [tilespmem:v15+s20+$0x0], $0xffff;
	v12 =	vadd.f32 v12, v11;
	v20 =	vmul.f32 v25, v26;
	v25 =	vsub.f32 v27, v4  }
0x247: {  	v22 =	vsub.f32 v22, v5;
	v26 =	vld.idx.msk [tilespmem:v38+s20+$0x0], $0xffff;
	v24 =	vmul.f32 $1.442695020e+00, v24;
	[tilespmem:s6+$0xFFFFFFB0] =	vst v27;
	v27 =	vpop (erf);
	(erf) = vpow2.f32 v23  }
0x248: {  	v6 =	vld [tilespmem:s24+$0x50];
	v20 =	vadd.f32 v20, v12;
	v23 =	vmul.f32 v25, v35;
	v25 =	vsub.f32 v27, v4  }
0x249: {  	v29 =	vld.idx.msk [tilespmem:v29+s20+$0x0], $0xffff;
	v22 =	vmul.f32 $1.442695020e+00, v22;
	v62 =	vpop (erf);
	(erf) = vpow2.f32 v24  }
0x24a: {  	v7 =	vld [tilespmem:s24+$0x60];
	[tilespmem:s6+$0xFFFFFF80] =	vst v58;
	v24 =	vsub.f32 v62, v4;
	v20 =	vadd.f32 v23, v20;
	v23 =	vmul.f32 v25, v61  }
0x24b: {  	s3 =	simm.s32 $0xE980;
	v18 =	vsub.f32 v18, v5;
	[tilespmem:s6+$0xFFFFFFC0] =	vst v27;
	v27 =	vsub.f32 v14, v5;
	v25 =	vld.idx.msk [tilespmem:v17+s20+$0x0], $0xffff;
	v63 =	vpop (erf);
	(erf) = vpow2.f32 v22  }
0x24c: {  	v9 =	vld [tilespmem:s3+$0xFFFFFF80];
	v22 =	vmul.f32 v24, v26;
	v20 =	vadd.f32 v23, v20;
	v23 =	vsub.f32 v63, v4  }
0x24d: {  	v28 =	vsub.f32 v28, v5;
	[tilespmem:s6+$0xFFFFFF90] =	vst v10;
	v27 =	vmul.f32 $1.442695020e+00, v27;
	v24 =	vld.idx.msk [tilespmem:v30+s20+$0x0], $0xffff;
	v30 =	vmul.f32 $1.442695020e+00, v18;
	v26 =	vpop (erf)  }
0x24e: {  	v10 =	vld [tilespmem:s3+$0xFFFFFF90];
	v20 =	vadd.f32 v22, v20;
	v22 =	vmul.f32 v23, v29;
	v23 =	vsub.f32 v26, v4  }
0x24f: {  	v8 =	vld [tilespmem:s24+$0x70];
	(erf) = vpow2.f32 v27;
	[tilespmem:s6+$0xFFFFFFF0] =	vst v26;
	v26 =	vmul.f32 $1.442695020e+00, v28  }
0x250: {  	v11 =	vld [tilespmem:s3+$0xFFFFFFA0];
	v29 =	vpop (erf);
	(erf) = vpow2.f32 v30;
	v22 =	vadd.f32 v22, v20;
	v23 =	vmul.f32 v23, v25  }
0x251: {  	v27 =	vld.idx.msk [tilespmem:v31+s20+$0x0], $0xffff;
	v30 =	vpop (erf);
	v25 =	vsub.f32 v29, v4;
	(erf) = vpow2.f32 v26;
	v26 =	vcvt.s32.f32 v16  }
0x252: {  	v28 =	vld.idx.msk [tilespmem:v57+s20+$0x0], $0xffff;
	[tilespmem:s6+$0x10] =	vst v30;
	v22 =	vadd.f32 v23, v22  }
0x253: {  	v23 =	vmul.f32 v25, v24;
	v24 =	vsub.f32 v30, v4;
	v30 =	vld.idx.msk [tilespmem:v19+s20+$0x0], $0xffff;
	v19 =	vsub.f32 v26, v5  }
0x254: {  	v12 =	vld [tilespmem:s3+$0xFFFFFFB0];
	[tilespmem:s6+$0xFFFFFFD0] =	vst v62  }
0x255: {  	v14 =	vld [tilespmem:s3+$0xFFFFFFC0];
	[tilespmem:s6+$0x0] =	vst v29;
	v29 =	vpop (erf);
	v19 =	vmul.f32 $1.442695020e+00, v19  }
0x256: {  	v17 =	vld [tilespmem:s3+$0xFFFFFFD0];
	v22 =	vadd.f32 v23, v22;
	v24 =	vmul.f32 v24, v27;
	v27 =	vsub.f32 v29, v4  }
0x257: {  	[tilespmem:s6+$0xFFFFFFE0] =	vst v63;
	v25 =	vld.idx.msk [tilespmem:v21+s20+$0x0], $0xffff;
	(erf) = vpow2.f32 v19  }
0x258: {  	v18 =	vld [tilespmem:s3+$0xFFFFFFE0];
	v22 =	vadd.f32 v24, v22;
	v27 =	vmul.f32 v27, v28  }
0x259: {  	v20 =	vld [tilespmem:s3+$0xFFFFFFF0];
	v26 =	vpop (erf)  }
0x25a: {  	[tilespmem:v53+s19+$0x0] =	vst.idx.msk $0xffff, v1;
	v16 =	vld.idx.msk [tilespmem:v16+s20+$0x0], $0xffff;
	v28 =	vsub.f32 v26, v4;
	v22 =	vadd.f32 v27, v22  }
0x25b: {  	[tilespmem:s6+$0x20] =	vst v29;
	v21 =	vld [tilespmem:s3+$0x0];
	v29 =	vpop (erf)  }
0x25c: {  	v23 =	vld [tilespmem:s3+$0x10];
	[tilespmem:s6+$0x30] =	vst v26;
	v26 =	vmul.f32 v28, v25;
	v27 =	vsub.f32 v29, v4  }
0x25d: {  	[tilespmem:v54+s19+$0x0] =	vst.idx.msk $0xffff, v1;
	v24 =	vld [tilespmem:s3+$0x20];
	v19 =	vpop (erf)  }
0x25e: {  	s9 =	simm.s32 $0x100;
	s7 =	simm.s32 $0xE980;
	s10 =	simm.s32 $0xF280;
	[tilespmem:s6+$0x40] =	vst v29;
	v25 =	vld [tilespmem:s3+$0x30];
	v28 =	vsub.f32 v19, v4;
	v26 =	vadd.f32 v26, v22;
	v27 =	vmul.f32 v27, v30;
	v22 =	vpop (erf)  }
.LBB2_15:
0x25f: {  	v29 =	vld [tilespmem:s10+$0xFFFFFF80];
	s9 =	sadd.s32 $0x100, s9;
	[tilespmem:s6+$0x50] =	vst v19  }
0x260: {  	p0 =	slt.u32 s9, $0x700;
	v30 =	vld [tilespmem:s3+$0x40];
	v19 =	vadd.f32 v27, v26;
	v26 =	vmul.f32 v28, v13;
	[tilespmem:s6+$0x60] =	vst v22;
	v22 =	vsub.f32 v22, v4;
	v27 =	vpop (erf)  }
0x261: {  	v28 =	vld [tilespmem:s10+$0xFFFFFF90];
	[tilespmem:s6+$0x70] =	vst v27  }
0x262: {  	v13 =	vld [tilespmem:s10+$0x50];
	v19 =	vadd.f32 v26, v19;
	v15 =	vmul.f32 v22, v15;
	v22 =	vsub.f32 v27, v4  }
0x263: {  	v26 =	vld [tilespmem:s10+$0xFFFFFFA0];
	[tilespmem:v9+s19+$0x0] =	vst.idx.msk $0xffff, v1  }
0x264: {  	v9 =	vcvt.s32.f32 v29;
	v27 =	vld [tilespmem:s10+$0xFFFFFFB0];
	[tilespmem:v10+s19+$0x0] =	vst.idx.msk $0xffff, v1;
	v10 =	vadd.f32 v15, v19;
	v16 =	vmul.f32 v22, v16  }
0x265: {  	v15 =	vld [tilespmem:s10+$0x60];
	[tilespmem:v11+s19+$0x0] =	vst.idx.msk $0xffff, v1  }
0x266: {  	v9 =	vsub.f32 v9, v5;
	v11 =	vcvt.s32.f32 v28;
	v31 =	vld [tilespmem:s10+$0xFFFFFFC0];
	[tilespmem:v12+s19+$0x0] =	vst.idx.msk $0xffff, v1;
	v12 =	vadd.f32 v16, v10  }
0x267: {  	v16 =	vld [tilespmem:s10+$0x70];
	[tilespmem:v14+s19+$0x0] =	vst.idx.msk $0xffff, v1  }
0x268: {  	v9 =	vmul.f32 $1.442695020e+00, v9;
	v10 =	vsub.f32 v11, v5;
	v11 =	vcvt.s32.f32 v26;
	v14 =	vld [tilespmem:s10+$0xFFFFFFD0];
	[tilespmem:v17+s19+$0x0] =	vst.idx.msk $0xffff, v1  }
0x269: {  	v17 =	vcvt.s32.f32 v13;
	v32 =	vcvt.s32.f32 v27;
	v19 =	vld [tilespmem:s10+$0x40];
	[tilespmem:v18+s19+$0x0] =	vst.idx.msk $0xffff, v1  }
0x26a: {  	v10 =	vmul.f32 $1.442695020e+00, v10;
	v11 =	vsub.f32 v11, v5;
	v33 =	vld [tilespmem:s10+$0xFFFFFFE0];
	(erf) = vpow2.f32 v9;
	[tilespmem:v20+s19+$0x0] =	vst.idx.msk $0xffff, v1  }
0x26b: {  	v18 =	vcvt.s32.f32 v15;
	v9 =	vcvt.s32.f32 v31;
	v22 =	vld [tilespmem:s10+$0x30];
	[tilespmem:v21+s19+$0x0] =	vst.idx.msk $0xffff, v1  }
0x26c: {  	v32 =	vsub.f32 v32, v5;
	v11 =	vmul.f32 $1.442695020e+00, v11;
	v34 =	vld [tilespmem:s10+$0xFFFFFFF0];
	(erf) = vpow2.f32 v10;
	[tilespmem:v23+s19+$0x0] =	vst.idx.msk $0xffff, v1  }
0x26d: {  	v21 =	vcvt.s32.f32 v16;
	v10 =	vcvt.s32.f32 v14;
	v20 =	vld [tilespmem:s10+$0x20];
	[tilespmem:v24+s19+$0x0] =	vst.idx.msk $0xffff, v1  }
0x26e: {  	v23 =	vmul.f32 $1.442695020e+00, v32;
	v9 =	vsub.f32 v9, v5;
	v24 =	vld [tilespmem:s10+$0x0];
	(erf) = vpow2.f32 v11;
	[tilespmem:v25+s19+$0x0] =	vst.idx.msk $0xffff, v1  }
0x26f: {  	v32 =	vcvt.s32.f32 v19;
	v11 =	vcvt.s32.f32 v33;
	v25 =	vld [tilespmem:s10+$0x10];
	[tilespmem:v30+s19+$0x0] =	vst.idx.msk $0xffff, v1  }
0x270: {  	v36 =	vmul.f32 $1.442695020e+00, v9;
	v10 =	vsub.f32 v10, v5;
	v29 =	vld.idx.msk [tilespmem:v29+s20+$0x0], $0xffff;
	(erf) = vpow2.f32 v23;
	[tilespmem:v6+s19+$0x0] =	vst.idx.msk $0xffff, v1  }
0x271: {  	v30 =	vcvt.s32.f32 v22;
	v23 =	vcvt.s32.f32 v34;
	v6 =	vld [tilespmem:s3+$0x50];
	[tilespmem:v7+s19+$0x0] =	vst.idx.msk $0xffff, v1  }
0x272: {  	v38 =	vmul.f32 $1.442695020e+00, v10;
	v11 =	vsub.f32 v11, v5;
	v28 =	vld.idx.msk [tilespmem:v28+s20+$0x0], $0xffff;
	(erf) = vpow2.f32 v36;
	[tilespmem:v8+s19+$0x0] =	vst.idx.msk $0xffff, v1  }
0x273: {  	s6 =	sadd.s32 $0x100, s6;
	v35 =	vcvt.s32.f32 v20;
	v8 =	vsub.f32 v23, v5;
	v23 =	vcvt.s32.f32 v24;
	v9 =	vpop (erf);
	v7 =	vld [tilespmem:s3+$0x60]  }
0x274: {  	v11 =	vmul.f32 $1.442695020e+00, v11;
	s3 =	sadd.s32 $0x100, s3;
	[tilespmem:s6+$0xFFFFFF80] =	vst v9;
	v36 =	vsub.f32 v9, v4;
	v26 =	vld.idx.msk [tilespmem:v26+s20+$0x0], $0xffff;
	(erf) = vpow2.f32 v38  }
0x275: {  	v38 =	vcvt.s32.f32 v25;
	v9 =	vld [tilespmem:s3+$0xFFFFFF80];
	v8 =	vmul.f32 $1.442695020e+00, v8;
	v23 =	vsub.f32 v23, v5;
	v10 =	vpop (erf)  }
0x276: {  	v29 =	vmul.f32 v36, v29;
	[tilespmem:s6+$0xFFFFFF90] =	vst v10;
	v39 =	vsub.f32 v10, v4;
	v27 =	vld.idx.msk [tilespmem:v27+s20+$0x0], $0xffff;
	(erf) = vpow2.f32 v11  }
0x277: {  	v10 =	vld [tilespmem:s3+$0xFFFFFF90];
	v11 =	vmul.f32 $1.442695020e+00, v23;
	v23 =	vsub.f32 v38, v5;
	v37 =	vpop (erf);
	(erf) = vpow2.f32 v8  }
0x278: {  	v12 =	vadd.f32 v29, v12;
	v28 =	vmul.f32 v39, v28;
	v29 =	vsub.f32 v37, v4;
	v31 =	vld.idx.msk [tilespmem:v31+s20+$0x0], $0xffff  }
0x279: {  	[tilespmem:s6+$0xFFFFFFA0] =	vst v37;
	v23 =	vmul.f32 $1.442695020e+00, v23;
	v37 =	vsub.f32 v35, v5;
	v36 =	vpop (erf);
	(erf) = vpow2.f32 v11;
	v8 =	vld [tilespmem:s7+$0x70];
	s7 =	smov.u32 s3  }
0x27a: {  	v12 =	vadd.f32 v28, v12;
	v26 =	vmul.f32 v29, v26;
	v28 =	vsub.f32 v36, v4;
	v29 =	vld.idx.msk [tilespmem:v14+s20+$0x0], $0xffff  }
0x27b: {  	v30 =	vsub.f32 v30, v5;
	v11 =	vld [tilespmem:s3+$0xFFFFFFA0];
	[tilespmem:s6+$0xFFFFFFB0] =	vst v36;
	v14 =	vmul.f32 $1.442695020e+00, v37;
	v35 =	vpop (erf);
	(erf) = vpow2.f32 v23  }
0x27c: {  	v23 =	vadd.f32 v26, v12;
	v26 =	vmul.f32 v28, v27;
	v27 =	vsub.f32 v35, v4;
	v28 =	vld.idx.msk [tilespmem:v33+s20+$0x0], $0xffff  }
0x27d: {  	v32 =	vsub.f32 v32, v5;
	v30 =	vmul.f32 $1.442695020e+00, v30;
	v12 =	vld [tilespmem:s3+$0xFFFFFFB0];
	[tilespmem:s6+$0xFFFFFFC0] =	vst v35;
	v33 =	vpop (erf);
	(erf) = vpow2.f32 v14  }
0x27e: {  	v23 =	vadd.f32 v26, v23;
	v26 =	vmul.f32 v27, v31;
	v27 =	vsub.f32 v33, v4;
	v31 =	vld.idx.msk [tilespmem:v34+s20+$0x0], $0xffff  }
0x27f: {  	v32 =	vmul.f32 $1.442695020e+00, v32;
	v14 =	vld [tilespmem:s3+$0xFFFFFFC0];
	[tilespmem:s6+$0xFFFFFFD0] =	vst v33;
	v33 =	vsub.f32 v17, v5;
	v34 =	vpop (erf);
	(erf) = vpow2.f32 v30  }
0x280: {  	v23 =	vadd.f32 v26, v23;
	v26 =	vmul.f32 v27, v29;
	v27 =	vsub.f32 v34, v4;
	v24 =	vld.idx.msk [tilespmem:v24+s20+$0x0], $0xffff;
	v29 =	vpop (erf)  }
0x281: {  	v17 =	vld [tilespmem:s3+$0xFFFFFFD0];
	[tilespmem:s6+$0xFFFFFFE0] =	vst v34;
	v30 =	vmul.f32 $1.442695020e+00, v33;
	v33 =	vsub.f32 v18, v5;
	(erf) = vpow2.f32 v32  }
0x282: {  	v23 =	vadd.f32 v26, v23;
	v26 =	vmul.f32 v27, v28;
	v27 =	vsub.f32 v29, v4;
	v25 =	vld.idx.msk [tilespmem:v25+s20+$0x0], $0xffff;
	v28 =	vpop (erf)  }
0x283: {  	v21 =	vsub.f32 v21, v5;
	v18 =	vld [tilespmem:s3+$0xFFFFFFE0];
	[tilespmem:s6+$0xFFFFFFF0] =	vst v29;
	v29 =	vmul.f32 $1.442695020e+00, v33;
	(erf) = vpow2.f32 v30  }
0x284: {  	v32 =	vsub.f32 v28, v4;
	v23 =	vadd.f32 v26, v23;
	v26 =	vmul.f32 v27, v31;
	v30 =	vld.idx.msk [tilespmem:v20+s20+$0x0], $0xffff;
	v31 =	vpop (erf)  }
0x285: {  	v20 =	vld [tilespmem:s3+$0xFFFFFFF0];
	[tilespmem:s6+$0x0] =	vst v28;
	v28 =	vmul.f32 $1.442695020e+00, v21;
	(erf) = vpow2.f32 v29  }
0x286: {  	v24 =	vmul.f32 v32, v24;
	v23 =	vadd.f32 v26, v23;
	v26 =	vsub.f32 v31, v4;
	v22 =	vld.idx.msk [tilespmem:v22+s20+$0x0], $0xffff;
	v27 =	vpop (erf)  }
0x287: {  	v21 =	vld [tilespmem:s3+$0x0];
	[tilespmem:s6+$0x10] =	vst v31;
	(erf) = vpow2.f32 v28  }
0x288: {  	v24 =	vadd.f32 v24, v23;
	v25 =	vmul.f32 v26, v25;
	v26 =	vsub.f32 v27, v4;
	v28 =	vld.idx.msk [tilespmem:v19+s20+$0x0], $0xffff;
	v19 =	vpop (erf)  }
0x289: {  	v23 =	vld [tilespmem:s3+$0x10];
	[tilespmem:s6+$0x20] =	vst v27  }
.Ltmp6:
0x28a: {  	v27 =	vsub.f32 v19, v4;
	v25 =	vadd.f32 v25, v24;
	v26 =	vmul.f32 v26, v30;
	v13 =	vld.idx.msk [tilespmem:v13+s20+$0x0], $0xffff;
	v29 =	vpop (erf);
	(pc) =	sbr.rel @p0 .LBB2_15-.Ltmp6, $4  }
0x28b: {  	v24 =	vld [tilespmem:s3+$0x20];
	[tilespmem:s6+$0x30] =	vst v19  }
0x28c: {  	v30 =	vmul.f32 v27, v22;
	v27 =	vsub.f32 v29, v4;
	v26 =	vadd.f32 v26, v25;
	v15 =	vld.idx.msk [tilespmem:v15+s20+$0x0], $0xffff;
	v19 =	vpop (erf)  }
0x28d: {  	v25 =	vld [tilespmem:s3+$0x30];
	[tilespmem:s6+$0x40] =	vst v29  }
0x28e: {  	s10 =	sadd.s32 $0x100, s10;
	v27 =	vmul.f32 v27, v28;
	v28 =	vsub.f32 v19, v4;
	v26 =	vadd.f32 v30, v26;
	v16 =	vld.idx.msk [tilespmem:v16+s20+$0x0], $0xffff;
	v22 =	vpop (erf)  }
0x28f: {  	_ = 	snop  }
0x290: {  	v62 =	vsub.f32 v22, v4;
	v5 =	vadd.f32 v27, v26;
	v13 =	vmul.f32 v28, v13  }
0x291: {  	v63 =	vpop (erf)  }
0x292: {  	v5 =	vadd.f32 v13, v5;
	v13 =	vmul.f32 v62, v15;
	v15 =	vsub.f32 v63, v4;
	_ =	sdelay $0x1  }
0x293: {  	v5 =	vadd.f32 v13, v5;
	v13 =	vmul.f32 v15, v16;
	_ =	sdelay $0x1  }
0x294: {  	v5 =	vadd.f32 v13, v5;
	_ =	sdelay $0x1  }
0x295: {  	(xrf2) =	vadd.scan.msk.f32 $0xffff, v5;
	_ =	sdelay $0x2  }
0x296: {  	[tilespmem:s6+$0x50] =	vst v19  }
0x297: {  	[tilespmem:s6+$0x60] =	vst v22  }
0x298: {  	[tilespmem:v9+s19+$0x0] =	vst.idx.msk $0xffff, v1  }
0x299: {  	[tilespmem:v10+s19+$0x0] =	vst.idx.msk $0xffff, v1  }
0x29a: {  	[tilespmem:v11+s19+$0x0] =	vst.idx.msk $0xffff, v1  }
0x29b: {  	[tilespmem:v12+s19+$0x0] =	vst.idx.msk $0xffff, v1  }
0x29c: {  	[tilespmem:v14+s19+$0x0] =	vst.idx.msk $0xffff, v1  }
0x29d: {  	[tilespmem:v17+s19+$0x0] =	vst.idx.msk $0xffff, v1;
	v9, _, _ =	vpop (xrf2)  }
0x29e: {  	v10 =	vmul.f32 $1.638400000e+04, v4;
	[tilespmem:v18+s19+$0x0] =	vst.idx.msk $0xffff, v1;
	v9 =	vbroadcast v9, $0xF  }
0x29f: {  	[tilespmem:v20+s19+$0x0] =	vst.idx.msk $0xffff, v1  }
0x2a0: {  	[tilespmem:v21+s19+$0x0] =	vst.idx.msk $0xffff, v1;
	v11 =	vld [tilespmem:s3+$0x60];
	v9 =	vadd.f32 v9, v10  }
0x2a1: {  	[tilespmem:v23+s19+$0x0] =	vst.idx.msk $0xffff, v1;
	v5 =	vld [tilespmem:s3+$0x40]  }
0x2a2: {  	[tilespmem:s6+$0x70] =	vst v63;
	v10 =	vld [tilespmem:s3+$0x50];
	(erf) = vrcp.f32 v9  }
0x2a3: {  	[tilespmem:v6+s19+$0x0] =	vst.idx.msk $0xffff, v1;
	v9 =	vld [tilespmem:s7+$0x70]  }
0x2a4: {  	[tilespmem:v7+s19+$0x0] =	vst.idx.msk $0xffff, v1  }
0x2a5: {  	[tilespmem:v8+s19+$0x0] =	vst.idx.msk $0xffff, v1  }
0x2a6: {  	[tilespmem:v24+s19+$0x0] =	vst.idx.msk $0xffff, v1  }
0x2a7: {  	[tilespmem:v25+s19+$0x0] =	vst.idx.msk $0xffff, v1  }
0x2a8: {  	[tilespmem:v11+s19+$0x0] =	vst.idx.msk $0xffff, v1  }
0x2a9: {  	[tilespmem:v5+s19+$0x0] =	vst.idx.msk $0xffff, v1  }
0x2aa: {  	p0 =	seq.s32 s29, $0x0;
	[tilespmem:v10+s19+$0x0] =	vst.idx.msk $0xffff, v1  }
0x2ab: {  	s0 =	simm.s32 @!p0 $0x4;
	[tilespmem:v9+s19+$0x0] =	vst.idx.msk $0xffff, v1;
	v9 =	vpop (erf)  }
0x2ac: {  	_ =	swait.ge @!p0 [sflag:s0], $0x4000  }
0x2ad: {  	[sflag:s0] =	ssyncset.done @!p0 $0x0  }
0x2ae: {  	s25 =	simm.s32 $0x6080;
	[sflag:s0] =	ssyncadd.s32 @!p0 $0xFFFFC000  }
0x2af: {  	v6 =	vld [tilespmem:s25+$0x70]  }
0x2b0: {  	v4 =	vmul.f32 $1.600000000e+01, v4;
	v7 =	vld [tilespmem:s25+$0xFFFFFF90]  }
0x2b1: {  	v8 =	vld [tilespmem:s25+$0xFFFFFFA0]  }
0x2b2: {  	v5 =	vmul.f32 v9, v4;
	v4 =	vld [tilespmem:s25+$0xFFFFFFB0]  }
0x2b3: {  	v10 =	vld [tilespmem:s25+$0xFFFFFFC0]  }
0x2b4: {  	v11 =	vld [tilespmem:s25+$0xFFFFFFD0];
	v6 =	vmul.f32 v6, v5  }
0x2b5: {  	s0 =	simm.s32 $0x10080;
	v12 =	vld [tilespmem:s25+$0xFFFFFFE0];
	v7 =	vmul.f32 v7, v5  }
0x2b6: {  	v13 =	vld [tilespmem:s25+$0xFFFFFFF0];
	v8 =	vmul.f32 v8, v5;
	[tilespmem:s0+$0x70] =	vst v6  }
0x2b7: {  	v14 =	vld [tilespmem:s25+$0x0];
	v4 =	vmul.f32 v4, v5;
	[tilespmem:s0+$0xFFFFFF90] =	vst v7  }
0x2b8: {  	[tilespmem:s0+$0xFFFFFFA0] =	vst v8;
	v6 =	vmul.f32 v10, v5;
	v10 =	vld [tilespmem:s25+$0x10]  }
0x2b9: {  	v15 =	vld [tilespmem:s25+$0x20];
	[tilespmem:s0+$0xFFFFFFB0] =	vst v4;
	v4 =	vmul.f32 v11, v5  }
0x2ba: {  	v8 =	vmul.f32 v12, v5;
	[tilespmem:s0+$0xFFFFFFC0] =	vst v6;
	v6 =	vld [tilespmem:s25+$0x30]  }
0x2bb: {  	v11 =	vmul.f32 v13, v5;
	v7 =	vld [tilespmem:s25+$0x40];
	[tilespmem:s0+$0xFFFFFFD0] =	vst v4  }
0x2bc: {  	v12 =	vmul.f32 v14, v5;
	[tilespmem:s0+$0xFFFFFFE0] =	vst v8;
	v8 =	vld [tilespmem:s25+$0x50]  }
0x2bd: {  	v4 =	vmul.f32 $1.600000000e+01, v9;
	[tilespmem:s0+$0xFFFFFFF0] =	vst v11;
	v9 =	vld [tilespmem:s25+$0x60];
	v11 =	vmul.f32 v10, v5  }
0x2be: {  	s2 =	simm.s32 $0x0;
	s5 =	simm.s32 $0x6180;
	[tilespmem:s0+$0x0] =	vst v12;
	v12 =	vmul.f32 v15, v5;
	v10 =	vld [tilespmem:s25+$0xFFFFFF80]  }
.LBB2_17:
0x2bf: {  	v13 =	vld [tilespmem:s5+$0x70];
	s2 =	sadd.s32 $0x100, s2;
	[tilespmem:s0+$0x10] =	vst v11;
	v6 =	vmul.f32 v6, v5  }
0x2c0: {  	v11 =	vld [tilespmem:s5+$0xFFFFFF90];
	p1 =	slt.u32 s2, $0x3F00;
	[tilespmem:s0+$0x20] =	vst v12;
	v7 =	vmul.f32 v7, v5  }
0x2c1: {  	v12 =	vld [tilespmem:s5+$0xFFFFFFA0];
	[tilespmem:s0+$0x30] =	vst v6;
	v6 =	vmul.f32 v8, v5  }
0x2c2: {  	v8 =	vld [tilespmem:s5+$0xFFFFFFB0];
	[tilespmem:s0+$0x40] =	vst v7;
	v7 =	vmul.f32 v9, v5  }
0x2c3: {  	v9 =	vld [tilespmem:s5+$0xFFFFFFC0];
	v10 =	vmul.f32 v10, v5;
	[tilespmem:s0+$0x50] =	vst v6  }
0x2c4: {  	v6 =	vld [tilespmem:s5+$0xFFFFFFD0];
	v13 =	vmul.f32 v13, v5;
	[tilespmem:s0+$0x60] =	vst v7  }
0x2c5: {  	v7 =	vmul.f32 v11, v5;
	v11 =	vld [tilespmem:s5+$0xFFFFFFE0];
	[tilespmem:s0+$0xFFFFFF80] =	vst v10;
	s0 =	sadd.s32 $0x100, s0  }
0x2c6: {  	s3 =	simm.s32 $0xF880;
	s6 =	simm.s32 $0xE880;
	v10 =	vmul.f32 v12, v5;
	v12 =	vld [tilespmem:s5+$0xFFFFFFF0];
	[tilespmem:s0+$0x70] =	vst v13  }
0x2c7: {  	[tilespmem:s0+$0xFFFFFF90] =	vst v7;
	v7 =	vmul.f32 v8, v5;
	v8 =	vld [tilespmem:s5+$0x0]  }
0x2c8: {  	[tilespmem:s0+$0xFFFFFFA0] =	vst v10;
	v9 =	vmul.f32 v9, v5;
	v10 =	vld [tilespmem:s5+$0x10]  }
0x2c9: {  	[tilespmem:s0+$0xFFFFFFB0] =	vst v7;
	v7 =	vmul.f32 v6, v5;
	v13 =	vld [tilespmem:s5+$0x20]  }
.Ltmp7:
0x2ca: {  	[tilespmem:s0+$0xFFFFFFC0] =	vst v9;
	v9 =	vmul.f32 v11, v5;
	v6 =	vld [tilespmem:s5+$0x30];
	(pc) =	sbr.rel @p1 .LBB2_17-.Ltmp7, $4  }
0x2cb: {  	[tilespmem:s0+$0xFFFFFFD0] =	vst v7;
	v11 =	vmul.f32 v12, v5;
	v7 =	vld [tilespmem:s5+$0x40]  }
0x2cc: {  	[tilespmem:s0+$0xFFFFFFE0] =	vst v9;
	v12 =	vmul.f32 v8, v5;
	v8 =	vld [tilespmem:s5+$0x50]  }
0x2cd: {  	[tilespmem:s0+$0xFFFFFFF0] =	vst v11;
	v11 =	vmul.f32 v10, v5;
	v9 =	vld [tilespmem:s5+$0x60]  }
0x2ce: {  	v10 =	vld [tilespmem:s5+$0xFFFFFF80];
	[tilespmem:s0+$0x0] =	vst v12;
	v12 =	vmul.f32 v13, v5;
	s5 =	sadd.s32 $0x100, s5  }
0x2cf: {  	[tilespmem:s0+$0x10] =	vst v11;
	v6 =	vmul.f32 v6, v5  }
0x2d0: {  	[tilespmem:s0+$0x20] =	vst v12;
	v7 =	vmul.f32 v7, v5  }
0x2d1: {  	[tilespmem:s0+$0x30] =	vst v6;
	v6 =	vmul.f32 v8, v5  }
0x2d2: {  	[tilespmem:s0+$0x40] =	vst v7;
	v7 =	vmul.f32 v9, v5  }
0x2d3: {  	v5 =	vmul.f32 v10, v5;
	[tilespmem:s0+$0x50] =	vst v6  }
0x2d4: {  	[tilespmem:s0+$0x60] =	vst v7  }
0x2d5: {  	[tilespmem:s0+$0xFFFFFF80] =	vst v5  }
0x2d6: {  	v19 =	vld [tilespmem:s6+$0x70]  }
0x2d7: {  	v20 =	vld [tilespmem:s6+$0xFFFFFF90]  }
0x2d8: {  	v21 =	vld [tilespmem:s6+$0xFFFFFFA0]  }
0x2d9: {  	v22 =	vld [tilespmem:s6+$0xFFFFFFB0]  }
0x2da: {  	v23 =	vld [tilespmem:s6+$0xFFFFFFC0]  }
0x2db: {  	v26 =	vld [tilespmem:s6+$0xFFFFFFD0]  }
0x2dc: {  	v12 =	vld [tilespmem:s6+$0xFFFFFFE0]  }
0x2dd: {  	v11 =	vld [tilespmem:s6+$0xFFFFFFF0]  }
0x2de: {  	v25 =	vld [tilespmem:s3+$0x70]  }
0x2df: {  	v13 =	vld [tilespmem:s6+$0x0]  }
0x2e0: {  	v10 =	vld [tilespmem:s6+$0x10]  }
0x2e1: {  	v9 =	vld [tilespmem:s6+$0x20]  }
0x2e2: {  	v8 =	vld [tilespmem:s6+$0x30]  }
0x2e3: {  	v7 =	vld [tilespmem:s6+$0x40]  }
0x2e4: {  	v6 =	vld [tilespmem:s6+$0x50]  }
0x2e5: {  	v5 =	vld [tilespmem:s6+$0x60]  }
0x2e6: {  	v27 =	vld [tilespmem:s6+$0xFFFFFF80]  }
0x2e7: {  	v38 =	vld [tilespmem:s3+$0xFFFFFF80]  }
0x2e8: {  	v39 =	vld [tilespmem:s3+$0xFFFFFF90]  }
0x2e9: {  	v40 =	vld [tilespmem:s3+$0xFFFFFFA0]  }
0x2ea: {  	v41 =	vld [tilespmem:s3+$0xFFFFFFB0]  }
0x2eb: {  	v59 =	vld [tilespmem:s3+$0xFFFFFFD0]  }
0x2ec: {  	v60 =	vld [tilespmem:s3+$0xFFFFFFE0]  }
0x2ed: {  	v61 =	vld [tilespmem:s3+$0xFFFFFFF0]  }
0x2ee: {  	v24 =	vld.idx.msk [tilespmem:v19+s16+$0x0], $0xffff  }
0x2ef: {  	v28 =	vld.idx.msk [tilespmem:v20+s16+$0x0], $0xffff  }
0x2f0: {  	v29 =	vld.idx.msk [tilespmem:v21+s16+$0x0], $0xffff  }
0x2f1: {  	v30 =	vld.idx.msk [tilespmem:v22+s16+$0x0], $0xffff  }
0x2f2: {  	v31 =	vld.idx.msk [tilespmem:v23+s16+$0x0], $0xffff  }
0x2f3: {  	v32 =	vld.idx.msk [tilespmem:v26+s16+$0x0], $0xffff  }
0x2f4: {  	v33 =	vld.idx.msk [tilespmem:v12+s16+$0x0], $0xffff  }
0x2f5: {  	v34 =	vld.idx.msk [tilespmem:v11+s16+$0x0], $0xffff  }
0x2f6: {  	v35 =	vld.idx.msk [tilespmem:v27+s16+$0x0], $0xffff  }
0x2f7: {  	v36 =	vld.idx.msk [tilespmem:v13+s16+$0x0], $0xffff  }
0x2f8: {  	v37 =	vld.idx.msk [tilespmem:v10+s16+$0x0], $0xffff  }
0x2f9: {  	v18 =	vld.idx.msk [tilespmem:v9+s16+$0x0], $0xffff  }
0x2fa: {  	v17 =	vld.idx.msk [tilespmem:v8+s16+$0x0], $0xffff  }
0x2fb: {  	v24 =	vmul.f32 v25, v24;
	v25 =	vld [tilespmem:s3+$0xFFFFFFC0]  }
0x2fc: {  	v16 =	vld.idx.msk [tilespmem:v7+s16+$0x0], $0xffff;
	v35 =	vmul.f32 v38, v35  }
0x2fd: {  	v15 =	vld.idx.msk [tilespmem:v6+s16+$0x0], $0xffff;
	v28 =	vmul.f32 v39, v28;
	v24 =	vmul.f32 v24, v4  }
0x2fe: {  	v14 =	vld.idx.msk [tilespmem:v5+s16+$0x0], $0xffff;
	v29 =	vmul.f32 v40, v29;
	v35 =	vmul.f32 v35, v4  }
0x2ff: {  	[tilespmem:v19+s21+$0x0] =	vst.idx.msk $0xffff, v24;
	v19 =	vmul.f32 v28, v4;
	v24 =	vmul.f32 v41, v30;
	v28 =	vld [tilespmem:s3+$0x0]  }
0x300: {  	[tilespmem:v27+s21+$0x0] =	vst.idx.msk $0xffff, v35;
	v27 =	vmul.f32 v29, v4;
	v29 =	vld [tilespmem:s3+$0x10];
	v25 =	vmul.f32 v25, v31  }
0x301: {  	v62 =	vmul.f32 v59, v32;
	[tilespmem:v20+s21+$0x0] =	vst.idx.msk $0xffff, v19;
	v24 =	vmul.f32 v24, v4;
	v19 =	vld [tilespmem:s3+$0x20]  }
0x302: {  	[tilespmem:v21+s21+$0x0] =	vst.idx.msk $0xffff, v27;
	v27 =	vmul.f32 v60, v33;
	v20 =	vld [tilespmem:s3+$0x30];
	v25 =	vmul.f32 v25, v4  }
0x303: {  	v63 =	vmul.f32 v61, v34;
	v30 =	vmul.f32 v62, v4;
	v21 =	vld [tilespmem:s3+$0x40];
	[tilespmem:v22+s21+$0x0] =	vst.idx.msk $0xffff, v24  }
0x304: {  	v24 =	vmul.f32 v27, v4;
	v22 =	vld [tilespmem:s3+$0x50];
	[tilespmem:v23+s21+$0x0] =	vst.idx.msk $0xffff, v25;
	v25 =	vmul.f32 v28, v36  }
0x305: {  	s2 =	simm.s32 $0xE980;
	s0 =	simm.s32 $0x0;
	[tilespmem:v26+s21+$0x0] =	vst.idx.msk $0xffff, v30;
	v26 =	vmul.f32 v63, v4;
	v27 =	vmul.f32 v29, v37;
	v23 =	vld [tilespmem:s3+$0x60]  }
.LBB2_19:
0x306: {  	v28 =	vld [tilespmem:s2+$0x70];
	s0 =	sadd.s32 $0x100, s0;
	[tilespmem:v12+s21+$0x0] =	vst.idx.msk $0xffff, v24;
	v12 =	vmul.f32 v25, v4;
	v18 =	vmul.f32 v19, v18  }
0x307: {  	v19 =	vld [tilespmem:s2+$0xFFFFFF90];
	p1 =	slt.u32 s0, $0x700;
	[tilespmem:v11+s21+$0x0] =	vst.idx.msk $0xffff, v26;
	v11 =	vmul.f32 v27, v4;
	v17 =	vmul.f32 v20, v17  }
0x308: {  	v20 =	vld [tilespmem:s2+$0xFFFFFFA0];
	[tilespmem:v13+s21+$0x0] =	vst.idx.msk $0xffff, v12;
	v12 =	vmul.f32 v18, v4;
	v13 =	vmul.f32 v21, v16  }
0x309: {  	v21 =	vld [tilespmem:s2+$0xFFFFFFB0];
	[tilespmem:v10+s21+$0x0] =	vst.idx.msk $0xffff, v11;
	v10 =	vmul.f32 v17, v4;
	v11 =	vmul.f32 v22, v15  }
0x30a: {  	v22 =	vld [tilespmem:s2+$0xFFFFFFC0];
	[tilespmem:v9+s21+$0x0] =	vst.idx.msk $0xffff, v12;
	v9 =	vmul.f32 v13, v4;
	v13 =	vmul.f32 v23, v14  }
0x30b: {  	v23 =	vld [tilespmem:s2+$0xFFFFFFD0];
	[tilespmem:v8+s21+$0x0] =	vst.idx.msk $0xffff, v10;
	v8 =	vmul.f32 v11, v4  }
0x30c: {  	v12 =	vld [tilespmem:s2+$0xFFFFFFE0];
	[tilespmem:v7+s21+$0x0] =	vst.idx.msk $0xffff, v9;
	v7 =	vmul.f32 v13, v4  }
0x30d: {  	v11 =	vld [tilespmem:s2+$0xFFFFFFF0];
	[tilespmem:v6+s21+$0x0] =	vst.idx.msk $0xffff, v8  }
0x30e: {  	s3 =	sadd.s32 $0x100, s3;
	v6 =	vld.idx.msk [tilespmem:v28+s16+$0x0], $0xffff;
	[tilespmem:v5+s21+$0x0] =	vst.idx.msk $0xffff, v7  }
0x30f: {  	v5 =	vld [tilespmem:s3+$0x70]  }
0x310: {  	v13 =	vld [tilespmem:s2+$0x0]  }
0x311: {  	v10 =	vld [tilespmem:s2+$0x10]  }
0x312: {  	v9 =	vld [tilespmem:s2+$0x20]  }
0x313: {  	v8 =	vld [tilespmem:s2+$0x30]  }
0x314: {  	v7 =	vld [tilespmem:s2+$0x40];
	v14 =	vmul.f32 v5, v6  }
0x315: {  	v6 =	vld [tilespmem:s2+$0x50]  }
0x316: {  	v5 =	vld [tilespmem:s2+$0x60];
	v14 =	vmul.f32 v14, v4  }
0x317: {  	v24 =	vld [tilespmem:s2+$0xFFFFFF80]  }
0x318: {  	v25 =	vld.idx.msk [tilespmem:v19+s16+$0x0], $0xffff;
	[tilespmem:v28+s21+$0x0] =	vst.idx.msk $0xffff, v14  }
0x319: {  	v26 =	vld.idx.msk [tilespmem:v20+s16+$0x0], $0xffff  }
0x31a: {  	v27 =	vld.idx.msk [tilespmem:v21+s16+$0x0], $0xffff  }
0x31b: {  	v28 =	vld.idx.msk [tilespmem:v22+s16+$0x0], $0xffff  }
0x31c: {  	v29 =	vld.idx.msk [tilespmem:v23+s16+$0x0], $0xffff  }
0x31d: {  	v30 =	vld.idx.msk [tilespmem:v12+s16+$0x0], $0xffff  }
0x31e: {  	v31 =	vld.idx.msk [tilespmem:v11+s16+$0x0], $0xffff  }
0x31f: {  	v32 =	vld.idx.msk [tilespmem:v24+s16+$0x0], $0xffff  }
0x320: {  	v33 =	vld.idx.msk [tilespmem:v13+s16+$0x0], $0xffff  }
0x321: {  	v34 =	vld.idx.msk [tilespmem:v10+s16+$0x0], $0xffff  }
0x322: {  	v18 =	vld.idx.msk [tilespmem:v9+s16+$0x0], $0xffff  }
0x323: {  	v17 =	vld.idx.msk [tilespmem:v8+s16+$0x0], $0xffff  }
0x324: {  	v16 =	vld.idx.msk [tilespmem:v7+s16+$0x0], $0xffff  }
0x325: {  	v15 =	vld.idx.msk [tilespmem:v6+s16+$0x0], $0xffff  }
0x326: {  	v14 =	vld.idx.msk [tilespmem:v5+s16+$0x0], $0xffff  }
0x327: {  	v35 =	vld [tilespmem:s3+$0xFFFFFF80]  }
0x328: {  	v36 =	vld [tilespmem:s3+$0xFFFFFF90]  }
0x329: {  	v37 =	vld [tilespmem:s3+$0xFFFFFFA0]  }
0x32a: {  	v38 =	vld [tilespmem:s3+$0xFFFFFFB0]  }
0x32b: {  	v39 =	vld [tilespmem:s3+$0xFFFFFFC0]  }
0x32c: {  	v32 =	vmul.f32 v35, v32;
	v35 =	vld [tilespmem:s3+$0xFFFFFFD0]  }
0x32d: {  	v25 =	vmul.f32 v36, v25;
	v36 =	vld [tilespmem:s3+$0xFFFFFFE0]  }
0x32e: {  	v32 =	vmul.f32 v32, v4;
	v26 =	vmul.f32 v37, v26;
	v37 =	vld [tilespmem:s3+$0xFFFFFFF0]  }
0x32f: {  	v25 =	vmul.f32 v25, v4;
	v27 =	vmul.f32 v38, v27;
	v38 =	vld [tilespmem:s3+$0x0]  }
0x330: {  	[tilespmem:v24+s21+$0x0] =	vst.idx.msk $0xffff, v32;
	v24 =	vmul.f32 v26, v4;
	v26 =	vmul.f32 v39, v28;
	v28 =	vld [tilespmem:s3+$0x10]  }
.Ltmp8:
0x331: {  	[tilespmem:v19+s21+$0x0] =	vst.idx.msk $0xffff, v25;
	v25 =	vmul.f32 v27, v4;
	v27 =	vmul.f32 v35, v29;
	v19 =	vld [tilespmem:s3+$0x20];
	(pc) =	sbr.rel @p1 .LBB2_19-.Ltmp8, $4  }
0x332: {  	[tilespmem:v20+s21+$0x0] =	vst.idx.msk $0xffff, v24;
	v24 =	vmul.f32 v26, v4;
	v26 =	vmul.f32 v36, v30;
	v20 =	vld [tilespmem:s3+$0x30]  }
0x333: {  	[tilespmem:v21+s21+$0x0] =	vst.idx.msk $0xffff, v25;
	v27 =	vmul.f32 v27, v4;
	v29 =	vmul.f32 v37, v31;
	v21 =	vld [tilespmem:s3+$0x40]  }
0x334: {  	[tilespmem:v22+s21+$0x0] =	vst.idx.msk $0xffff, v24;
	v24 =	vmul.f32 v26, v4;
	v25 =	vmul.f32 v38, v33;
	v22 =	vld [tilespmem:s3+$0x50]  }
0x335: {  	s2 =	sadd.s32 $0x100, s2;
	[tilespmem:v23+s21+$0x0] =	vst.idx.msk $0xffff, v27;
	v26 =	vmul.f32 v29, v4;
	v27 =	vmul.f32 v28, v34;
	v23 =	vld [tilespmem:s3+$0x60]  }
0x336: {  	_ =	sdelay $0x3  }
0x337: {  	[tilespmem:v12+s21+$0x0] =	vst.idx.msk $0xffff, v24;
	v12 =	vmul.f32 v25, v4;
	v18 =	vmul.f32 v19, v18  }
0x338: {  	[tilespmem:v11+s21+$0x0] =	vst.idx.msk $0xffff, v26;
	v11 =	vmul.f32 v27, v4;
	v17 =	vmul.f32 v20, v17  }
0x339: {  	[tilespmem:v13+s21+$0x0] =	vst.idx.msk $0xffff, v12;
	v12 =	vmul.f32 v18, v4;
	v13 =	vmul.f32 v21, v16  }
0x33a: {  	[tilespmem:v10+s21+$0x0] =	vst.idx.msk $0xffff, v11;
	v10 =	vmul.f32 v17, v4;
	v11 =	vmul.f32 v22, v15  }
0x33b: {  	[tilespmem:v9+s21+$0x0] =	vst.idx.msk $0xffff, v12;
	v9 =	vmul.f32 v13, v4;
	v12 =	vmul.f32 v23, v14  }
0x33c: {  	[tilespmem:v8+s21+$0x0] =	vst.idx.msk $0xffff, v10;
	v8 =	vmul.f32 v11, v4  }
0x33d: {  	[tilespmem:v7+s21+$0x0] =	vst.idx.msk $0xffff, v9;
	v4 =	vmul.f32 v12, v4  }
0x33e: {  	s0 =	sadd.s32 s17, s13;
	[tilespmem:v6+s21+$0x0] =	vst.idx.msk $0xffff, v8  }
0x33f: {  	p1 =	seq.s32 s29, $0xF;
	s0 =	sadd.s32 s11, s0;
	[tilespmem:v5+s21+$0x0] =	vst.idx.msk $0xffff, v4  }
0x340: {  	[hbm4b:s0+s14] =	stream.strided.scatter [tilespmem:s21], [sflag:$0x4], $0x4000, s15, s14, $0x38;
	[tilespmem:$0x1C880] =	vst v63  }
0x341: {  	s0 =	sadd.s32 @!p1 $0x2, s4  }
0x342: {  	s3 =	simm.s32 @!p1 $0x400;
	s4 =	simm.s32 @!p1 $0x6000;
	s2 =	sshll.u32 @!p1 s0, $0x4  }
0x343: {  	_ =	swait.ge [sflag:s22], $0x4000;
	s0 =	sshll.u32 @!p1 s0, $0xB;
	s2 =	sand.u32 @!p1 $0x60, s2  }
0x344: {  	[sflag:s22] =	ssyncset.done $0x0;
	s0 =	sand.u32 @!p1 $0xFFFC000, s0;
	s2 =	sadd.s32 @!p1 s12, s2  }
0x345: {  	[sflag:s22] =	ssyncadd.s32 $0xFFFFC000;
	s0 =	sadd.s32 @!p1 s0, s2;
	s2 =	simm.s32 @!p1 $0x80  }
0x346: {  	[tilespmem:s4], [sflag:$0x2] =	stream.strided.gather @!p1 [hbm4b:s0+s2], $0x4000, s3, s2, $0x38;
	[tilespmem:$0x1C880] =	vst v63  }
0x347: {  	s3 =	sshll.u32 s1, $0x7  }
0x348: {  	v14 =	vld [tilespmem:s3+$0x10F0]  }
0x349: {  	v15 =	vld [tilespmem:s3+$0x10E0]  }
0x34a: {  	v16 =	vld [tilespmem:s3+$0x10D0]  }
0x34b: {  	v17 =	vld [tilespmem:s3+$0x10C0]  }
0x34c: {  	v23 =	vld [tilespmem:s3+$0x10B0]  }
0x34d: {  	v21 =	vld [tilespmem:s3+$0x10A0]  }
0x34e: {  	v22 =	vld [tilespmem:s3+$0x1090]  }
0x34f: {  	v13 =	vld [tilespmem:s3+$0x1080]  }
0x350: {  	v5 =	vld [tilespmem:s31+$0x0]  }
0x351: {  	v7 =	vld [tilespmem:s31+$0xFFFFFFF0]  }
0x352: {  	v8 =	vld [tilespmem:s31+$0xFFFFFFE0]  }
0x353: {  	v9 =	vld [tilespmem:s31+$0xFFFFFFD0]  }
0x354: {  	v10 =	vld [tilespmem:s31+$0xFFFFFFC0]  }
0x355: {  	v11 =	vld [tilespmem:s31+$0xFFFFFFB0]  }
0x356: {  	v18 =	vld [tilespmem:s31+$0xFFFFFFA0]  }
0x357: {  	v19 =	vld [tilespmem:s31+$0xFFFFFF90]  }
0x358: {  	v20 =	vld [tilespmem:s31+$0xFFFFFF80]  }
0x359: {  	v24 =	vld [tilespmem:s31+$0xFFFFFF70]  }
0x35a: {  	v25 =	vld [tilespmem:s31+$0xFFFFFF60]  }
0x35b: {  	v27 =	vld [tilespmem:s31+$0xFFFFFF50]  }
0x35c: {  	v26 =	vld [tilespmem:s31+$0xFFFFFF10]  }
0x35d: {  	v28 =	vld [tilespmem:s31+$0xFFFFFF20]  }
0x35e: {  	v29 =	vld [tilespmem:s31+$0xFFFFFF30]  }
0x35f: {  	s6 =	sor.u32 $0x80, s3;
	v30 =	vld [tilespmem:s31+$0xFFFFFF40];
	v7 =	vmul.f32 v7, v15;
	v5 =	vmul.f32 v5, v14  }
0x360: {  	s4 =	sor.u32 $0x90, s3;
	v4 =	vld [tilespmem:s6+$0x0];
	v9 =	vmul.f32 v9, v17;
	v8 =	vmul.f32 v8, v16  }
0x361: {  	s7 =	sor.u32 $0xA0, s3;
	v6 =	vld [tilespmem:s4+$0x0];
	v11 =	vmul.f32 v11, v21;
	v10 =	vmul.f32 v10, v23  }
0x362: {  	s9 =	sor.u32 $0xB0, s3;
	v12 =	vld [tilespmem:s7+$0x0];
	v19 =	vmul.f32 v19, v13;
	v18 =	vmul.f32 v18, v22  }
0x363: {  	v31 =	vimm.f32 $+Inf;
	s10 =	sor.u32 $0xC0, s3;
	v26 =	vmul.f32 v26, v13;
	v13 =	vld [tilespmem:s9+$0x0];
	v20 =	vmul.f32 v20, v14  }
0x364: {  	v32 =	vimm.f32 $-Inf;
	s11 =	sor.u32 $0xD0, s3;
	v28 =	vmul.f32 v28, v22;
	v14 =	vld [tilespmem:s10+$0x0];
	v22 =	vmul.f32 v24, v15  }
0x365: {  	s0 =	sor.u32 $0xE0, s3;
	v29 =	vmul.f32 v29, v21;
	v15 =	vld [tilespmem:s11+$0x0];
	v24 =	vmul.f32 v25, v16;
	v33 =	vadd.f32 v26, v4  }
0x366: {  	s1 =	simm.s32 $0xE080;
	s2 =	sor.u32 $0xF0, s3;
	v25 =	vmul.f32 v27, v17;
	v16 =	vld [tilespmem:s0+$0x0];
	v21 =	vadd.f32 v28, v6;
	v26 =	vmul.f32 v30, v23  }
0x367: {  	s5 =	simm.s32 $0x0;
	v17 =	vld [tilespmem:s2+$0x0];
	v23 =	vadd.f32 v29, v12;
	[tilespmem:s1+$0xFFFFFF80] =	vst v33;
	v28 =	vmin.f32 v31, v33;
	v27 =	vmax.f32 v32, v33  }
.LBB2_21:
0x368: {  	v29 =	vld [tilespmem:s3+$0x10F0];
	[tilespmem:s1+$0xFFFFFF90] =	vst v21;
	v28 =	vmin.f32 v28, v21;
	v21 =	vmax.f32 v27, v21;
	v26 =	vadd.f32 v26, v13  }
0x369: {  	v27 =	vld [tilespmem:s3+$0x10E0];
	[tilespmem:s1+$0xFFFFFFA0] =	vst v23;
	v28 =	vmin.f32 v28, v23;
	v21 =	vmax.f32 v21, v23;
	v23 =	vadd.f32 v25, v14  }
0x36a: {  	v25 =	vld [tilespmem:s3+$0x10D0];
	[tilespmem:s1+$0xFFFFFFB0] =	vst v26;
	v28 =	vmin.f32 v28, v26;
	v21 =	vmax.f32 v21, v26;
	v24 =	vadd.f32 v24, v15  }
0x36b: {  	v30 =	vld [tilespmem:s3+$0x10C0];
	[tilespmem:s1+$0xFFFFFFC0] =	vst v23;
	v26 =	vmin.f32 v28, v23;
	v21 =	vmax.f32 v21, v23;
	v22 =	vadd.f32 v22, v16  }
0x36c: {  	v23 =	vld [tilespmem:s4+$0x0];
	[tilespmem:s1+$0xFFFFFFD0] =	vst v24;
	v26 =	vmin.f32 v26, v24;
	v21 =	vmax.f32 v21, v24;
	v20 =	vadd.f32 v20, v17  }
0x36d: {  	v19 =	vadd.f32 v19, v4;
	v28 =	vld [tilespmem:s3+$0x10B0];
	[tilespmem:s1+$0xFFFFFFE0] =	vst v22;
	v24 =	vmin.f32 v26, v22;
	v21 =	vmax.f32 v21, v22  }
0x36e: {  	v6 =	vadd.f32 v18, v6;
	v4 =	vld [tilespmem:s6+$0x0];
	[tilespmem:s1+$0xFFFFFFF0] =	vst v20;
	v22 =	vmin.f32 v24, v20;
	v20 =	vmax.f32 v21, v20  }
0x36f: {  	v11 =	vadd.f32 v11, v12;
	v21 =	vld [tilespmem:s3+$0x10A0];
	[tilespmem:s1+$0x0] =	vst v19;
	v18 =	vmin.f32 v22, v19;
	v19 =	vmax.f32 v20, v19  }
0x370: {  	v10 =	vadd.f32 v10, v13;
	v22 =	vld [tilespmem:s3+$0x1090];
	[tilespmem:s1+$0x10] =	vst v6;
	v12 =	vmin.f32 v18, v6;
	v6 =	vmax.f32 v19, v6  }
0x371: {  	s31 =	sadd.s32 $0x100, s31;
	v9 =	vadd.f32 v9, v14;
	v13 =	vld [tilespmem:s3+$0x1080];
	[tilespmem:s1+$0x20] =	vst v11;
	v12 =	vmin.f32 v12, v11;
	v6 =	vmax.f32 v6, v11  }
0x372: {  	v8 =	vadd.f32 v8, v15;
	v11 =	vld [tilespmem:s31+$0x0];
	[tilespmem:s1+$0x30] =	vst v10;
	v12 =	vmin.f32 v12, v10;
	v6 =	vmax.f32 v6, v10  }
0x373: {  	v7 =	vadd.f32 v7, v16;
	v10 =	vld [tilespmem:s31+$0xFFFFFFF0];
	[tilespmem:s1+$0x40] =	vst v9;
	v12 =	vmin.f32 v12, v9;
	v15 =	vmax.f32 v6, v9  }
0x374: {  	v5 =	vadd.f32 v5, v17;
	v14 =	vld [tilespmem:s31+$0xFFFFFFE0];
	[tilespmem:s1+$0x50] =	vst v8;
	v9 =	vmin.f32 v12, v8;
	v12 =	vmax.f32 v15, v8  }
0x375: {  	v8 =	vld [tilespmem:s31+$0xFFFFFFD0];
	[tilespmem:s1+$0x60] =	vst v7;
	v9 =	vmin.f32 v9, v7;
	v7 =	vmax.f32 v12, v7;
	v6 =	vmov v23  }
0x376: {  	v12 =	vld [tilespmem:s31+$0xFFFFFFC0];
	[tilespmem:s1+$0x70] =	vst v5;
	v17 =	vmin.f32 v9, v5;
	v23 =	vmax.f32 v7, v5  }
0x377: {  	v15 =	vld [tilespmem:s31+$0xFFFFFFB0]  }
0x378: {  	v16 =	vld [tilespmem:s31+$0xFFFFFFA0]  }
0x379: {  	v18 =	vld [tilespmem:s31+$0xFFFFFF90]  }
0x37a: {  	v20 =	vld [tilespmem:s31+$0xFFFFFF80]  }
0x37b: {  	v24 =	vld [tilespmem:s31+$0xFFFFFF70]  }
0x37c: {  	v26 =	vld [tilespmem:s31+$0xFFFFFF60]  }
0x37d: {  	v31 =	vld [tilespmem:s31+$0xFFFFFF50]  }
0x37e: {  	s5 =	sadd.s32 $0x100, s5;
	v32 =	vld [tilespmem:s31+$0xFFFFFF10]  }
0x37f: {  	p1 =	slt.u32 s5, $0x700;
	v5 =	vmul.f32 v11, v29;
	v7 =	vmul.f32 v10, v27;
	v33 =	vld [tilespmem:s31+$0xFFFFFF20]  }
0x380: {  	v9 =	vmul.f32 v8, v30;
	v8 =	vmul.f32 v14, v25;
	v34 =	vld [tilespmem:s31+$0xFFFFFF30]  }
0x381: {  	v10 =	vmul.f32 v12, v28;
	v11 =	vmul.f32 v15, v21;
	v35 =	vld [tilespmem:s31+$0xFFFFFF40]  }
0x382: {  	v19 =	vmul.f32 v18, v13;
	v18 =	vmul.f32 v16, v22;
	v12 =	vld [tilespmem:s7+$0x0]  }
.Ltmp9:
0x383: {  	v20 =	vmul.f32 v20, v29;
	v15 =	vmul.f32 v32, v13;
	v13 =	vld [tilespmem:s9+$0x0];
	(pc) =	sbr.rel @p1 .LBB2_21-.Ltmp9, $4  }
0x384: {  	v16 =	vmul.f32 v33, v22;
	v14 =	vld [tilespmem:s10+$0x0];
	v22 =	vmul.f32 v24, v27  }
0x385: {  	v24 =	vmul.f32 v26, v25;
	v27 =	vadd.f32 v15, v4;
	v29 =	vmul.f32 v34, v21;
	v15 =	vld [tilespmem:s11+$0x0]  }
0x386: {  	s1 =	sadd.s32 $0x100, s1;
	v25 =	vmul.f32 v31, v30;
	v21 =	vadd.f32 v16, v6;
	v26 =	vmul.f32 v35, v28;
	v16 =	vld [tilespmem:s0+$0x0]  }
0x387: {  	[tilespmem:s1+$0xFFFFFF80] =	vst v27;
	v28 =	vmin.f32 v17, v27;
	v27 =	vmax.f32 v23, v27;
	v23 =	vadd.f32 v29, v12;
	v17 =	vld [tilespmem:s2+$0x0]  }
0x388: {  	v28 =	vmin.f32 v28, v21;
	v26 =	vadd.f32 v26, v13  }
0x389: {  	v27 =	vmax.f32 v27, v21;
	v28 =	vmin.f32 v28, v23;
	v25 =	vadd.f32 v25, v14  }
0x38a: {  	v27 =	vmax.f32 v27, v23;
	v28 =	vmin.f32 v28, v26;
	v24 =	vadd.f32 v24, v15  }
0x38b: {  	v27 =	vmax.f32 v27, v26;
	v28 =	vmin.f32 v28, v25;
	v22 =	vadd.f32 v22, v16  }
0x38c: {  	v27 =	vmax.f32 v27, v25;
	v28 =	vmin.f32 v28, v24;
	v20 =	vadd.f32 v20, v17  }
0x38d: {  	v4 =	vadd.f32 v19, v4;
	v27 =	vmax.f32 v27, v24;
	v28 =	vmin.f32 v28, v22  }
0x38e: {  	v6 =	vadd.f32 v18, v6;
	v19 =	vmax.f32 v27, v22;
	v55 =	vmin.f32 v28, v20  }
0x38f: {  	v11 =	vadd.f32 v11, v12;
	v18 =	vmax.f32 v19, v20;
	v19 =	vmin.f32 v55, v4  }
0x390: {  	v10 =	vadd.f32 v10, v13;
	v12 =	vmax.f32 v18, v4;
	v18 =	vmin.f32 v19, v6  }
0x391: {  	v9 =	vadd.f32 v9, v14;
	v12 =	vmax.f32 v12, v6;
	v13 =	vmin.f32 v18, v11  }
0x392: {  	v8 =	vadd.f32 v8, v15;
	v12 =	vmax.f32 v12, v11;
	v13 =	vmin.f32 v13, v10  }
0x393: {  	v7 =	vadd.f32 v7, v16;
	v12 =	vmax.f32 v12, v10;
	v13 =	vmin.f32 v13, v9  }
0x394: {  	v5 =	vadd.f32 v5, v17;
	v12 =	vmax.f32 v12, v9;
	v13 =	vmin.f32 v13, v8  }
0x395: {  	v12 =	vmax.f32 v12, v8;
	v13 =	vmin.f32 v13, v7  }
0x396: {  	v12 =	vmax.f32 v12, v7;
	v13 =	vmin.f32 v13, v5  }
0x397: {  	v12 =	vmax.f32 v12, v5;
	(xrf0) =	vmin.scan.msk.f32 $0xffff, v13  }
0x398: {  	(xrf0) =	vmax.scan.msk.f32 $0xffff, v12;
	_ =	sdelay $0x4  }
0x399: {  	v12, _, _ =	vpop (xrf0)  }
0x39a: {  	(v2sf) =	vpush v12, $0xF;
	v13, _, _ =	vpop (xrf0)  }
0x39b: {  	(v2sf) =	vpush v13, $0xF;
	_ =	sdelay $0x3  }
0x39c: {  	[tilespmem:s1+$0xFFFFFF90] =	vst v21  }
0x39d: {  	[tilespmem:s1+$0xFFFFFFA0] =	vst v23  }
0x39e: {  	[tilespmem:s1+$0xFFFFFFB0] =	vst v26  }
0x39f: {  	[tilespmem:s1+$0x0] =	vst v4  }
0x3a0: {  	[tilespmem:s1+$0x10] =	vst v6  }
0x3a1: {  	[tilespmem:s1+$0x20] =	vst v11  }
0x3a2: {  	[tilespmem:s1+$0x30] =	vst v10  }
0x3a3: {  	[tilespmem:s1+$0xFFFFFFC0] =	vst v25  }
0x3a4: {  	[tilespmem:s1+$0x40] =	vst v9  }
0x3a5: {  	[tilespmem:s1+$0xFFFFFFD0] =	vst v24  }
0x3a6: {  	[tilespmem:s1+$0x50] =	vst v8;
	s0 =	spop (v2sf)  }
0x3a7: {  	[tilespmem:s1+$0xFFFFFFE0] =	vst v22;
	s2 =	spop (v2sf)  }
0x3a8: {  	[tilespmem:s1+$0x60] =	vst v7;
	s0 =	ssub.f32 s2, s0  }
0x3a9: {  	[tilespmem:s1+$0xFFFFFFF0] =	vst v20  }
0x3aa: {  	s25 =	simm.s32 $0xE080;
	[tilespmem:s1+$0x70] =	vst v5;
	s0 =	smax.f32 s0, $9.999999960e-13  }
0x3ab: {  	v14 =	vld [tilespmem:s25+$0x30];
	v4 =	vmov s0  }
0x3ac: {  	v6 =	vld [tilespmem:s25+$0xFFFFFF80];
	(erf) = vrcp.f32 v4  }
0x3ad: {  	v11 =	vld [tilespmem:s25+$0xFFFFFFA0]  }
0x3ae: {  	v9 =	vld [tilespmem:s25+$0xFFFFFFD0]  }
0x3af: {  	v7 =	vld [tilespmem:s25+$0x50]  }
0x3b0: {  	v8 =	vld [tilespmem:s25+$0xFFFFFFC0]  }
0x3b1: {  	v10 =	vld [tilespmem:s25+$0x0]  }
0x3b2: {  	v15 =	vld [tilespmem:s25+$0xFFFFFFB0];
	v5 =	vbroadcast v12, $0xF  }
0x3b3: {  	v18 =	vld [tilespmem:s25+$0x40]  }
0x3b4: {  	v12 =	vld [tilespmem:s25+$0x10];
	v6 =	vsub.f32 v6, v5;
	v7 =	vsub.f32 v7, v5  }
0x3b5: {  	v13 =	vld [tilespmem:s25+$0xFFFFFF90];
	v9 =	vsub.f32 v9, v5;
	v8 =	vsub.f32 v8, v5;
	v4 =	vpop (erf)  }
0x3b6: {  	v20 =	vld [tilespmem:s25+$0x60];
	v10 =	vsub.f32 v10, v5;
	v11 =	vsub.f32 v11, v5;
	v4 =	vmul.f32 $1.638400000e+04, v4  }
0x3b7: {  	v14 =	vsub.f32 v14, v5;
	v15 =	vsub.f32 v15, v5  }
0x3b8: {  	v18 =	vsub.f32 v18, v5;
	v6 =	vmul.f32 v6, v4;
	v7 =	vmul.f32 v7, v4  }
0x3b9: {  	v12 =	vsub.f32 v12, v5;
	v9 =	vmul.f32 v9, v4;
	v8 =	vmul.f32 v8, v4  }
0x3ba: {  	v13 =	vsub.f32 v13, v5;
	v10 =	vmul.f32 v10, v4;
	v11 =	vmul.f32 v11, v4  }
0x3bb: {  	v20 =	vsub.f32 v20, v5;
	v12 =	vmul.f32 v12, v4;
	v14 =	vmul.f32 v14, v4  }
0x3bc: {  	v13 =	vmul.f32 v13, v4;
	v15 =	vmul.f32 v15, v4  }
0x3bd: {  	v18 =	vmul.f32 v18, v4;
	v20 =	vmul.f32 v20, v4  }
0x3be: {  	v6 =	vtrunc.f32 v6;
	v7 =	vtrunc.f32 v7  }
0x3bf: {  	v8 =	vtrunc.f32 v8;
	v10 =	vtrunc.f32 v10  }
0x3c0: {  	v19 =	vld [tilespmem:s25+$0xFFFFFFF0];
	v9 =	vtrunc.f32 v9;
	v11 =	vtrunc.f32 v11  }
0x3c1: {  	v21 =	vld [tilespmem:s25+$0xFFFFFFE0];
	v14 =	vtrunc.f32 v14;
	v13 =	vtrunc.f32 v13  }
0x3c2: {  	v16 =	vld [tilespmem:s25+$0x20];
	v15 =	vtrunc.f32 v15;
	v12 =	vtrunc.f32 v12  }
0x3c3: {  	v18 =	vtrunc.f32 v18;
	v6 =	vcvt.f32.s32 v6  }
0x3c4: {  	v7 =	vcvt.f32.s32 v7;
	v9 =	vcvt.f32.s32 v9  }
0x3c5: {  	v19 =	vsub.f32 v19, v5;
	v17 =	vcvt.f32.s32 v10;
	v13 =	vcvt.f32.s32 v13  }
0x3c6: {  	v21 =	vsub.f32 v21, v5;
	v14 =	vcvt.f32.s32 v14;
	v8 =	vcvt.f32.s32 v8  }
0x3c7: {  	v10 =	vsub.f32 v16, v5;
	v16 =	vld [tilespmem:s25+$0x70];
	v15 =	vcvt.f32.s32 v15;
	v11 =	vcvt.f32.s32 v11  }
0x3c8: {  	v12 =	vcvt.f32.s32 v12;
	v18 =	vcvt.f32.s32 v18;
	vm1 =	vlt.s32 v9, $0x3FFF  }
0x3c9: {  	s31 =	simm.s32 $0xE180;
	s1 =	simm.s32 $0xE880;
	vm0 =	vlt.s32 v7, $0x3FFF;
	v10 =	vmul.f32 v10, v4;
	v9 =	vnsel vm1, $0x3FFF, v9  }
0x3ca: {  	v22 =	vld [tilespmem:s31+$0xFFFFFFC0];
	vm2 =	vlt.s32 v12, $0x3FFF;
	vm4 =	vlt.s32 v14, $0x3FFF;
	v7 =	vnsel vm0, $0x3FFF, v7;
	[tilespmem:s1+$0xFFFFFFD0] =	vst v9  }
0x3cb: {  	v23 =	vld [tilespmem:s31+$0xFFFFFF80];
	vm0 =	vlt.s32 v13, $0x3FFF;
	vm1 =	vlt.s32 v6, $0x3FFF;
	v12 =	vnsel vm2, $0x3FFF, v12;
	[tilespmem:s1+$0x50] =	vst v7  }
0x3cc: {  	v24 =	vld [tilespmem:s31+$0x50];
	v14 =	vnsel vm4, $0x3FFF, v14;
	v13 =	vnsel vm0, $0x3FFF, v13;
	[tilespmem:s1+$0x10] =	vst v12;
	v16 =	vsub.f32 v16, v5  }
0x3cd: {  	v59 =	vld [tilespmem:s31+$0x20];
	vm0 =	vlt.s32 v8, $0x3FFF;
	v56 =	vnsel vm1, $0x3FFF, v6;
	vm1 =	vlt.s32 v18, $0x3FFF;
	[tilespmem:s1+$0x30] =	vst v14  }
0x3ce: {  	v8 =	vnsel vm0, $0x3FFF, v8;
	v16 =	vmul.f32 v16, v4;
	[tilespmem:v9+s19+$0x0] =	vst.idx.add.s32.msk $0xffff, v3;
	v9 =	vtrunc.f32 v10  }
0x3cf: {  	vm0 =	vlt.s32 v11, $0x3FFF;
	v10 =	vmul.f32 v19, v4;
	[tilespmem:v7+s19+$0x0] =	vst.idx.add.s32.msk $0xffff, v3;
	v7 =	vmul.f32 v21, v4  }
0x3d0: {  	[tilespmem:s1+$0xFFFFFF90] =	vst v13;
	v11 =	vnsel vm0, $0x3FFF, v11;
	v19 =	vld [tilespmem:s31+$0xFFFFFF90];
	v16 =	vtrunc.f32 v16;
	v9 =	vcvt.f32.s32 v9  }
0x3d1: {  	vm0 =	vlt.s32 v15, $0x3FFF;
	[tilespmem:v13+s19+$0x0] =	vst.idx.add.s32.msk $0xffff, v3;
	v16 =	vcvt.f32.s32 v16;
	v10 =	vtrunc.f32 v10  }
0x3d2: {  	[tilespmem:s1+$0xFFFFFFC0] =	vst v8;
	v15 =	vnsel vm0, $0x3FFF, v15;
	v13 =	vld [tilespmem:s31+$0x0];
	v7 =	vtrunc.f32 v7;
	v10 =	vcvt.f32.s32 v10  }
0x3d3: {  	[tilespmem:v8+s19+$0x0] =	vst.idx.add.s32.msk $0xffff, v3;
	v8 =	vtrunc.f32 v20;
	v7 =	vcvt.f32.s32 v7;
	vm2 =	vlt.s32 v16, $0x3FFF  }
0x3d4: {  	[tilespmem:s1+$0xFFFFFFA0] =	vst v11;
	v20 =	vld [tilespmem:s31+$0xFFFFFFD0];
	v8 =	vcvt.f32.s32 v8;
	v16 =	vnsel vm2, $0x3FFF, v16;
	vm2 =	vlt.s32 v10, $0x3FFF  }
0x3d5: {  	[tilespmem:v11+s19+$0x0] =	vst.idx.add.s32.msk $0xffff, v3;
	v11 =	vsub.f32 v59, v5;
	v6 =	vnsel vm2, $0x3FFF, v10;
	v10 =	vsub.f32 v23, v5  }
0x3d6: {  	[tilespmem:s1+$0xFFFFFF80] =	vst v56;
	v21 =	vld [tilespmem:s31+$0xFFFFFFA0];
	vm3 =	vlt.s32 v7, $0x3FFF;
	v19 =	vsub.f32 v19, v5;
	v23 =	vsub.f32 v24, v5  }
0x3d7: {  	[tilespmem:v12+s19+$0x0] =	vst.idx.add.s32.msk $0xffff, v3;
	vm15 =	vlt.s32 v8, $0x3FFF;
	v13 =	vsub.f32 v13, v5;
	v10 =	vmul.f32 v10, v4  }
0x3d8: {  	v12 =	vld [tilespmem:s31+$0x10];
	[tilespmem:s1+$0x70] =	vst v16;
	vm2 =	vlt.s32 v9, $0x3FFF;
	v30 =	vmul.f32 v19, v4;
	v23 =	vmul.f32 v23, v4  }
0x3d9: {  	v57 =	vnsel vm3, $0x3FFF, v7;
	v13 =	vmul.f32 v13, v4;
	[tilespmem:v16+s19+$0x0] =	vst.idx.add.s32.msk $0xffff, v3;
	v16 =	vtrunc.f32 v10  }
0x3da: {  	[tilespmem:v14+s19+$0x0] =	vst.idx.add.s32.msk $0xffff, v3;
	v23 =	vtrunc.f32 v23;
	v10 =	vnsel vm2, $0x3FFF, v9;
	v9 =	vsub.f32 v20, v5  }
0x3db: {  	[tilespmem:v56+s19+$0x0] =	vst.idx.add.s32.msk $0xffff, v3;
	vm2 =	vlt.s32 v17, $0x3FFF;
	v20 =	vsub.f32 v22, v5;
	v22 =	vnsel vm1, $0x3FFF, v18  }
0x3dc: {  	[tilespmem:s1+$0xFFFFFFF0] =	vst v6;
	v18 =	vsub.f32 v21, v5;
	v7 =	vcvt.f32.s32 v16;
	v16 =	vld [tilespmem:s31+$0x30];
	v23 =	vcvt.f32.s32 v23  }
0x3dd: {  	v21 =	vsub.f32 v12, v5;
	[tilespmem:v6+s19+$0x0] =	vst.idx.add.s32.msk $0xffff, v3;
	v6 =	vtrunc.f32 v13;
	v9 =	vmul.f32 v9, v4  }
0x3de: {  	[tilespmem:s1+$0xFFFFFFB0] =	vst v15;
	v60 =	vnsel vm2, $0x3FFF, v17;
	v17 =	vld [tilespmem:s31+$0xFFFFFFB0];
	v20 =	vmul.f32 v20, v4;
	v18 =	vmul.f32 v18, v4  }
0x3df: {  	[tilespmem:v15+s19+$0x0] =	vst.idx.add.s32.msk $0xffff, v3;
	v58 =	vnsel vm15, $0x3FFF, v8;
	v21 =	vmul.f32 v21, v4;
	v6 =	vcvt.f32.s32 v6  }
0x3e0: {  	v29 =	vld [tilespmem:s31+$0x40];
	[tilespmem:s1+$0x60] =	vst v58;
	v20 =	vtrunc.f32 v20;
	v9 =	vtrunc.f32 v9  }
0x3e1: {  	v62 =	vld [tilespmem:s31+$0x70];
	[tilespmem:s1+$0xFFFFFFE0] =	vst v57;
	v61 =	vtrunc.f32 v18;
	v18 =	vmul.f32 v11, v4  }
0x3e2: {  	v12 =	vld [tilespmem:s31+$0x60];
	[tilespmem:s1+$0x40] =	vst v22;
	v11 =	vtrunc.f32 v30;
	v21 =	vtrunc.f32 v21;
	v13 =	vsub.f32 v16, v5  }
0x3e3: {  	[tilespmem:v57+s19+$0x0] =	vst.idx.add.s32.msk $0xffff, v3;
	v9 =	vcvt.f32.s32 v9;
	v11 =	vcvt.f32.s32 v11;
	v16 =	vsub.f32 v17, v5  }
0x3e4: {  	[tilespmem:v22+s19+$0x0] =	vst.idx.add.s32.msk $0xffff, v3;
	v22 =	vcvt.f32.s32 v20;
	v13 =	vmul.f32 v13, v4  }
0x3e5: {  	[tilespmem:v58+s19+$0x0] =	vst.idx.add.s32.msk $0xffff, v3;
	v20 =	vsub.f32 v29, v5;
	vm0 =	vlt.s32 v9, $0x3FFF;
	v16 =	vmul.f32 v16, v4  }
0x3e6: {  	[tilespmem:s1+$0x20] =	vst v10;
	v17 =	vld [tilespmem:s31+$0xFFFFFFF0];
	v19 =	vnsel vm0, $0x3FFF, v9;
	vm0 =	vlt.s32 v23, $0x3FFF;
	v9 =	vtrunc.f32 v13  }
0x3e7: {  	[tilespmem:s1+$0x0] =	vst v60;
	v63 =	vtrunc.f32 v16;
	v16 =	vnsel vm0, $0x3FFF, v23;
	v23 =	vsub.f32 v62, v5  }
0x3e8: {  	s6 =	simm.s32 $0xE980;
	s3 =	simm.s32 $0x0;
	[tilespmem:v60+s19+$0x0] =	vst.idx.add.s32.msk $0xffff, v3;
	vm0 =	vlt.s32 v11, $0x3FFF;
	v13 =	vcvt.f32.s32 v9;
	v9 =	vcvt.f32.s32 v63  }
0x3e9: {  	s7 =	simm.s32 $0x100;
	s9 =	simm.s32 $0xE280;
	s4 =	simm.s32 $0xE980;
	v8 =	vld [tilespmem:s31+$0xFFFFFFE0];
	[tilespmem:s6+$0xFFFFFFD0] =	vst v19;
	v14 =	vnsel vm0, $0x3FFF, v11;
	v11 =	vcvt.f32.s32 v61;
	vm0 =	vlt.s32 v22, $0x3FFF  }
.LBB2_23:
0x3ea: {  	s7 =	sadd.s32 $0x100, s7;
	vm1 =	vlt.s32 v7, $0x3FFF;
	v15 =	vnsel vm0, $0x3FFF, v22;
	v22 =	vmul.f32 v23, v4;
	s6 =	sadd.s32 $0x100, s6;
	[tilespmem:v10+s19+$0x0] =	vst.idx.add.s32.msk $0xffff, v3  }
0x3eb: {  	v10 =	vsub.f32 v17, v5;
	v17 =	vcvt.f32.s32 v21;
	v12 =	vsub.f32 v12, v5;
	v23 =	vld [tilespmem:s9+$0xFFFFFFC0];
	p1 =	slt.u32 s7, $0x700;
	[tilespmem:s4+$0x50] =	vst v16  }
0x3ec: {  	v18 =	vtrunc.f32 v18;
	vm0 =	vlt.s32 v11, $0x3FFF;
	[tilespmem:v19+s19+$0x0] =	vst.idx.add.s32.msk $0xffff, v3;
	v19 =	vtrunc.f32 v22  }
0x3ed: {  	v20 =	vmul.f32 v20, v4;
	v10 =	vmul.f32 v10, v4;
	vm2 =	vlt.s32 v17, $0x3FFF;
	v21 =	vld [tilespmem:s9+$0xFFFFFF90];
	[tilespmem:s4+$0xFFFFFF90] =	vst v14  }
0x3ee: {  	v18 =	vcvt.f32.s32 v18;
	v17 =	vnsel vm2, $0x3FFF, v17;
	v19 =	vcvt.f32.s32 v19;
	v22 =	vld [tilespmem:s9+$0xFFFFFFA0];
	[tilespmem:s4+$0xFFFFFFC0] =	vst v15  }
0x3ef: {  	v8 =	vsub.f32 v8, v5;
	v12 =	vmul.f32 v12, v4;
	v10 =	vtrunc.f32 v10;
	v24 =	vld [tilespmem:s9+$0xFFFFFF80];
	[tilespmem:s4+$0x10] =	vst v17  }
0x3f0: {  	v20 =	vtrunc.f32 v20;
	v10 =	vcvt.f32.s32 v10;
	vm2 =	vlt.s32 v19, $0x3FFF;
	v25 =	vld [tilespmem:s9+$0x50]  }
0x3f1: {  	v8 =	vmul.f32 v8, v4;
	v20 =	vcvt.f32.s32 v20;
	[tilespmem:v16+s19+$0x0] =	vst.idx.add.s32.msk $0xffff, v3;
	v16 =	vnsel vm2, $0x3FFF, v19  }
0x3f2: {  	v19 =	vnsel vm1, $0x3FFF, v7;
	vm1 =	vlt.s32 v10, $0x3FFF;
	v7 =	vtrunc.f32 v12;
	[tilespmem:v15+s19+$0x0] =	vst.idx.add.s32.msk $0xffff, v3  }
0x3f3: {  	v8 =	vtrunc.f32 v8;
	v15 =	vnsel vm1, $0x3FFF, v10;
	v12 =	vld [tilespmem:s9+$0xFFFFFFD0];
	[tilespmem:s4+$0x70] =	vst v16  }
0x3f4: {  	v8 =	vcvt.f32.s32 v8;
	vm1 =	vlt.s32 v20, $0x3FFF;
	v10 =	vsub.f32 v24, v5;
	v24 =	vld [tilespmem:s9+$0x10];
	[tilespmem:s4+$0xFFFFFFF0] =	vst v15  }
0x3f5: {  	vm2 =	vlt.s32 v18, $0x3FFF;
	v7 =	vcvt.f32.s32 v7;
	v25 =	vsub.f32 v25, v5;
	[tilespmem:v14+s19+$0x0] =	vst.idx.add.s32.msk $0xffff, v3  }
0x3f6: {  	vm4 =	vlt.s32 v13, $0x3FFF;
	vm3 =	vlt.s32 v8, $0x3FFF;
	v10 =	vmul.f32 v10, v4;
	v14 =	vld [tilespmem:s9+$0x0];
	[tilespmem:s4+$0xFFFFFF80] =	vst v19  }
0x3f7: {  	v26 =	vnsel vm4, $0x3FFF, v13;
	v25 =	vmul.f32 v25, v4;
	[tilespmem:v16+s19+$0x0] =	vst.idx.add.s32.msk $0xffff, v3  }
0x3f8: {  	v16 =	vnsel vm3, $0x3FFF, v8;
	vm3 =	vlt.s32 v7, $0x3FFF;
	v13 =	vtrunc.f32 v10;
	[tilespmem:v17+s19+$0x0] =	vst.idx.add.s32.msk $0xffff, v3  }
0x3f9: {  	v10 =	vnsel vm2, $0x3FFF, v18;
	v28 =	vnsel vm3, $0x3FFF, v7;
	v27 =	vld [tilespmem:s9+$0x20];
	v25 =	vtrunc.f32 v25;
	[tilespmem:s4+$0x30] =	vst v26  }
0x3fa: {  	v12 =	vsub.f32 v12, v5;
	vm2 =	vlt.s32 v6, $0x3FFF;
	v7 =	vcvt.f32.s32 v13;
	v13 =	vld [tilespmem:s9+$0x30];
	[tilespmem:s4+$0x60] =	vst v28  }
0x3fb: {  	v17 =	vsub.f32 v23, v5;
	v29 =	vnsel vm2, $0x3FFF, v6;
	v8 =	vld [tilespmem:s9+$0xFFFFFFE0];
	v14 =	vsub.f32 v14, v5;
	[tilespmem:s4+$0xFFFFFFE0] =	vst v16  }
0x3fc: {  	v11 =	vnsel vm0, $0x3FFF, v11;
	v20 =	vnsel vm1, $0x3FFF, v20;
	v18 =	vmul.f32 v12, v4;
	v6 =	vld [tilespmem:s9+$0xFFFFFFB0];
	[tilespmem:s4+$0x20] =	vst v10  }
0x3fd: {  	v22 =	vsub.f32 v22, v5;
	v24 =	vsub.f32 v24, v5;
	v23 =	vmul.f32 v17, v4;
	v12 =	vld [tilespmem:s9+$0x60];
	[tilespmem:s4+$0xFFFFFFA0] =	vst v11  }
0x3fe: {  	vm0 =	vlt.s32 v9, $0x3FFF;
	v21 =	vsub.f32 v21, v5;
	v14 =	vmul.f32 v14, v4;
	v17 =	vld [tilespmem:s9+$0xFFFFFFF0];
	[tilespmem:s4+$0x40] =	vst v20  }
0x3ff: {  	v9 =	vnsel vm0, $0x3FFF, v9;
	v22 =	vmul.f32 v22, v4;
	v25 =	vcvt.f32.s32 v25;
	[tilespmem:v15+s19+$0x0] =	vst.idx.add.s32.msk $0xffff, v3  }
0x400: {  	v23 =	vtrunc.f32 v23;
	v14 =	vtrunc.f32 v14;
	v13 =	vsub.f32 v13, v5;
	v30 =	vld [tilespmem:s9+$0x40];
	[tilespmem:s4+$0xFFFFFFB0] =	vst v9  }
0x401: {  	v24 =	vmul.f32 v24, v4;
	v15 =	vsub.f32 v6, v5;
	v6 =	vtrunc.f32 v18;
	[tilespmem:v16+s19+$0x0] =	vst.idx.add.s32.msk $0xffff, v3  }
0x402: {  	v16 =	vcvt.f32.s32 v6;
	v6 =	vcvt.f32.s32 v14;
	v14 =	vsub.f32 v27, v5;
	[tilespmem:v11+s19+$0x0] =	vst.idx.add.s32.msk $0xffff, v3  }
0x403: {  	vm0 =	vlt.s32 v25, $0x3FFF;
	v13 =	vmul.f32 v13, v4;
	v11 =	vtrunc.f32 v22;
	v27 =	vld [tilespmem:s9+$0x70];
	[tilespmem:s4+$0x0] =	vst v29;
	s4 =	smov.u32 s6  }
0x404: {  	v21 =	vmul.f32 v21, v4;
	v15 =	vmul.f32 v15, v4;
	vm1 =	vlt.s32 v16, $0x3FFF;
	[tilespmem:v19+s19+$0x0] =	vst.idx.add.s32.msk $0xffff, v3  }
0x405: {  	v13 =	vtrunc.f32 v13;
	v18 =	vmul.f32 v14, v4;
	v19 =	vnsel vm1, $0x3FFF, v16;
	[tilespmem:v20+s19+$0x0] =	vst.idx.add.s32.msk $0xffff, v3  }
.Ltmp10:
0x406: {  	v14 =	vtrunc.f32 v21;
	v20 =	vtrunc.f32 v15;
	v16 =	vnsel vm0, $0x3FFF, v25;
	[tilespmem:s6+$0xFFFFFFD0] =	vst v19;
	(pc) =	sbr.rel @p1 .LBB2_23-.Ltmp10, $4  }
0x407: {  	v13 =	vcvt.f32.s32 v13;
	v14 =	vcvt.f32.s32 v14;
	v15 =	vimm.s32 $0x0;
	[tilespmem:v26+s19+$0x0] =	vst.idx.add.s32.msk $0xffff, v3  }
0x408: {  	v22 =	vcvt.f32.s32 v23;
	v21 =	vtrunc.f32 v24;
	v23 =	vsub.f32 v27, v5;
	[tilespmem:v9+s19+$0x0] =	vst.idx.add.s32.msk $0xffff, v3  }
0x409: {  	vm0 =	vlt.s32 v14, $0x3FFF;
	v9 =	vcvt.f32.s32 v20;
	v20 =	vsub.f32 v30, v5;
	[tilespmem:v28+s19+$0x0] =	vst.idx.add.s32.msk $0xffff, v3  }
0x40a: {  	v11 =	vcvt.f32.s32 v11;
	s9 =	sadd.s32 $0x100, s9;
	v14 =	vnsel vm0, $0x3FFF, v14;
	vm0 =	vlt.s32 v22, $0x3FFF;
	[tilespmem:v29+s19+$0x0] =	vst.idx.add.s32.msk $0xffff, v3  }
0x40b: {  	_ =	sdelay $0x3  }
0x40c: {  	[tilespmem:v10+s19+$0x0] =	vst.idx.add.s32.msk $0xffff, v3  }
0x40d: {  	[tilespmem:s4+$0x50] =	vst v16  }
0x40e: {  	v10 =	vsub.f32 v17, v5;
	v59 =	vmul.f32 v23, v4;
	v21 =	vcvt.f32.s32 v21;
	[tilespmem:v19+s19+$0x0] =	vst.idx.add.s32.msk $0xffff, v3  }
0x40f: {  	v22 =	vnsel vm0, $0x3FFF, v22;
	[tilespmem:s4+$0xFFFFFF90] =	vst v14;
	v12 =	vsub.f32 v12, v5;
	v5 =	vsub.f32 v8, v5  }
0x410: {  	[tilespmem:s4+$0xFFFFFFC0] =	vst v22;
	v10 =	vmul.f32 v10, v4;
	v17 =	vtrunc.f32 v59;
	vm0 =	vlt.s32 v21, $0x3FFF  }
0x411: {  	[tilespmem:v16+s19+$0x0] =	vst.idx.add.s32.msk $0xffff, v3;
	v5 =	vmul.f32 v5, v4;
	v60 =	vnsel vm0, $0x3FFF, v21;
	v17 =	vcvt.f32.s32 v17  }
0x412: {  	[tilespmem:v14+s19+$0x0] =	vst.idx.add.s32.msk $0xffff, v3;
	v10 =	vtrunc.f32 v10  }
0x413: {  	[tilespmem:s4+$0x10] =	vst v60;
	v5 =	vtrunc.f32 v5;
	v10 =	vcvt.f32.s32 v10;
	vm0 =	vlt.s32 v17, $0x3FFF  }
0x414: {  	[tilespmem:v22+s19+$0x0] =	vst.idx.add.s32.msk $0xffff, v3;
	v5 =	vcvt.f32.s32 v5;
	v8 =	vnsel vm0, $0x3FFF, v17  }
0x415: {  	vm0 =	vlt.s32 v10, $0x3FFF;
	[tilespmem:s4+$0x70] =	vst v8  }
0x416: {  	v12 =	vmul.f32 v12, v4;
	vm1 =	vlt.s32 v5, $0x3FFF;
	v10 =	vnsel vm0, $0x3FFF, v10;
	[tilespmem:v60+s19+$0x0] =	vst.idx.add.s32.msk $0xffff, v3  }
0x417: {  	vm0 =	vlt.s32 v7, $0x3FFF;
	v5 =	vnsel vm1, $0x3FFF, v5;
	[tilespmem:s4+$0xFFFFFFF0] =	vst v10  }
0x418: {  	v12 =	vtrunc.f32 v12;
	vm1 =	vlt.s32 v11, $0x3FFF;
	v7 =	vnsel vm0, $0x3FFF, v7;
	[tilespmem:s4+$0xFFFFFFE0] =	vst v5  }
0x419: {  	v12 =	vcvt.f32.s32 v12;
	v11 =	vnsel vm1, $0x3FFF, v11;
	[tilespmem:s4+$0xFFFFFF80] =	vst v7  }
0x41a: {  	vm0 =	vlt.s32 v13, $0x3FFF;
	[tilespmem:s4+$0xFFFFFFA0] =	vst v11  }
0x41b: {  	v13 =	vnsel vm0, $0x3FFF, v13;
	vm0 =	vlt.s32 v12, $0x3FFF;
	[tilespmem:v8+s19+$0x0] =	vst.idx.add.s32.msk $0xffff, v3  }
0x41c: {  	[tilespmem:s4+$0x30] =	vst v13;
	v12 =	vnsel vm0, $0x3FFF, v12  }
0x41d: {  	v61 =	vtrunc.f32 v18;
	v4 =	vmul.f32 v20, v4;
	[tilespmem:s4+$0x60] =	vst v12  }
0x41e: {  	v8 =	vcvt.f32.s32 v61;
	[tilespmem:v10+s19+$0x0] =	vst.idx.add.s32.msk $0xffff, v3  }
0x41f: {  	v4 =	vtrunc.f32 v4;
	[tilespmem:v5+s19+$0x0] =	vst.idx.add.s32.msk $0xffff, v3  }
0x420: {  	v4 =	vcvt.f32.s32 v4;
	vm0 =	vlt.s32 v8, $0x3FFF;
	[tilespmem:v11+s19+$0x0] =	vst.idx.add.s32.msk $0xffff, v3  }
0x421: {  	v8 =	vnsel vm0, $0x3FFF, v8;
	[tilespmem:v7+s19+$0x0] =	vst.idx.add.s32.msk $0xffff, v3  }
0x422: {  	vm0 =	vlt.s32 v4, $0x3FFF;
	[tilespmem:s4+$0x20] =	vst v8  }
0x423: {  	v4 =	vnsel vm0, $0x3FFF, v4;
	[tilespmem:v13+s19+$0x0] =	vst.idx.add.s32.msk $0xffff, v3  }
0x424: {  	vm0 =	vlt.s32 v9, $0x3FFF;
	[tilespmem:s4+$0x40] =	vst v4  }
0x425: {  	v9 =	vnsel vm0, $0x3FFF, v9;
	vm0 =	vlt.s32 v6, $0x3FFF;
	[tilespmem:v12+s19+$0x0] =	vst.idx.add.s32.msk $0xffff, v3  }
0x426: {  	[tilespmem:s4+$0xFFFFFFB0] =	vst v9;
	v5 =	vnsel vm0, $0x3FFF, v6  }
0x427: {  	[tilespmem:s4+$0x0] =	vst v5  }
0x428: {  	[tilespmem:v8+s19+$0x0] =	vst.idx.add.s32.msk $0xffff, v3  }
0x429: {  	[tilespmem:v4+s19+$0x0] =	vst.idx.add.s32.msk $0xffff, v3  }
0x42a: {  	[tilespmem:v9+s19+$0x0] =	vst.idx.add.s32.msk $0xffff, v3  }
0x42b: {  	[tilespmem:v5+s19+$0x0] =	vst.idx.add.s32.msk $0xffff, v3  }
0x42c: {  	v4 =	vld [tilespmem:s1+$0xFFFFFF80];
	_ =	sdelay $0x1  }
0x42d: {  	v5 =	vld [tilespmem:s1+$0xFFFFFF90];
	_ =	sdelay $0x1  }
0x42e: {  	v6 =	vld [tilespmem:s1+$0xFFFFFFA0]  }
0x42f: {  	v7 =	vld [tilespmem:s1+$0xFFFFFFB0]  }
0x430: {  	v8 =	vld [tilespmem:s1+$0xFFFFFFC0]  }
0x431: {  	v9 =	vld [tilespmem:s1+$0xFFFFFFD0]  }
0x432: {  	v4 =	vld.idx.msk [tilespmem:v4+s19+$0x0], $0xffff  }
0x433: {  	v10 =	vld [tilespmem:s1+$0xFFFFFFE0]  }
0x434: {  	v5 =	vld.idx.msk [tilespmem:v5+s19+$0x0], $0xffff  }
0x435: {  	v11 =	vld [tilespmem:s1+$0xFFFFFFF0]  }
0x436: {  	v6 =	vld.idx.msk [tilespmem:v6+s19+$0x0], $0xffff  }
0x437: {  	v13 =	vld [tilespmem:s1+$0x0];
	vm0 =	vgt.s32 v15, v4  }
0x438: {  	v7 =	vld.idx.msk [tilespmem:v7+s19+$0x0], $0xffff;
	v12 =	vsel vm0, v15, v4  }
0x439: {  	v14 =	vld [tilespmem:s1+$0x10];
	vm0 =	vgt.s32 v12, v5  }
0x43a: {  	v8 =	vld.idx.msk [tilespmem:v8+s19+$0x0], $0xffff;
	v12 =	vsel vm0, v12, v5  }
0x43b: {  	v62 =	vld [tilespmem:s1+$0x30];
	vm0 =	vgt.s32 v12, v6  }
0x43c: {  	v9 =	vld.idx.msk [tilespmem:v9+s19+$0x0], $0xffff;
	v12 =	vsel vm0, v12, v6  }
0x43d: {  	v15 =	vld [tilespmem:s1+$0x20];
	vm0 =	vgt.s32 v12, v7  }
0x43e: {  	s4 =	simm.s32 $0xF080;
	v10 =	vld.idx.msk [tilespmem:v10+s19+$0x0], $0xffff;
	v12 =	vsel vm0, v12, v7  }
0x43f: {  	v63 =	vld.idx.msk [tilespmem:v11+s19+$0x0], $0xffff;
	[tilespmem:s4+$0xFFFFFF80] =	vst v4;
	vm0 =	vgt.s32 v12, v8  }
0x440: {  	v11 =	vld.idx.msk [tilespmem:v13+s19+$0x0], $0xffff;
	[tilespmem:s4+$0xFFFFFF90] =	vst v5;
	v4 =	vsel vm0, v12, v8  }
0x441: {  	[tilespmem:s4+$0xFFFFFFA0] =	vst v6;
	v5 =	vld [tilespmem:s1+$0x40];
	vm0 =	vgt.s32 v4, v9  }
0x442: {  	[tilespmem:s4+$0xFFFFFFB0] =	vst v7;
	v7 =	vld [tilespmem:s1+$0x50];
	v6 =	vsel vm0, v4, v9  }
0x443: {  	[tilespmem:s4+$0xFFFFFFC0] =	vst v8;
	v4 =	vld.idx.msk [tilespmem:v14+s19+$0x0], $0xffff;
	vm0 =	vgt.s32 v6, v10  }
0x444: {  	[tilespmem:s4+$0xFFFFFFD0] =	vst v9;
	v9 =	vld [tilespmem:s1+$0x60];
	v8 =	vsel vm0, v6, v10  }
0x445: {  	[tilespmem:s4+$0xFFFFFFE0] =	vst v10;
	v6 =	vld.idx.msk [tilespmem:v15+s19+$0x0], $0xffff;
	vm0 =	vgt.s32 v8, v63  }
0x446: {  	[tilespmem:s4+$0xFFFFFFF0] =	vst v63;
	v10 =	vld [tilespmem:s1+$0x70];
	v12 =	vsel vm0, v8, v63  }
0x447: {  	s0 =	simm.s32 $0xE980;
	[tilespmem:s4+$0x0] =	vst v11;
	v8 =	vld.idx.msk [tilespmem:v62+s19+$0x0], $0xffff;
	vm0 =	vgt.s32 v12, v11  }
.LBB2_25:
0x448: {  	v13 =	vld [tilespmem:s0+$0xFFFFFF80];
	v11 =	vsel vm0, v12, v11  }
0x449: {  	s3 =	sadd.s32 $0x100, s3;
	[tilespmem:s4+$0x10] =	vst v4;
	vm0 =	vgt.s32 v11, v4;
	v5 =	vld.idx.msk [tilespmem:v5+s19+$0x0], $0xffff  }
0x44a: {  	p1 =	slt.u32 s3, $0x700;
	v12 =	vld [tilespmem:s0+$0xFFFFFF90];
	v4 =	vsel vm0, v11, v4  }
0x44b: {  	[tilespmem:s4+$0x20] =	vst v6;
	vm0 =	vgt.s32 v4, v6;
	v7 =	vld.idx.msk [tilespmem:v7+s19+$0x0], $0xffff  }
0x44c: {  	v11 =	vld [tilespmem:s0+$0xFFFFFFA0];
	v4 =	vsel vm0, v4, v6  }
0x44d: {  	[tilespmem:s4+$0x30] =	vst v8;
	vm0 =	vgt.s32 v4, v8;
	v6 =	vld.idx.msk [tilespmem:v9+s19+$0x0], $0xffff  }
0x44e: {  	v9 =	vld [tilespmem:s0+$0xFFFFFFB0];
	v4 =	vsel vm0, v4, v8  }
0x44f: {  	[tilespmem:s4+$0x40] =	vst v5;
	vm0 =	vgt.s32 v4, v5;
	v8 =	vld.idx.msk [tilespmem:v10+s19+$0x0], $0xffff  }
0x450: {  	v10 =	vld [tilespmem:s0+$0xFFFFFFC0];
	v4 =	vsel vm0, v4, v5  }
0x451: {  	v5 =	vld.idx.msk [tilespmem:v13+s19+$0x0], $0xffff;
	[tilespmem:s4+$0x50] =	vst v7;
	vm0 =	vgt.s32 v4, v7  }
0x452: {  	v13 =	vld [tilespmem:s0+$0xFFFFFFD0];
	v4 =	vsel vm0, v4, v7  }
0x453: {  	v7 =	vld.idx.msk [tilespmem:v12+s19+$0x0], $0xffff;
	[tilespmem:s4+$0x60] =	vst v6;
	vm0 =	vgt.s32 v4, v6  }
0x454: {  	v12 =	vld [tilespmem:s0+$0xFFFFFFE0];
	v4 =	vsel vm0, v4, v6  }
0x455: {  	v6 =	vld.idx.msk [tilespmem:v11+s19+$0x0], $0xffff;
	[tilespmem:s4+$0x70] =	vst v8;
	vm0 =	vgt.s32 v4, v8  }
0x456: {  	s4 =	sadd.s32 $0x100, s4;
	v11 =	vld [tilespmem:s0+$0xFFFFFFF0];
	v4 =	vsel vm0, v4, v8  }
0x457: {  	[tilespmem:s4+$0xFFFFFF80] =	vst v5;
	vm0 =	vgt.s32 v4, v5;
	v8 =	vld.idx.msk [tilespmem:v9+s19+$0x0], $0xffff  }
0x458: {  	v4 =	vsel vm0, v4, v5;
	v9 =	vld [tilespmem:s0+$0x0]  }
0x459: {  	[tilespmem:s4+$0xFFFFFF90] =	vst v7;
	vm0 =	vgt.s32 v4, v7;
	v5 =	vld.idx.msk [tilespmem:v10+s19+$0x0], $0xffff  }
0x45a: {  	v4 =	vsel vm0, v4, v7;
	v10 =	vld [tilespmem:s0+$0x10]  }
0x45b: {  	[tilespmem:s4+$0xFFFFFFA0] =	vst v6;
	vm0 =	vgt.s32 v4, v6;
	v7 =	vld.idx.msk [tilespmem:v13+s19+$0x0], $0xffff  }
0x45c: {  	v4 =	vsel vm0, v4, v6;
	v6 =	vld [tilespmem:s0+$0x20]  }
0x45d: {  	[tilespmem:s4+$0xFFFFFFB0] =	vst v8;
	vm0 =	vgt.s32 v4, v8;
	v12 =	vld.idx.msk [tilespmem:v12+s19+$0x0], $0xffff  }
0x45e: {  	v4 =	vsel vm0, v4, v8;
	v8 =	vld [tilespmem:s0+$0x30]  }
0x45f: {  	[tilespmem:s4+$0xFFFFFFC0] =	vst v5;
	vm0 =	vgt.s32 v4, v5;
	v13 =	vld.idx.msk [tilespmem:v11+s19+$0x0], $0xffff  }
0x460: {  	v4 =	vsel vm0, v4, v5;
	v5 =	vld [tilespmem:s0+$0x40]  }
0x461: {  	[tilespmem:s4+$0xFFFFFFD0] =	vst v7;
	vm0 =	vgt.s32 v4, v7;
	v11 =	vld.idx.msk [tilespmem:v9+s19+$0x0], $0xffff  }
0x462: {  	v9 =	vsel vm0, v4, v7;
	v7 =	vld [tilespmem:s0+$0x50]  }
.Ltmp11:
0x463: {  	[tilespmem:s4+$0xFFFFFFE0] =	vst v12;
	vm0 =	vgt.s32 v9, v12;
	v4 =	vld.idx.msk [tilespmem:v10+s19+$0x0], $0xffff;
	(pc) =	sbr.rel @p1 .LBB2_25-.Ltmp11, $4  }
0x464: {  	v10 =	vsel vm0, v9, v12;
	v9 =	vld [tilespmem:s0+$0x60]  }
0x465: {  	[tilespmem:s4+$0xFFFFFFF0] =	vst v13;
	vm0 =	vgt.s32 v10, v13;
	v6 =	vld.idx.msk [tilespmem:v6+s19+$0x0], $0xffff  }
0x466: {  	v12 =	vsel vm0, v10, v13;
	v10 =	vld [tilespmem:s0+$0x70]  }
0x467: {  	s0 =	sadd.s32 $0x100, s0;
	[tilespmem:s4+$0x0] =	vst v11;
	vm0 =	vgt.s32 v12, v11;
	v8 =	vld.idx.msk [tilespmem:v8+s19+$0x0], $0xffff  }
0x468: {  	_ =	sdelay $0x1  }
0x469: {  	v11 =	vsel vm0, v12, v11  }
0x46a: {  	vm0 =	vgt.s32 v11, v4  }
0x46b: {  	v5 =	vld.idx.msk [tilespmem:v5+s19+$0x0], $0xffff;
	v11 =	vsel vm0, v11, v4  }
0x46c: {  	vm0 =	vgt.s32 v11, v6  }
0x46d: {  	v7 =	vld.idx.msk [tilespmem:v7+s19+$0x0], $0xffff;
	v11 =	vsel vm0, v11, v6  }
0x46e: {  	vm0 =	vgt.s32 v11, v8  }
0x46f: {  	v9 =	vld.idx.msk [tilespmem:v9+s19+$0x0], $0xffff;
	v11 =	vsel vm0, v11, v8  }
0x470: {  	vm0 =	vgt.s32 v11, v5  }
0x471: {  	v10 =	vld.idx.msk [tilespmem:v10+s19+$0x0], $0xffff;
	v11 =	vsel vm0, v11, v5  }
0x472: {  	vm0 =	vgt.s32 v11, v7  }
0x473: {  	v11 =	vsel vm0, v11, v7  }
0x474: {  	vm0 =	vgt.s32 v11, v9  }
0x475: {  	v11 =	vsel vm0, v11, v9  }
0x476: {  	vm0 =	vgt.s32 v11, v10  }
0x477: {  	v11 =	vsel vm0, v11, v10  }
0x478: {  	v11 =	vxor.u32 $0x80000000, v11  }
0x479: {  	(xrf0) =	vmax.scan.msk.u32 $0xffff, v11;
	_ =	sdelay $0x5  }
0x47a: {  	v11, _, _ =	vpop (xrf0)  }
0x47b: {  	(v2sf) =	vpush v11, $0xF;
	_ =	sdelay $0x7  }
0x47c: {  	[tilespmem:s4+$0x10] =	vst v4  }
0x47d: {  	[tilespmem:s4+$0x20] =	vst v6  }
0x47e: {  	[tilespmem:s4+$0x30] =	vst v8  }
0x47f: {  	[tilespmem:s4+$0x40] =	vst v5  }
0x480: {  	[tilespmem:s4+$0x50] =	vst v7  }
0x481: {  	[tilespmem:s4+$0x60] =	vst v9  }
0x482: {  	s1 =	simm.s32 $0xF080;
	[tilespmem:s4+$0x70] =	vst v10  }
0x483: {  	v6 =	vld [tilespmem:s1+$0xFFFFFF80];
	s0 =	spop (v2sf)  }
0x484: {  	v10 =	vld [tilespmem:s1+$0xFFFFFF90];
	s0 =	sxor.u32 $0x80000000, s0  }
0x485: {  	v4 =	vmov s0  }
0x486: {  	v4 =	vcvt.s32.f32 v4;
	_ =	sdelay $0x1  }
0x487: {  	v12 =	vld [tilespmem:s1+$0xFFFFFFB0];
	v5 =	vbroadcast v4, $0x0  }
0x488: {  	v8 =	vcvt.s32.f32 v10;
	v11 =	vld [tilespmem:s1+$0xFFFFFFA0];
	v4 =	vcvt.s32.f32 v6  }
0x489: {  	v14 =	vld [tilespmem:s1+$0xFFFFFFC0];
	v7 =	vsub.f32 $0.0e+00, v5  }
0x48a: {  	v16 =	vld [tilespmem:s1+$0xFFFFFFD0];
	v4 =	vsub.f32 v4, v5;
	v15 =	vsub.f32 v8, v5  }
0x48b: {  	v17 =	vld [tilespmem:s1+$0xFFFFFFE0];
	v13 =	vmul.f32 $1.442695020e+00, v7  }
0x48c: {  	v18 =	vld [tilespmem:s1+$0x40];
	v4 =	vmul.f32 $1.442695020e+00, v4;
	v15 =	vmul.f32 $1.442695020e+00, v15  }
0x48d: {  	v19 =	vld [tilespmem:s1+$0xFFFFFFF0];
	(erf) = vpow2.f32 v13;
	v13 =	vcvt.s32.f32 v11  }
0x48e: {  	v20 =	vld [tilespmem:s1+$0x30];
	(erf) = vpow2.f32 v4;
	v4 =	vcvt.s32.f32 v12  }
0x48f: {  	v22 =	vld [tilespmem:s1+$0x0];
	v13 =	vsub.f32 v13, v5;
	(erf) = vpow2.f32 v15;
	v15 =	vcvt.s32.f32 v14  }
0x490: {  	s31 =	simm.s32 $0xF180;
	v24 =	vld [tilespmem:s1+$0x10];
	v21 =	vcvt.s32.f32 v16;
	v4 =	vsub.f32 v4, v5  }
0x491: {  	v35 =	vld [tilespmem:s31+$0xFFFFFFB0];
	v13 =	vmul.f32 $1.442695020e+00, v13;
	v15 =	vsub.f32 v15, v5  }
0x492: {  	v23 =	vcvt.s32.f32 v17;
	v25 =	vld.idx.msk [tilespmem:v6+s20+$0x0], $0xffff;
	v21 =	vsub.f32 v21, v5;
	v4 =	vmul.f32 $1.442695020e+00, v4  }
0x493: {  	v26 =	vld.idx.msk [tilespmem:v10+s20+$0x0], $0xffff;
	(erf) = vpow2.f32 v13;
	v15 =	vmul.f32 $1.442695020e+00, v15  }
0x494: {  	v6 =	vcvt.s32.f32 v19;
	v10 =	vmul.f32 $1.442695020e+00, v21;
	v21 =	vsub.f32 v23, v5;
	v13 =	vld [tilespmem:s1+$0x20]  }
0x495: {  	v37 =	vld [tilespmem:s31+$0xFFFFFFC0];
	v27 =	vcvt.s32.f32 v22;
	(erf) = vpow2.f32 v4  }
0x496: {  	v28 =	vld.idx.msk [tilespmem:v11+s20+$0x0], $0xffff;
	v23 =	vsub.f32 v6, v5;
	v11 =	vmul.f32 $1.442695020e+00, v21;
	v4 =	vpop (erf);
	(erf) = vpow2.f32 v15  }
0x497: {  	v30 =	vld.idx.msk [tilespmem:v12+s20+$0x0], $0xffff;
	v12 =	vsub.f32 v27, v5;
	v27 =	vcvt.s32.f32 v24;
	v15 =	vpop (erf);
	(erf) = vpow2.f32 v10  }
0x498: {  	s24 =	simm.s32 $0xF880;
	v38 =	vld [tilespmem:s31+$0xFFFFFFD0];
	v23 =	vmul.f32 $1.442695020e+00, v23;
	v21 =	vpop (erf);
	(erf) = vpow2.f32 v11;
	v11 =	vsub.f32 v15, v4  }
0x499: {  	v57 =	vld [tilespmem:s31+$0x20];
	v27 =	vsub.f32 v27, v5;
	v32 =	vcvt.s32.f32 v13;
	[tilespmem:s24+$0xFFFFFF90] =	vst v21;
	v21 =	vsub.f32 v21, v4  }
0x49a: {  	v29 =	vimm.f32 $0.0e+00;
	v9 =	vld [tilespmem:s1+$0x50];
	v12 =	vmul.f32 $1.442695020e+00, v12;
	v25 =	vmul.f32 v11, v25  }
0x49b: {  	v16 =	vld.idx.msk [tilespmem:v16+s20+$0x0], $0xffff;
	v27 =	vmul.f32 $1.442695020e+00, v27;
	v32 =	vsub.f32 v32, v5;
	v21 =	vmul.f32 v21, v26  }
0x49c: {  	v17 =	vld.idx.msk [tilespmem:v17+s20+$0x0], $0xffff;
	[tilespmem:s24+$0xFFFFFF80] =	vst v15;
	v15 =	vpop (erf);
	(erf) = vpow2.f32 v23;
	v23 =	vcvt.s32.f32 v20;
	v25 =	vadd.f32 v25, v29  }
0x49d: {  	v31 =	vcvt.s32.f32 v18;
	v7 =	vld [tilespmem:s1+$0x60];
	v29 =	vmul.f32 $1.442695020e+00, v32;
	[tilespmem:s24+$0xFFFFFFA0] =	vst v15;
	v15 =	vsub.f32 v15, v4  }
0x49e: {  	s25 =	simm.s32 $0xE880;
	v14 =	vld.idx.msk [tilespmem:v14+s20+$0x0], $0xffff;
	v33 =	vpop (erf);
	(erf) = vpow2.f32 v12;
	v23 =	vsub.f32 v23, v5;
	v21 =	vadd.f32 v21, v25  }
0x49f: {  	v11 =	vld [tilespmem:s25+$0xFFFFFFA0];
	v25 =	vsub.f32 v33, v4;
	v26 =	vpop (erf);
	(erf) = vpow2.f32 v27;
	v15 =	vmul.f32 v15, v28  }
0x4a0: {  	v22 =	vld.idx.msk [tilespmem:v22+s20+$0x0], $0xffff;
	[tilespmem:s24+$0xFFFFFFC0] =	vst v26;
	v27 =	vpop (erf);
	v23 =	vmul.f32 $1.442695020e+00, v23;
	(erf) = vpow2.f32 v29;
	v26 =	vsub.f32 v26, v4  }
0x4a1: {  	v8 =	vld [tilespmem:s1+$0x70];
	v15 =	vadd.f32 v15, v21;
	v21 =	vmul.f32 v25, v30;
	v25 =	vsub.f32 v31, v5  }
0x4a2: {  	v29 =	vpop (erf);
	(erf) = vpow2.f32 v23;
	v23 =	vld.idx.msk [tilespmem:v24+s20+$0x0], $0xffff;
	v24 =	vcvt.s32.f32 v9  }
0x4a3: {  	v18 =	vld.idx.msk [tilespmem:v18+s20+$0x0], $0xffff;
	v14 =	vmul.f32 v26, v14;
	v15 =	vadd.f32 v21, v15;
	v21 =	vmul.f32 $1.442695020e+00, v25  }
0x4a4: {  	v19 =	vld.idx.msk [tilespmem:v19+s20+$0x0], $0xffff;
	[tilespmem:s24+$0xFFFFFFD0] =	vst v27;
	v26 =	vsub.f32 v27, v4;
	v27 =	vcvt.s32.f32 v7  }
0x4a5: {  	v6 =	vld [tilespmem:s25+$0xFFFFFF80];
	v24 =	vsub.f32 v24, v5;
	v25 =	vpop (erf);
	(erf) = vpow2.f32 v21;
	v14 =	vadd.f32 v14, v15  }
0x4a6: {  	v15 =	vmul.f32 v26, v16;
	v16 =	vld.idx.msk [tilespmem:v20+s20+$0x0], $0xffff;
	v20 =	vcvt.s32.f32 v8;
	v26 =	vsub.f32 v29, v4  }
0x4a7: {  	v13 =	vld.idx.msk [tilespmem:v13+s20+$0x0], $0xffff;
	v27 =	vsub.f32 v27, v5;
	v24 =	vmul.f32 $1.442695020e+00, v24;
	[tilespmem:v11+s19+$0x0] =	vst.idx.msk $0xffff, v1;
	v11 =	vcvt.s32.f32 v37  }
0x4a8: {  	v30 =	vld [tilespmem:s25+$0xFFFFFFD0];
	[tilespmem:s24+$0xFFFFFFE0] =	vst v29;
	v21 =	vpop (erf);
	v14 =	vadd.f32 v15, v14;
	v15 =	vmul.f32 v26, v17;
	v20 =	vsub.f32 v20, v5  }
0x4a9: {  	v9 =	vld.idx.msk [tilespmem:v9+s20+$0x0], $0xffff;
	[tilespmem:s24+$0xFFFFFFF0] =	vst v25;
	v25 =	vsub.f32 v25, v4;
	v17 =	vmul.f32 $1.442695020e+00, v27;
	v29 =	vpop (erf);
	(erf) = vpow2.f32 v24  }
0x4aa: {  	v31 =	vld [tilespmem:s25+$0xFFFFFFE0];
	[tilespmem:s24+$0x0] =	vst v21;
	v21 =	vsub.f32 v21, v4;
	v14 =	vadd.f32 v15, v14;
	v15 =	vmul.f32 $1.442695020e+00, v20  }
0x4ab: {  	v8 =	vld.idx.msk [tilespmem:v8+s20+$0x0], $0xffff;
	v19 =	vmul.f32 v25, v19;
	v26 =	vpop (erf);
	(erf) = vpow2.f32 v17  }
0x4ac: {  	[tilespmem:s24+$0x10] =	vst v29;
	(erf) = vpow2.f32 v15;
	v15 =	vmul.f32 v21, v22;
	v22 =	vld [tilespmem:s31+$0xFFFFFF80]  }
0x4ad: {  	v27 =	vld [tilespmem:s25+$0x10];
	v14 =	vadd.f32 v19, v14;
	v19 =	vsub.f32 v29, v4  }
0x4ae: {  	[tilespmem:s24+$0xFFFFFFB0] =	vst v33;
	v25 =	vld [tilespmem:s31+$0xFFFFFF90];
	v11 =	vsub.f32 v11, v5  }
0x4af: {  	v10 =	vld [tilespmem:s25+$0xFFFFFF90];
	[tilespmem:s24+$0x20] =	vst v26;
	v17 =	vpop (erf);
	v14 =	vadd.f32 v15, v14;
	v15 =	vmul.f32 v19, v23;
	v19 =	vsub.f32 v26, v4  }
0x4b0: {  	[tilespmem:v30+s19+$0x0] =	vst.idx.msk $0xffff, v1;
	v26 =	vld [tilespmem:s31+$0xFFFFFFA0];
	v21 =	vpop (erf)  }
0x4b1: {  	v11 =	vmul.f32 $1.442695020e+00, v11;
	v20 =	vld [tilespmem:s25+$0x20];
	[tilespmem:s24+$0x40] =	vst v21;
	v21 =	vsub.f32 v21, v4;
	v34 =	vcvt.s32.f32 v22  }
0x4b2: {  	v12 =	vld [tilespmem:s25+$0xFFFFFFB0];
	[tilespmem:s24+$0x30] =	vst v17;
	v17 =	vsub.f32 v17, v4;
	v14 =	vadd.f32 v15, v14;
	v15 =	vmul.f32 v19, v13  }
0x4b3: {  	v28 =	vld [tilespmem:s25+$0xFFFFFFC0];
	[tilespmem:v31+s19+$0x0] =	vst.idx.msk $0xffff, v1;
	v55 =	vcvt.s32.f32 v25;
	v19 =	vpop (erf);
	v18 =	vmul.f32 v21, v18;
	v21 =	vsub.f32 v34, v5  }
0x4b4: {  	v30 =	vld [tilespmem:s31+$0x0];
	v17 =	vmul.f32 v17, v16;
	v14 =	vadd.f32 v15, v14;
	v29 =	vpop (erf);
	v16 =	vsub.f32 v19, v4;
	[tilespmem:s24+$0x50] =	vst v19  }
0x4b5: {  	v7 =	vld.idx.msk [tilespmem:v7+s20+$0x0], $0xffff;
	v34 =	vsub.f32 v55, v5;
	v56 =	vcvt.s32.f32 v26;
	[tilespmem:v27+s19+$0x0] =	vst.idx.msk $0xffff, v1;
	v19 =	vpop (erf);
	v21 =	vmul.f32 $1.442695020e+00, v21  }
0x4b6: {  	v31 =	vld [tilespmem:s31+$0x10];
	v27 =	vcvt.s32.f32 v57;
	v36 =	vsub.f32 v29, v4;
	[tilespmem:s24+$0x60] =	vst v29;
	v29 =	vsub.f32 v19, v4  }
0x4b7: {  	[tilespmem:v10+s19+$0x0] =	vst.idx.msk $0xffff, v1;
	v24 =	vld [tilespmem:s25+$0x30];
	v14 =	vadd.f32 v17, v14;
	v10 =	vmul.f32 $1.442695020e+00, v34;
	(erf) = vpow2.f32 v21  }
0x4b8: {  	[tilespmem:v6+s19+$0x0] =	vst.idx.msk $0xffff, v1;
	v13 =	vld [tilespmem:s31+$0x50];
	v17 =	vsub.f32 v56, v5;
	v6 =	vmul.f32 v29, v8;
	v8 =	vcvt.s32.f32 v35  }
0x4b9: {  	[tilespmem:v20+s19+$0x0] =	vst.idx.msk $0xffff, v1;
	v20 =	vcvt.s32.f32 v30;
	v9 =	vmul.f32 v16, v9;
	v14 =	vadd.f32 v18, v14;
	v29 =	vld [tilespmem:s31+$0xFFFFFFE0]  }
0x4ba: {  	[tilespmem:v12+s19+$0x0] =	vst.idx.msk $0xffff, v1;
	v12 =	vmul.f32 $1.442695020e+00, v17;
	v17 =	vld [tilespmem:s31+$0xFFFFFFF0];
	(erf) = vpow2.f32 v10;
	v8 =	vsub.f32 v8, v5  }
0x4bb: {  	v23 =	vld [tilespmem:s25+$0x40];
	v7 =	vmul.f32 v36, v7;
	v9 =	vadd.f32 v9, v14;
	v10 =	vcvt.s32.f32 v38  }
0x4bc: {  	v15 =	vld [tilespmem:s31+$0x60];
	(erf) = vpow2.f32 v12;
	v8 =	vmul.f32 $1.442695020e+00, v8  }
0x4bd: {  	v61 =	vld.idx.msk [tilespmem:v37+s20+$0x0], $0xffff;
	v18 =	vcvt.s32.f32 v13;
	v7 =	vadd.f32 v7, v9;
	v10 =	vsub.f32 v10, v5  }
0x4be: {  	[tilespmem:s24+$0x70] =	vst v19;
	v19 =	vld [tilespmem:s31+$0x40];
	v20 =	vsub.f32 v20, v5;
	v9 =	vcvt.s32.f32 v29;
	(erf) = vpow2.f32 v8  }
0x4bf: {  	v12 =	vld.idx.msk [tilespmem:v22+s20+$0x0], $0xffff;
	v10 =	vmul.f32 $1.442695020e+00, v10;
	v8 =	vadd.f32 v6, v7;
	v7 =	vcvt.s32.f32 v17  }
0x4c0: {  	v53 =	vld [tilespmem:s25+$0xFFFFFFF0];
	[tilespmem:v24+s19+$0x0] =	vst.idx.msk $0xffff, v1;
	v24 =	vcvt.s32.f32 v31;
	v9 =	vsub.f32 v9, v5;
	(erf) = vpow2.f32 v11  }
0x4c1: {  	[tilespmem:v28+s19+$0x0] =	vst.idx.msk $0xffff, v1;
	v25 =	vld.idx.msk [tilespmem:v25+s20+$0x0], $0xffff;
	v28 =	vcvt.s32.f32 v15;
	v20 =	vmul.f32 $1.442695020e+00, v20;
	v11 =	vsub.f32 v7, v5;
	v58 =	vpop (erf)  }
0x4c2: {  	v21 =	vld [tilespmem:s31+$0x30];
	(erf) = vpow2.f32 v10;
	v32 =	vsub.f32 v58, v4;
	v59 =	vmul.f32 $1.442695020e+00, v9  }
0x4c3: {  	v26 =	vld.idx.msk [tilespmem:v26+s20+$0x0], $0xffff;
	[tilespmem:v23+s19+$0x0] =	vst.idx.msk $0xffff, v1;
	v23 =	vsub.f32 v24, v5;
	v14 =	vcvt.s32.f32 v19;
	v10 =	vpop (erf);
	v11 =	vmul.f32 $1.442695020e+00, v11  }
0x4c4: {  	v54 =	vld [tilespmem:s25+$0x0];
	v60 =	vsub.f32 v10, v4;
	v12 =	vmul.f32 v32, v12;
	(erf) = vpow2.f32 v59  }
0x4c5: {  	v35 =	vld.idx.msk [tilespmem:v35+s20+$0x0], $0xffff;
	v23 =	vmul.f32 $1.442695020e+00, v23;
	v24 =	vpop (erf);
	(erf) = vpow2.f32 v11  }
0x4c6: {  	s3 =	simm.s32 $0xF980;
	v16 =	vld [tilespmem:s31+$0x70];
	v11 =	vadd.f32 v12, v8;
	v12 =	vmul.f32 v60, v25;
	v25 =	vsub.f32 v24, v4  }
0x4c7: {  	v13 =	vld.idx.msk [tilespmem:v13+s20+$0x0], $0xffff;
	v22 =	vcvt.s32.f32 v21;
	[tilespmem:s3+$0xFFFFFFA0] =	vst v24;
	v24 =	vsub.f32 v27, v5;
	v27 =	vpop (erf);
	(erf) = vpow2.f32 v20  }
0x4c8: {  	v15 =	vld.idx.msk [tilespmem:v15+s20+$0x0], $0xffff;
	v12 =	vadd.f32 v12, v11;
	v20 =	vmul.f32 v25, v26;
	v25 =	vsub.f32 v27, v4  }
0x4c9: {  	v22 =	vsub.f32 v22, v5;
	v26 =	vld.idx.msk [tilespmem:v38+s20+$0x0], $0xffff;
	v24 =	vmul.f32 $1.442695020e+00, v24;
	[tilespmem:s3+$0xFFFFFFB0] =	vst v27;
	v27 =	vpop (erf);
	(erf) = vpow2.f32 v23  }
0x4ca: {  	v6 =	vld [tilespmem:s25+$0x50];
	v20 =	vadd.f32 v20, v12;
	v23 =	vmul.f32 v25, v35;
	v25 =	vsub.f32 v27, v4  }
0x4cb: {  	v29 =	vld.idx.msk [tilespmem:v29+s20+$0x0], $0xffff;
	v22 =	vmul.f32 $1.442695020e+00, v22;
	v62 =	vpop (erf);
	(erf) = vpow2.f32 v24  }
0x4cc: {  	v7 =	vld [tilespmem:s25+$0x60];
	[tilespmem:s3+$0xFFFFFF80] =	vst v58;
	v24 =	vsub.f32 v62, v4;
	v20 =	vadd.f32 v23, v20;
	v23 =	vmul.f32 v25, v61  }
0x4cd: {  	s1 =	simm.s32 $0xE980;
	v18 =	vsub.f32 v18, v5;
	[tilespmem:s3+$0xFFFFFFC0] =	vst v27;
	v27 =	vsub.f32 v14, v5;
	v25 =	vld.idx.msk [tilespmem:v17+s20+$0x0], $0xffff;
	v63 =	vpop (erf);
	(erf) = vpow2.f32 v22  }
0x4ce: {  	v9 =	vld [tilespmem:s1+$0xFFFFFF80];
	v22 =	vmul.f32 v24, v26;
	v20 =	vadd.f32 v23, v20;
	v23 =	vsub.f32 v63, v4  }
0x4cf: {  	v28 =	vsub.f32 v28, v5;
	[tilespmem:s3+$0xFFFFFF90] =	vst v10;
	v27 =	vmul.f32 $1.442695020e+00, v27;
	v24 =	vld.idx.msk [tilespmem:v30+s20+$0x0], $0xffff;
	v30 =	vmul.f32 $1.442695020e+00, v18;
	v26 =	vpop (erf)  }
0x4d0: {  	v10 =	vld [tilespmem:s1+$0xFFFFFF90];
	v20 =	vadd.f32 v22, v20;
	v22 =	vmul.f32 v23, v29;
	v23 =	vsub.f32 v26, v4  }
0x4d1: {  	v8 =	vld [tilespmem:s25+$0x70];
	(erf) = vpow2.f32 v27;
	[tilespmem:s3+$0xFFFFFFF0] =	vst v26;
	v26 =	vmul.f32 $1.442695020e+00, v28  }
0x4d2: {  	v11 =	vld [tilespmem:s1+$0xFFFFFFA0];
	v29 =	vpop (erf);
	(erf) = vpow2.f32 v30;
	v22 =	vadd.f32 v22, v20;
	v23 =	vmul.f32 v23, v25  }
0x4d3: {  	v27 =	vld.idx.msk [tilespmem:v31+s20+$0x0], $0xffff;
	v30 =	vpop (erf);
	v25 =	vsub.f32 v29, v4;
	(erf) = vpow2.f32 v26;
	v26 =	vcvt.s32.f32 v16  }
0x4d4: {  	v28 =	vld.idx.msk [tilespmem:v57+s20+$0x0], $0xffff;
	[tilespmem:s3+$0x10] =	vst v30;
	v22 =	vadd.f32 v23, v22  }
0x4d5: {  	v23 =	vmul.f32 v25, v24;
	v24 =	vsub.f32 v30, v4;
	v30 =	vld.idx.msk [tilespmem:v19+s20+$0x0], $0xffff;
	v19 =	vsub.f32 v26, v5  }
0x4d6: {  	v12 =	vld [tilespmem:s1+$0xFFFFFFB0];
	[tilespmem:s3+$0xFFFFFFD0] =	vst v62  }
0x4d7: {  	v14 =	vld [tilespmem:s1+$0xFFFFFFC0];
	[tilespmem:s3+$0x0] =	vst v29;
	v29 =	vpop (erf);
	v19 =	vmul.f32 $1.442695020e+00, v19  }
0x4d8: {  	v17 =	vld [tilespmem:s1+$0xFFFFFFD0];
	v22 =	vadd.f32 v23, v22;
	v24 =	vmul.f32 v24, v27;
	v27 =	vsub.f32 v29, v4  }
0x4d9: {  	[tilespmem:s3+$0xFFFFFFE0] =	vst v63;
	v25 =	vld.idx.msk [tilespmem:v21+s20+$0x0], $0xffff;
	(erf) = vpow2.f32 v19  }
0x4da: {  	v18 =	vld [tilespmem:s1+$0xFFFFFFE0];
	v22 =	vadd.f32 v24, v22;
	v27 =	vmul.f32 v27, v28  }
0x4db: {  	v20 =	vld [tilespmem:s1+$0xFFFFFFF0];
	v26 =	vpop (erf)  }
0x4dc: {  	[tilespmem:v53+s19+$0x0] =	vst.idx.msk $0xffff, v1;
	v16 =	vld.idx.msk [tilespmem:v16+s20+$0x0], $0xffff;
	v28 =	vsub.f32 v26, v4;
	v22 =	vadd.f32 v27, v22  }
0x4dd: {  	[tilespmem:s3+$0x20] =	vst v29;
	v21 =	vld [tilespmem:s1+$0x0];
	v29 =	vpop (erf)  }
0x4de: {  	v23 =	vld [tilespmem:s1+$0x10];
	[tilespmem:s3+$0x30] =	vst v26;
	v26 =	vmul.f32 v28, v25;
	v27 =	vsub.f32 v29, v4  }
0x4df: {  	[tilespmem:v54+s19+$0x0] =	vst.idx.msk $0xffff, v1;
	v24 =	vld [tilespmem:s1+$0x20];
	v19 =	vpop (erf)  }
0x4e0: {  	s6 =	simm.s32 $0x100;
	s7 =	simm.s32 $0xF280;
	s4 =	simm.s32 $0xE980;
	[tilespmem:s3+$0x40] =	vst v29;
	v25 =	vld [tilespmem:s1+$0x30];
	v28 =	vsub.f32 v19, v4;
	v26 =	vadd.f32 v26, v22;
	v27 =	vmul.f32 v27, v30;
	v22 =	vpop (erf)  }
.LBB2_27:
0x4e1: {  	v29 =	vld [tilespmem:s7+$0xFFFFFF80];
	s6 =	sadd.s32 $0x100, s6;
	[tilespmem:s3+$0x50] =	vst v19  }
0x4e2: {  	p1 =	slt.u32 s6, $0x700;
	v30 =	vld [tilespmem:s1+$0x40];
	v19 =	vadd.f32 v27, v26;
	v26 =	vmul.f32 v28, v13;
	[tilespmem:s3+$0x60] =	vst v22;
	v22 =	vsub.f32 v22, v4;
	v27 =	vpop (erf)  }
0x4e3: {  	v28 =	vld [tilespmem:s7+$0xFFFFFF90];
	[tilespmem:s3+$0x70] =	vst v27  }
0x4e4: {  	v13 =	vld [tilespmem:s7+$0x50];
	v19 =	vadd.f32 v26, v19;
	v15 =	vmul.f32 v22, v15;
	v22 =	vsub.f32 v27, v4  }
0x4e5: {  	v26 =	vld [tilespmem:s7+$0xFFFFFFA0];
	[tilespmem:v9+s19+$0x0] =	vst.idx.msk $0xffff, v1  }
0x4e6: {  	v9 =	vcvt.s32.f32 v29;
	v27 =	vld [tilespmem:s7+$0xFFFFFFB0];
	[tilespmem:v10+s19+$0x0] =	vst.idx.msk $0xffff, v1;
	v10 =	vadd.f32 v15, v19;
	v16 =	vmul.f32 v22, v16  }
0x4e7: {  	v15 =	vld [tilespmem:s7+$0x60];
	[tilespmem:v11+s19+$0x0] =	vst.idx.msk $0xffff, v1  }
0x4e8: {  	v9 =	vsub.f32 v9, v5;
	v11 =	vcvt.s32.f32 v28;
	v31 =	vld [tilespmem:s7+$0xFFFFFFC0];
	[tilespmem:v12+s19+$0x0] =	vst.idx.msk $0xffff, v1;
	v12 =	vadd.f32 v16, v10  }
0x4e9: {  	v16 =	vld [tilespmem:s7+$0x70];
	[tilespmem:v14+s19+$0x0] =	vst.idx.msk $0xffff, v1  }
0x4ea: {  	v9 =	vmul.f32 $1.442695020e+00, v9;
	v10 =	vsub.f32 v11, v5;
	v11 =	vcvt.s32.f32 v26;
	v14 =	vld [tilespmem:s7+$0xFFFFFFD0];
	[tilespmem:v17+s19+$0x0] =	vst.idx.msk $0xffff, v1  }
0x4eb: {  	v17 =	vcvt.s32.f32 v13;
	v32 =	vcvt.s32.f32 v27;
	v19 =	vld [tilespmem:s7+$0x40];
	[tilespmem:v18+s19+$0x0] =	vst.idx.msk $0xffff, v1  }
0x4ec: {  	v10 =	vmul.f32 $1.442695020e+00, v10;
	v11 =	vsub.f32 v11, v5;
	v33 =	vld [tilespmem:s7+$0xFFFFFFE0];
	(erf) = vpow2.f32 v9;
	[tilespmem:v20+s19+$0x0] =	vst.idx.msk $0xffff, v1  }
0x4ed: {  	v18 =	vcvt.s32.f32 v15;
	v9 =	vcvt.s32.f32 v31;
	v22 =	vld [tilespmem:s7+$0x30];
	[tilespmem:v21+s19+$0x0] =	vst.idx.msk $0xffff, v1  }
0x4ee: {  	v32 =	vsub.f32 v32, v5;
	v11 =	vmul.f32 $1.442695020e+00, v11;
	v34 =	vld [tilespmem:s7+$0xFFFFFFF0];
	(erf) = vpow2.f32 v10;
	[tilespmem:v23+s19+$0x0] =	vst.idx.msk $0xffff, v1  }
0x4ef: {  	v21 =	vcvt.s32.f32 v16;
	v10 =	vcvt.s32.f32 v14;
	v20 =	vld [tilespmem:s7+$0x20];
	[tilespmem:v24+s19+$0x0] =	vst.idx.msk $0xffff, v1  }
0x4f0: {  	v23 =	vmul.f32 $1.442695020e+00, v32;
	v9 =	vsub.f32 v9, v5;
	v24 =	vld [tilespmem:s7+$0x0];
	(erf) = vpow2.f32 v11;
	[tilespmem:v25+s19+$0x0] =	vst.idx.msk $0xffff, v1  }
0x4f1: {  	v32 =	vcvt.s32.f32 v19;
	v11 =	vcvt.s32.f32 v33;
	v25 =	vld [tilespmem:s7+$0x10];
	[tilespmem:v30+s19+$0x0] =	vst.idx.msk $0xffff, v1  }
0x4f2: {  	v36 =	vmul.f32 $1.442695020e+00, v9;
	v10 =	vsub.f32 v10, v5;
	v29 =	vld.idx.msk [tilespmem:v29+s20+$0x0], $0xffff;
	(erf) = vpow2.f32 v23;
	[tilespmem:v6+s19+$0x0] =	vst.idx.msk $0xffff, v1  }
0x4f3: {  	v30 =	vcvt.s32.f32 v22;
	v23 =	vcvt.s32.f32 v34;
	v6 =	vld [tilespmem:s1+$0x50];
	[tilespmem:v7+s19+$0x0] =	vst.idx.msk $0xffff, v1  }
0x4f4: {  	v38 =	vmul.f32 $1.442695020e+00, v10;
	v11 =	vsub.f32 v11, v5;
	v28 =	vld.idx.msk [tilespmem:v28+s20+$0x0], $0xffff;
	(erf) = vpow2.f32 v36;
	[tilespmem:v8+s19+$0x0] =	vst.idx.msk $0xffff, v1  }
0x4f5: {  	s3 =	sadd.s32 $0x100, s3;
	v35 =	vcvt.s32.f32 v20;
	v8 =	vsub.f32 v23, v5;
	v23 =	vcvt.s32.f32 v24;
	v9 =	vpop (erf);
	v7 =	vld [tilespmem:s1+$0x60]  }
0x4f6: {  	v11 =	vmul.f32 $1.442695020e+00, v11;
	s1 =	sadd.s32 $0x100, s1;
	[tilespmem:s3+$0xFFFFFF80] =	vst v9;
	v36 =	vsub.f32 v9, v4;
	v26 =	vld.idx.msk [tilespmem:v26+s20+$0x0], $0xffff;
	(erf) = vpow2.f32 v38  }
0x4f7: {  	v38 =	vcvt.s32.f32 v25;
	v9 =	vld [tilespmem:s1+$0xFFFFFF80];
	v8 =	vmul.f32 $1.442695020e+00, v8;
	v23 =	vsub.f32 v23, v5;
	v10 =	vpop (erf)  }
0x4f8: {  	v29 =	vmul.f32 v36, v29;
	[tilespmem:s3+$0xFFFFFF90] =	vst v10;
	v39 =	vsub.f32 v10, v4;
	v27 =	vld.idx.msk [tilespmem:v27+s20+$0x0], $0xffff;
	(erf) = vpow2.f32 v11  }
0x4f9: {  	v10 =	vld [tilespmem:s1+$0xFFFFFF90];
	v11 =	vmul.f32 $1.442695020e+00, v23;
	v23 =	vsub.f32 v38, v5;
	v37 =	vpop (erf);
	(erf) = vpow2.f32 v8  }
0x4fa: {  	v12 =	vadd.f32 v29, v12;
	v28 =	vmul.f32 v39, v28;
	v29 =	vsub.f32 v37, v4;
	v31 =	vld.idx.msk [tilespmem:v31+s20+$0x0], $0xffff  }
0x4fb: {  	[tilespmem:s3+$0xFFFFFFA0] =	vst v37;
	v23 =	vmul.f32 $1.442695020e+00, v23;
	v37 =	vsub.f32 v35, v5;
	v36 =	vpop (erf);
	(erf) = vpow2.f32 v11;
	v8 =	vld [tilespmem:s4+$0x70];
	s4 =	smov.u32 s1  }
0x4fc: {  	v12 =	vadd.f32 v28, v12;
	v26 =	vmul.f32 v29, v26;
	v28 =	vsub.f32 v36, v4;
	v29 =	vld.idx.msk [tilespmem:v14+s20+$0x0], $0xffff  }
0x4fd: {  	v30 =	vsub.f32 v30, v5;
	v11 =	vld [tilespmem:s1+$0xFFFFFFA0];
	[tilespmem:s3+$0xFFFFFFB0] =	vst v36;
	v14 =	vmul.f32 $1.442695020e+00, v37;
	v35 =	vpop (erf);
	(erf) = vpow2.f32 v23  }
0x4fe: {  	v23 =	vadd.f32 v26, v12;
	v26 =	vmul.f32 v28, v27;
	v27 =	vsub.f32 v35, v4;
	v28 =	vld.idx.msk [tilespmem:v33+s20+$0x0], $0xffff  }
0x4ff: {  	v32 =	vsub.f32 v32, v5;
	v30 =	vmul.f32 $1.442695020e+00, v30;
	v12 =	vld [tilespmem:s1+$0xFFFFFFB0];
	[tilespmem:s3+$0xFFFFFFC0] =	vst v35;
	v33 =	vpop (erf);
	(erf) = vpow2.f32 v14  }
0x500: {  	v23 =	vadd.f32 v26, v23;
	v26 =	vmul.f32 v27, v31;
	v27 =	vsub.f32 v33, v4;
	v31 =	vld.idx.msk [tilespmem:v34+s20+$0x0], $0xffff  }
0x501: {  	v32 =	vmul.f32 $1.442695020e+00, v32;
	v14 =	vld [tilespmem:s1+$0xFFFFFFC0];
	[tilespmem:s3+$0xFFFFFFD0] =	vst v33;
	v33 =	vsub.f32 v17, v5;
	v34 =	vpop (erf);
	(erf) = vpow2.f32 v30  }
0x502: {  	v23 =	vadd.f32 v26, v23;
	v26 =	vmul.f32 v27, v29;
	v27 =	vsub.f32 v34, v4;
	v24 =	vld.idx.msk [tilespmem:v24+s20+$0x0], $0xffff;
	v29 =	vpop (erf)  }
0x503: {  	v17 =	vld [tilespmem:s1+$0xFFFFFFD0];
	[tilespmem:s3+$0xFFFFFFE0] =	vst v34;
	v30 =	vmul.f32 $1.442695020e+00, v33;
	v33 =	vsub.f32 v18, v5;
	(erf) = vpow2.f32 v32  }
0x504: {  	v23 =	vadd.f32 v26, v23;
	v26 =	vmul.f32 v27, v28;
	v27 =	vsub.f32 v29, v4;
	v25 =	vld.idx.msk [tilespmem:v25+s20+$0x0], $0xffff;
	v28 =	vpop (erf)  }
0x505: {  	v21 =	vsub.f32 v21, v5;
	v18 =	vld [tilespmem:s1+$0xFFFFFFE0];
	[tilespmem:s3+$0xFFFFFFF0] =	vst v29;
	v29 =	vmul.f32 $1.442695020e+00, v33;
	(erf) = vpow2.f32 v30  }
0x506: {  	v32 =	vsub.f32 v28, v4;
	v23 =	vadd.f32 v26, v23;
	v26 =	vmul.f32 v27, v31;
	v30 =	vld.idx.msk [tilespmem:v20+s20+$0x0], $0xffff;
	v31 =	vpop (erf)  }
0x507: {  	v20 =	vld [tilespmem:s1+$0xFFFFFFF0];
	[tilespmem:s3+$0x0] =	vst v28;
	v28 =	vmul.f32 $1.442695020e+00, v21;
	(erf) = vpow2.f32 v29  }
0x508: {  	v24 =	vmul.f32 v32, v24;
	v23 =	vadd.f32 v26, v23;
	v26 =	vsub.f32 v31, v4;
	v22 =	vld.idx.msk [tilespmem:v22+s20+$0x0], $0xffff;
	v27 =	vpop (erf)  }
0x509: {  	v21 =	vld [tilespmem:s1+$0x0];
	[tilespmem:s3+$0x10] =	vst v31;
	(erf) = vpow2.f32 v28  }
0x50a: {  	v24 =	vadd.f32 v24, v23;
	v25 =	vmul.f32 v26, v25;
	v26 =	vsub.f32 v27, v4;
	v28 =	vld.idx.msk [tilespmem:v19+s20+$0x0], $0xffff;
	v19 =	vpop (erf)  }
0x50b: {  	v23 =	vld [tilespmem:s1+$0x10];
	[tilespmem:s3+$0x20] =	vst v27  }
.Ltmp12:
0x50c: {  	v27 =	vsub.f32 v19, v4;
	v25 =	vadd.f32 v25, v24;
	v26 =	vmul.f32 v26, v30;
	v13 =	vld.idx.msk [tilespmem:v13+s20+$0x0], $0xffff;
	v29 =	vpop (erf);
	(pc) =	sbr.rel @p1 .LBB2_27-.Ltmp12, $4  }
0x50d: {  	v24 =	vld [tilespmem:s1+$0x20];
	[tilespmem:s3+$0x30] =	vst v19  }
0x50e: {  	v30 =	vmul.f32 v27, v22;
	v27 =	vsub.f32 v29, v4;
	v26 =	vadd.f32 v26, v25;
	v15 =	vld.idx.msk [tilespmem:v15+s20+$0x0], $0xffff;
	v19 =	vpop (erf)  }
0x50f: {  	v25 =	vld [tilespmem:s1+$0x30];
	[tilespmem:s3+$0x40] =	vst v29  }
0x510: {  	s7 =	sadd.s32 $0x100, s7;
	v27 =	vmul.f32 v27, v28;
	v28 =	vsub.f32 v19, v4;
	v26 =	vadd.f32 v30, v26;
	v16 =	vld.idx.msk [tilespmem:v16+s20+$0x0], $0xffff;
	v22 =	vpop (erf)  }
0x511: {  	_ = 	snop  }
0x512: {  	v62 =	vsub.f32 v22, v4;
	v5 =	vadd.f32 v27, v26;
	v13 =	vmul.f32 v28, v13  }
0x513: {  	v63 =	vpop (erf)  }
0x514: {  	v5 =	vadd.f32 v13, v5;
	v13 =	vmul.f32 v62, v15;
	v15 =	vsub.f32 v63, v4;
	_ =	sdelay $0x1  }
0x515: {  	v5 =	vadd.f32 v13, v5;
	v13 =	vmul.f32 v15, v16;
	_ =	sdelay $0x1  }
0x516: {  	v5 =	vadd.f32 v13, v5;
	_ =	sdelay $0x1  }
0x517: {  	(xrf2) =	vadd.scan.msk.f32 $0xffff, v5;
	_ =	sdelay $0x2  }
0x518: {  	[tilespmem:s3+$0x50] =	vst v19  }
0x519: {  	[tilespmem:s3+$0x60] =	vst v22  }
0x51a: {  	[tilespmem:v9+s19+$0x0] =	vst.idx.msk $0xffff, v1  }
0x51b: {  	[tilespmem:v10+s19+$0x0] =	vst.idx.msk $0xffff, v1  }
0x51c: {  	[tilespmem:v11+s19+$0x0] =	vst.idx.msk $0xffff, v1  }
0x51d: {  	[tilespmem:v12+s19+$0x0] =	vst.idx.msk $0xffff, v1  }
0x51e: {  	[tilespmem:v14+s19+$0x0] =	vst.idx.msk $0xffff, v1  }
0x51f: {  	[tilespmem:v17+s19+$0x0] =	vst.idx.msk $0xffff, v1;
	v9, _, _ =	vpop (xrf2)  }
0x520: {  	v10 =	vmul.f32 $1.638400000e+04, v4;
	[tilespmem:v18+s19+$0x0] =	vst.idx.msk $0xffff, v1;
	v9 =	vbroadcast v9, $0xF  }
0x521: {  	[tilespmem:v20+s19+$0x0] =	vst.idx.msk $0xffff, v1  }
0x522: {  	[tilespmem:v21+s19+$0x0] =	vst.idx.msk $0xffff, v1;
	v11 =	vld [tilespmem:s1+$0x60];
	v9 =	vadd.f32 v9, v10  }
0x523: {  	[tilespmem:v23+s19+$0x0] =	vst.idx.msk $0xffff, v1;
	v5 =	vld [tilespmem:s1+$0x40]  }
0x524: {  	[tilespmem:s3+$0x70] =	vst v63;
	v10 =	vld [tilespmem:s1+$0x50];
	(erf) = vrcp.f32 v9  }
0x525: {  	[tilespmem:v6+s19+$0x0] =	vst.idx.msk $0xffff, v1;
	v9 =	vld [tilespmem:s4+$0x70]  }
0x526: {  	[tilespmem:v7+s19+$0x0] =	vst.idx.msk $0xffff, v1  }
0x527: {  	[tilespmem:v8+s19+$0x0] =	vst.idx.msk $0xffff, v1  }
0x528: {  	[tilespmem:v24+s19+$0x0] =	vst.idx.msk $0xffff, v1  }
0x529: {  	[tilespmem:v25+s19+$0x0] =	vst.idx.msk $0xffff, v1  }
0x52a: {  	[tilespmem:v11+s19+$0x0] =	vst.idx.msk $0xffff, v1  }
0x52b: {  	[tilespmem:v5+s19+$0x0] =	vst.idx.msk $0xffff, v1  }
0x52c: {  	[tilespmem:v10+s19+$0x0] =	vst.idx.msk $0xffff, v1  }
0x52d: {  	s0 =	simm.s32 @!p0 $0x5;
	[tilespmem:v9+s19+$0x0] =	vst.idx.msk $0xffff, v1;
	v9 =	vpop (erf)  }
0x52e: {  	_ =	swait.ge @!p0 [sflag:s0], $0x4000  }
0x52f: {  	[sflag:s0] =	ssyncset.done @!p0 $0x0  }
0x530: {  	s31 =	simm.s32 $0xA080;
	[sflag:s0] =	ssyncadd.s32 @!p0 $0xFFFFC000  }
0x531: {  	v6 =	vld [tilespmem:s31+$0x70]  }
0x532: {  	v4 =	vmul.f32 $1.600000000e+01, v4;
	v7 =	vld [tilespmem:s31+$0xFFFFFF90]  }
0x533: {  	v8 =	vld [tilespmem:s31+$0xFFFFFFA0]  }
0x534: {  	v5 =	vmul.f32 v9, v4;
	v4 =	vld [tilespmem:s31+$0xFFFFFFB0]  }
0x535: {  	v10 =	vld [tilespmem:s31+$0xFFFFFFC0]  }
0x536: {  	v11 =	vld [tilespmem:s31+$0xFFFFFFD0];
	v6 =	vmul.f32 v6, v5  }
0x537: {  	s0 =	simm.s32 $0x14080;
	v12 =	vld [tilespmem:s31+$0xFFFFFFE0];
	v7 =	vmul.f32 v7, v5  }
0x538: {  	v13 =	vld [tilespmem:s31+$0xFFFFFFF0];
	v8 =	vmul.f32 v8, v5;
	[tilespmem:s0+$0x70] =	vst v6  }
0x539: {  	v14 =	vld [tilespmem:s31+$0x0];
	v4 =	vmul.f32 v4, v5;
	[tilespmem:s0+$0xFFFFFF90] =	vst v7  }
0x53a: {  	[tilespmem:s0+$0xFFFFFFA0] =	vst v8;
	v6 =	vmul.f32 v10, v5;
	v10 =	vld [tilespmem:s31+$0x10]  }
0x53b: {  	v15 =	vld [tilespmem:s31+$0x20];
	[tilespmem:s0+$0xFFFFFFB0] =	vst v4;
	v4 =	vmul.f32 v11, v5  }
0x53c: {  	v8 =	vmul.f32 v12, v5;
	[tilespmem:s0+$0xFFFFFFC0] =	vst v6;
	v6 =	vld [tilespmem:s31+$0x30]  }
0x53d: {  	v11 =	vmul.f32 v13, v5;
	v7 =	vld [tilespmem:s31+$0x40];
	[tilespmem:s0+$0xFFFFFFD0] =	vst v4  }
0x53e: {  	v12 =	vmul.f32 v14, v5;
	[tilespmem:s0+$0xFFFFFFE0] =	vst v8;
	v8 =	vld [tilespmem:s31+$0x50]  }
0x53f: {  	v4 =	vmul.f32 $1.600000000e+01, v9;
	[tilespmem:s0+$0xFFFFFFF0] =	vst v11;
	v9 =	vld [tilespmem:s31+$0x60];
	v11 =	vmul.f32 v10, v5  }
0x540: {  	s2 =	simm.s32 $0x0;
	s3 =	simm.s32 $0xA180;
	[tilespmem:s0+$0x0] =	vst v12;
	v12 =	vmul.f32 v15, v5;
	v10 =	vld [tilespmem:s31+$0xFFFFFF80]  }
.LBB2_29:
0x541: {  	v13 =	vld [tilespmem:s3+$0x70];
	s2 =	sadd.s32 $0x100, s2;
	[tilespmem:s0+$0x10] =	vst v11;
	v6 =	vmul.f32 v6, v5  }
0x542: {  	v11 =	vld [tilespmem:s3+$0xFFFFFF90];
	p0 =	slt.u32 s2, $0x3F00;
	[tilespmem:s0+$0x20] =	vst v12;
	v7 =	vmul.f32 v7, v5  }
0x543: {  	v12 =	vld [tilespmem:s3+$0xFFFFFFA0];
	[tilespmem:s0+$0x30] =	vst v6;
	v6 =	vmul.f32 v8, v5  }
0x544: {  	v8 =	vld [tilespmem:s3+$0xFFFFFFB0];
	[tilespmem:s0+$0x40] =	vst v7;
	v7 =	vmul.f32 v9, v5  }
0x545: {  	v9 =	vld [tilespmem:s3+$0xFFFFFFC0];
	v10 =	vmul.f32 v10, v5;
	[tilespmem:s0+$0x50] =	vst v6  }
0x546: {  	v6 =	vld [tilespmem:s3+$0xFFFFFFD0];
	v13 =	vmul.f32 v13, v5;
	[tilespmem:s0+$0x60] =	vst v7  }
0x547: {  	v7 =	vmul.f32 v11, v5;
	v11 =	vld [tilespmem:s3+$0xFFFFFFE0];
	[tilespmem:s0+$0xFFFFFF80] =	vst v10;
	s0 =	sadd.s32 $0x100, s0  }
0x548: {  	s1 =	simm.s32 $0xF880;
	s4 =	simm.s32 $0xE880;
	v10 =	vmul.f32 v12, v5;
	v12 =	vld [tilespmem:s3+$0xFFFFFFF0];
	[tilespmem:s0+$0x70] =	vst v13  }
0x549: {  	[tilespmem:s0+$0xFFFFFF90] =	vst v7;
	v7 =	vmul.f32 v8, v5;
	v8 =	vld [tilespmem:s3+$0x0]  }
0x54a: {  	[tilespmem:s0+$0xFFFFFFA0] =	vst v10;
	v9 =	vmul.f32 v9, v5;
	v10 =	vld [tilespmem:s3+$0x10]  }
0x54b: {  	[tilespmem:s0+$0xFFFFFFB0] =	vst v7;
	v7 =	vmul.f32 v6, v5;
	v13 =	vld [tilespmem:s3+$0x20]  }
.Ltmp13:
0x54c: {  	[tilespmem:s0+$0xFFFFFFC0] =	vst v9;
	v9 =	vmul.f32 v11, v5;
	v6 =	vld [tilespmem:s3+$0x30];
	(pc) =	sbr.rel @p0 .LBB2_29-.Ltmp13, $4  }
0x54d: {  	[tilespmem:s0+$0xFFFFFFD0] =	vst v7;
	v11 =	vmul.f32 v12, v5;
	v7 =	vld [tilespmem:s3+$0x40]  }
0x54e: {  	[tilespmem:s0+$0xFFFFFFE0] =	vst v9;
	v12 =	vmul.f32 v8, v5;
	v8 =	vld [tilespmem:s3+$0x50]  }
0x54f: {  	[tilespmem:s0+$0xFFFFFFF0] =	vst v11;
	v11 =	vmul.f32 v10, v5;
	v9 =	vld [tilespmem:s3+$0x60]  }
0x550: {  	v10 =	vld [tilespmem:s3+$0xFFFFFF80];
	[tilespmem:s0+$0x0] =	vst v12;
	v12 =	vmul.f32 v13, v5;
	s3 =	sadd.s32 $0x100, s3  }
0x551: {  	[tilespmem:s0+$0x10] =	vst v11;
	v6 =	vmul.f32 v6, v5  }
0x552: {  	[tilespmem:s0+$0x20] =	vst v12;
	v7 =	vmul.f32 v7, v5  }
0x553: {  	[tilespmem:s0+$0x30] =	vst v6;
	v6 =	vmul.f32 v8, v5  }
0x554: {  	[tilespmem:s0+$0x40] =	vst v7;
	v7 =	vmul.f32 v9, v5  }
0x555: {  	v5 =	vmul.f32 v10, v5;
	[tilespmem:s0+$0x50] =	vst v6  }
0x556: {  	[tilespmem:s0+$0x60] =	vst v7  }
0x557: {  	[tilespmem:s0+$0xFFFFFF80] =	vst v5  }
0x558: {  	v19 =	vld [tilespmem:s4+$0x70]  }
0x559: {  	v20 =	vld [tilespmem:s4+$0xFFFFFF90]  }
0x55a: {  	v21 =	vld [tilespmem:s4+$0xFFFFFFA0]  }
0x55b: {  	v22 =	vld [tilespmem:s4+$0xFFFFFFB0]  }
0x55c: {  	v23 =	vld [tilespmem:s4+$0xFFFFFFC0]  }
0x55d: {  	v26 =	vld [tilespmem:s4+$0xFFFFFFD0]  }
0x55e: {  	v12 =	vld [tilespmem:s4+$0xFFFFFFE0]  }
0x55f: {  	v11 =	vld [tilespmem:s4+$0xFFFFFFF0]  }
0x560: {  	v25 =	vld [tilespmem:s1+$0x70]  }
0x561: {  	v13 =	vld [tilespmem:s4+$0x0]  }
0x562: {  	v10 =	vld [tilespmem:s4+$0x10]  }
0x563: {  	v9 =	vld [tilespmem:s4+$0x20]  }
0x564: {  	v8 =	vld [tilespmem:s4+$0x30]  }
0x565: {  	v7 =	vld [tilespmem:s4+$0x40]  }
0x566: {  	v6 =	vld [tilespmem:s4+$0x50]  }
0x567: {  	v5 =	vld [tilespmem:s4+$0x60]  }
0x568: {  	v27 =	vld [tilespmem:s4+$0xFFFFFF80]  }
0x569: {  	v38 =	vld [tilespmem:s1+$0xFFFFFF80]  }
0x56a: {  	v39 =	vld [tilespmem:s1+$0xFFFFFF90]  }
0x56b: {  	v40 =	vld [tilespmem:s1+$0xFFFFFFA0]  }
0x56c: {  	v41 =	vld [tilespmem:s1+$0xFFFFFFB0]  }
0x56d: {  	v59 =	vld [tilespmem:s1+$0xFFFFFFD0]  }
0x56e: {  	v60 =	vld [tilespmem:s1+$0xFFFFFFE0]  }
0x56f: {  	v61 =	vld [tilespmem:s1+$0xFFFFFFF0]  }
0x570: {  	v24 =	vld.idx.msk [tilespmem:v19+s18+$0x0], $0xffff  }
0x571: {  	v28 =	vld.idx.msk [tilespmem:v20+s18+$0x0], $0xffff  }
0x572: {  	v29 =	vld.idx.msk [tilespmem:v21+s18+$0x0], $0xffff  }
0x573: {  	v30 =	vld.idx.msk [tilespmem:v22+s18+$0x0], $0xffff  }
0x574: {  	v31 =	vld.idx.msk [tilespmem:v23+s18+$0x0], $0xffff  }
0x575: {  	v32 =	vld.idx.msk [tilespmem:v26+s18+$0x0], $0xffff  }
0x576: {  	v33 =	vld.idx.msk [tilespmem:v12+s18+$0x0], $0xffff  }
0x577: {  	v34 =	vld.idx.msk [tilespmem:v11+s18+$0x0], $0xffff  }
0x578: {  	v35 =	vld.idx.msk [tilespmem:v27+s18+$0x0], $0xffff  }
0x579: {  	v36 =	vld.idx.msk [tilespmem:v13+s18+$0x0], $0xffff  }
0x57a: {  	v37 =	vld.idx.msk [tilespmem:v10+s18+$0x0], $0xffff  }
0x57b: {  	v18 =	vld.idx.msk [tilespmem:v9+s18+$0x0], $0xffff  }
0x57c: {  	v17 =	vld.idx.msk [tilespmem:v8+s18+$0x0], $0xffff  }
0x57d: {  	v24 =	vmul.f32 v25, v24;
	v25 =	vld [tilespmem:s1+$0xFFFFFFC0]  }
0x57e: {  	v16 =	vld.idx.msk [tilespmem:v7+s18+$0x0], $0xffff;
	v35 =	vmul.f32 v38, v35  }
0x57f: {  	v15 =	vld.idx.msk [tilespmem:v6+s18+$0x0], $0xffff;
	v28 =	vmul.f32 v39, v28;
	v24 =	vmul.f32 v24, v4  }
0x580: {  	v14 =	vld.idx.msk [tilespmem:v5+s18+$0x0], $0xffff;
	v29 =	vmul.f32 v40, v29;
	v35 =	vmul.f32 v35, v4  }
0x581: {  	[tilespmem:v19+s23+$0x0] =	vst.idx.msk $0xffff, v24;
	v19 =	vmul.f32 v28, v4;
	v24 =	vmul.f32 v41, v30;
	v28 =	vld [tilespmem:s1+$0x0]  }
0x582: {  	[tilespmem:v27+s23+$0x0] =	vst.idx.msk $0xffff, v35;
	v27 =	vmul.f32 v29, v4;
	v29 =	vld [tilespmem:s1+$0x10];
	v25 =	vmul.f32 v25, v31  }
0x583: {  	v62 =	vmul.f32 v59, v32;
	[tilespmem:v20+s23+$0x0] =	vst.idx.msk $0xffff, v19;
	v24 =	vmul.f32 v24, v4;
	v19 =	vld [tilespmem:s1+$0x20]  }
0x584: {  	[tilespmem:v21+s23+$0x0] =	vst.idx.msk $0xffff, v27;
	v27 =	vmul.f32 v60, v33;
	v20 =	vld [tilespmem:s1+$0x30];
	v25 =	vmul.f32 v25, v4  }
0x585: {  	v63 =	vmul.f32 v61, v34;
	v30 =	vmul.f32 v62, v4;
	v21 =	vld [tilespmem:s1+$0x40];
	[tilespmem:v22+s23+$0x0] =	vst.idx.msk $0xffff, v24  }
0x586: {  	v24 =	vmul.f32 v27, v4;
	v22 =	vld [tilespmem:s1+$0x50];
	[tilespmem:v23+s23+$0x0] =	vst.idx.msk $0xffff, v25;
	v25 =	vmul.f32 v28, v36  }
0x587: {  	s2 =	simm.s32 $0xE980;
	s0 =	simm.s32 $0x0;
	[tilespmem:v26+s23+$0x0] =	vst.idx.msk $0xffff, v30;
	v26 =	vmul.f32 v63, v4;
	v27 =	vmul.f32 v29, v37;
	v23 =	vld [tilespmem:s1+$0x60]  }
.LBB2_31:
0x588: {  	v28 =	vld [tilespmem:s2+$0x70];
	s0 =	sadd.s32 $0x100, s0;
	[tilespmem:v12+s23+$0x0] =	vst.idx.msk $0xffff, v24;
	v12 =	vmul.f32 v25, v4;
	v18 =	vmul.f32 v19, v18  }
0x589: {  	v19 =	vld [tilespmem:s2+$0xFFFFFF90];
	p0 =	slt.u32 s0, $0x700;
	[tilespmem:v11+s23+$0x0] =	vst.idx.msk $0xffff, v26;
	v11 =	vmul.f32 v27, v4;
	v17 =	vmul.f32 v20, v17  }
0x58a: {  	v20 =	vld [tilespmem:s2+$0xFFFFFFA0];
	[tilespmem:v13+s23+$0x0] =	vst.idx.msk $0xffff, v12;
	v12 =	vmul.f32 v18, v4;
	v13 =	vmul.f32 v21, v16  }
0x58b: {  	v21 =	vld [tilespmem:s2+$0xFFFFFFB0];
	[tilespmem:v10+s23+$0x0] =	vst.idx.msk $0xffff, v11;
	v10 =	vmul.f32 v17, v4;
	v11 =	vmul.f32 v22, v15  }
0x58c: {  	v22 =	vld [tilespmem:s2+$0xFFFFFFC0];
	[tilespmem:v9+s23+$0x0] =	vst.idx.msk $0xffff, v12;
	v9 =	vmul.f32 v13, v4;
	v13 =	vmul.f32 v23, v14  }
0x58d: {  	v23 =	vld [tilespmem:s2+$0xFFFFFFD0];
	[tilespmem:v8+s23+$0x0] =	vst.idx.msk $0xffff, v10;
	v8 =	vmul.f32 v11, v4  }
0x58e: {  	v12 =	vld [tilespmem:s2+$0xFFFFFFE0];
	[tilespmem:v7+s23+$0x0] =	vst.idx.msk $0xffff, v9;
	v7 =	vmul.f32 v13, v4  }
0x58f: {  	v11 =	vld [tilespmem:s2+$0xFFFFFFF0];
	[tilespmem:v6+s23+$0x0] =	vst.idx.msk $0xffff, v8  }
0x590: {  	s1 =	sadd.s32 $0x100, s1;
	v6 =	vld.idx.msk [tilespmem:v28+s18+$0x0], $0xffff;
	[tilespmem:v5+s23+$0x0] =	vst.idx.msk $0xffff, v7  }
0x591: {  	v5 =	vld [tilespmem:s1+$0x70]  }
0x592: {  	v13 =	vld [tilespmem:s2+$0x0]  }
0x593: {  	v10 =	vld [tilespmem:s2+$0x10]  }
0x594: {  	v9 =	vld [tilespmem:s2+$0x20]  }
0x595: {  	v8 =	vld [tilespmem:s2+$0x30]  }
0x596: {  	v7 =	vld [tilespmem:s2+$0x40];
	v14 =	vmul.f32 v5, v6  }
0x597: {  	v6 =	vld [tilespmem:s2+$0x50]  }
0x598: {  	v5 =	vld [tilespmem:s2+$0x60];
	v14 =	vmul.f32 v14, v4  }
0x599: {  	v24 =	vld [tilespmem:s2+$0xFFFFFF80]  }
0x59a: {  	v25 =	vld.idx.msk [tilespmem:v19+s18+$0x0], $0xffff;
	[tilespmem:v28+s23+$0x0] =	vst.idx.msk $0xffff, v14  }
0x59b: {  	v26 =	vld.idx.msk [tilespmem:v20+s18+$0x0], $0xffff  }
0x59c: {  	v27 =	vld.idx.msk [tilespmem:v21+s18+$0x0], $0xffff  }
0x59d: {  	v28 =	vld.idx.msk [tilespmem:v22+s18+$0x0], $0xffff  }
0x59e: {  	v29 =	vld.idx.msk [tilespmem:v23+s18+$0x0], $0xffff  }
0x59f: {  	v30 =	vld.idx.msk [tilespmem:v12+s18+$0x0], $0xffff  }
0x5a0: {  	v31 =	vld.idx.msk [tilespmem:v11+s18+$0x0], $0xffff  }
0x5a1: {  	v32 =	vld.idx.msk [tilespmem:v24+s18+$0x0], $0xffff  }
0x5a2: {  	v33 =	vld.idx.msk [tilespmem:v13+s18+$0x0], $0xffff  }
0x5a3: {  	v34 =	vld.idx.msk [tilespmem:v10+s18+$0x0], $0xffff  }
0x5a4: {  	v18 =	vld.idx.msk [tilespmem:v9+s18+$0x0], $0xffff  }
0x5a5: {  	v17 =	vld.idx.msk [tilespmem:v8+s18+$0x0], $0xffff  }
0x5a6: {  	v16 =	vld.idx.msk [tilespmem:v7+s18+$0x0], $0xffff  }
0x5a7: {  	v15 =	vld.idx.msk [tilespmem:v6+s18+$0x0], $0xffff  }
0x5a8: {  	v14 =	vld.idx.msk [tilespmem:v5+s18+$0x0], $0xffff  }
0x5a9: {  	v35 =	vld [tilespmem:s1+$0xFFFFFF80]  }
0x5aa: {  	v36 =	vld [tilespmem:s1+$0xFFFFFF90]  }
0x5ab: {  	v37 =	vld [tilespmem:s1+$0xFFFFFFA0]  }
0x5ac: {  	v38 =	vld [tilespmem:s1+$0xFFFFFFB0]  }
0x5ad: {  	v39 =	vld [tilespmem:s1+$0xFFFFFFC0]  }
0x5ae: {  	v32 =	vmul.f32 v35, v32;
	v35 =	vld [tilespmem:s1+$0xFFFFFFD0]  }
0x5af: {  	v25 =	vmul.f32 v36, v25;
	v36 =	vld [tilespmem:s1+$0xFFFFFFE0]  }
0x5b0: {  	v32 =	vmul.f32 v32, v4;
	v26 =	vmul.f32 v37, v26;
	v37 =	vld [tilespmem:s1+$0xFFFFFFF0]  }
0x5b1: {  	v25 =	vmul.f32 v25, v4;
	v27 =	vmul.f32 v38, v27;
	v38 =	vld [tilespmem:s1+$0x0]  }
0x5b2: {  	[tilespmem:v24+s23+$0x0] =	vst.idx.msk $0xffff, v32;
	v24 =	vmul.f32 v26, v4;
	v26 =	vmul.f32 v39, v28;
	v28 =	vld [tilespmem:s1+$0x10]  }
.Ltmp14:
0x5b3: {  	[tilespmem:v19+s23+$0x0] =	vst.idx.msk $0xffff, v25;
	v25 =	vmul.f32 v27, v4;
	v27 =	vmul.f32 v35, v29;
	v19 =	vld [tilespmem:s1+$0x20];
	(pc) =	sbr.rel @p0 .LBB2_31-.Ltmp14, $4  }
0x5b4: {  	[tilespmem:v20+s23+$0x0] =	vst.idx.msk $0xffff, v24;
	v24 =	vmul.f32 v26, v4;
	v26 =	vmul.f32 v36, v30;
	v20 =	vld [tilespmem:s1+$0x30]  }
0x5b5: {  	[tilespmem:v21+s23+$0x0] =	vst.idx.msk $0xffff, v25;
	v27 =	vmul.f32 v27, v4;
	v29 =	vmul.f32 v37, v31;
	v21 =	vld [tilespmem:s1+$0x40]  }
0x5b6: {  	[tilespmem:v22+s23+$0x0] =	vst.idx.msk $0xffff, v24;
	v24 =	vmul.f32 v26, v4;
	v25 =	vmul.f32 v38, v33;
	v22 =	vld [tilespmem:s1+$0x50]  }
0x5b7: {  	s2 =	sadd.s32 $0x100, s2;
	[tilespmem:v23+s23+$0x0] =	vst.idx.msk $0xffff, v27;
	v26 =	vmul.f32 v29, v4;
	v27 =	vmul.f32 v28, v34;
	v23 =	vld [tilespmem:s1+$0x60]  }
0x5b8: {  	_ =	sdelay $0x3  }
0x5b9: {  	[tilespmem:v12+s23+$0x0] =	vst.idx.msk $0xffff, v24;
	v55 =	vmul.f32 v25, v4;
	v18 =	vmul.f32 v19, v18  }
0x5ba: {  	[tilespmem:v11+s23+$0x0] =	vst.idx.msk $0xffff, v26;
	v56 =	vmul.f32 v27, v4;
	v17 =	vmul.f32 v20, v17  }
0x5bb: {  	[tilespmem:v13+s23+$0x0] =	vst.idx.msk $0xffff, v55;
	v57 =	vmul.f32 v18, v4;
	v58 =	vmul.f32 v21, v16  }
0x5bc: {  	s29 =	sadd.s32 $0x1, s29;
	[tilespmem:v10+s23+$0x0] =	vst.idx.msk $0xffff, v56;
	v59 =	vmul.f32 v17, v4;
	v60 =	vmul.f32 v22, v15  }
0x5bd: {  	p0 =	sne.s32 s29, $0x10;
	[tilespmem:v9+s23+$0x0] =	vst.idx.msk $0xffff, v57;
	v61 =	vmul.f32 v58, v4;
	v62 =	vmul.f32 v23, v14  }
.Ltmp15:
0x5be: {  	[tilespmem:v8+s23+$0x0] =	vst.idx.msk $0xffff, v59;
	v63 =	vmul.f32 v60, v4;
	(pc) =	sbr.rel @p0 .LBB2_8-.Ltmp15, $4  }
0x5bf: {  	[tilespmem:v7+s23+$0x0] =	vst.idx.msk $0xffff, v61;
	v4 =	vmul.f32 v62, v4  }
0x5c0: {  	[tilespmem:v6+s23+$0x0] =	vst.idx.msk $0xffff, v63  }
0x5c1: {  	s0 =	sadd.s32 s17, s30;
	s28 =	sadd.s32 $0x1, s28;
	s26 =	sadd.s32 $0x2, s26;
	[tilespmem:v5+s23+$0x0] =	vst.idx.msk $0xffff, v4  }
0x5c2: {  	[hbm4b:s0+s14] =	stream.strided.scatter [tilespmem:s23], [sflag:$0x5], $0x4000, s15, s14, $0x38;
	[tilespmem:$0x1C880] =	vst v63  }
0x5c3: {  	s6 =	simm.s32 $0x4  }
0x5c4: {  	_ =	swait.ge [sflag:s6], $0x4000  }
0x5c5: {  	[sflag:s6] =	ssyncset.done $0x0  }
0x5c6: {  	s1 =	simm.s32 $0x5;
	[sflag:s6] =	ssyncadd.s32 $0xFFFFC000  }
0x5c7: {  	_ =	swait.ge [sflag:s1], $0x4000  }
0x5c8: {  	s2 =	rddreg [dreg:$0xc]  }
0x5c9: {  	s0 =	rddreg [dreg:$0xb];
	s2 =	sadd.s32 $0x1, s2  }
0x5ca: {  	p0 =	sne.s32 s2, s0  }
.Ltmp16:
0x5cb: {  	_ = 	snop;
	(pc) =	sbr.rel @p0 .LBB2_1-.Ltmp16, $3  }
0x5cc: {  	_ =	sdelay $0x1  }
0x5cd: {  	[sflag:s1] =	ssyncset.done $0x0  }
0x5ce: {  	[sflag:s1] =	ssyncadd.s32 $0xFFFFC000  }
0x5cf: {  	_ =	sfence.sel $0x180000  }
0x5d0: {  	[bflag:$0x0] =	sbarrier.arrive $0xFFFF  }
0x5d1: {  	_ =	strace $0x90000047  }
0x5d2: {  	s0 =	stileid.u32;
	[bflag:$0x2] =	sbarrier.arrive $0xFFFF  }
0x5d3: {  	p0 =	sne.s32 s0, $0x0;
	s0 =	rddreg [dreg:$0x5]  }
0x5d4: {  	s0 =	sadd.s32 @!p0 $0x100000, s0  }
0x5d5: {  	[sflag:s0] =	ssyncadd.tile.s32 @!p0 $0x1;
	_ =	shalt  }
.Lfunc_end2:
_tile_overlayer_lowered:
.L_overlay_start_2:
0x5d6: {  	(tag) =	ssettag $0x2  }
0x5d7: {  	s0 =	rddreg [dreg:$0x0];
	s2 =	stileid.u32  }
0x5d8: {  	s1 =	rddreg [dreg:$0x1];
	p0 =	sne.s32 s2, $0x0  }
0x5d9: {  	s3 =	rddreg [dreg:$0x2];
	[bflag:$0x3] =	sbarrier.arrive $0xFFFF;
	s2 =	simm.s32 @!p0 $0x1C06  }
0x5da: {  	[timem:s3], [sflag:s2] =	dma.local @!p0 [hbm:s0], s1  }
0x5db: {  	s0 =	simm.s32 @!p0 $0x6  }
0x5dc: {  	_ =	swait.ge @!p0 [sflag:s0], s1  }
0x5dd: {  	s1 =	ssub.s32 @!p0 $0x0, s1;
	[sflag:s0] =	ssyncset.done @!p0 $0x0  }
0x5de: {  	[sflag:s0] =	ssyncadd.s32 @!p0 s1  }
0x5df: {  	[bflag:$0x3] =	sbarrier.arrive $0xFFFF  }
0x5e0: {  	_ =	shalt  }

</sc_bundles>
